<compile_context>
chip_gen: v7x
topology: tpu7x:2x2x1
jax: 0.10.2.dev20260603
libtpu: 0.0.44.dev20260713+nightly
codegen_flags: <defaults>
</compile_context>

<pallas_src>
import functools

import jax
import jax.numpy as jnp
from jax import lax
from jax.experimental import pallas as pl
from jax.experimental.pallas import tpu as pltpu
from jax.experimental.pallas import tpu_sc as plsc

N = 10000
D = 128
E = 320000
NC = 2
NS = 16
EPT = E // (NC * NS)
K = 80
NCHUNK = EPT // K
NROWS = 10240
ROWS_PER_TILE = NROWS // NS
NPAD = 10240
DEG_STRIPE = NPAD // NS

_mesh = plsc.VectorSubcoreMesh(core_axis_name="c", subcore_axis_name="s")


@functools.partial(
    pl.kernel,
    out_type=jax.ShapeDtypeStruct((NC, NPAD), jnp.float32),
    mesh=_mesh,
    compiler_params=pltpu.CompilerParams(needs_layout_passes=False),
    scratch_types=[
        pltpu.VMEM((NPAD,), jnp.float32),
        pltpu.VMEM((EPT,), jnp.int32),
        pltpu.VMEM((NS, DEG_STRIPE), jnp.float32),
        pltpu.VMEM((DEG_STRIPE,), jnp.float32),
        pltpu.VMEM_SHARED((NS, NPAD), jnp.float32),
        pltpu.SemaphoreType.DMA,
    ],
)
def _deg_kernel(dst_hbm, out_hbm, pdeg, didx, sbuf, obuf, shared_deg, dsem):
    cid = lax.axis_index("c")
    sid = lax.axis_index("s")
    tid = cid * NS + sid

    pltpu.async_copy(dst_hbm.at[pl.ds(tid * EPT, EPT)], didx, dsem)
    zero16 = jnp.zeros((16,), jnp.float32)

    @pl.loop(0, NPAD // 16, unroll=8)
    def _(r):
        pdeg[pl.ds(r * 16, 16)] = zero16

    pltpu.make_async_copy(dst_hbm.at[pl.ds(tid * EPT, EPT)], didx, dsem).wait()
    ones16 = jnp.ones((16,), jnp.float32)

    @pl.loop(0, EPT // 16, unroll=8)
    def _(j):
        idx16 = didx[pl.ds(j * 16, 16)]
        plsc.addupdate_scatter(pdeg, [idx16], ones16)

    pltpu.sync_copy(pdeg, shared_deg.at[sid])
    plsc.subcore_barrier()
    pltpu.sync_copy(shared_deg.at[:, pl.ds(sid * DEG_STRIPE, DEG_STRIPE)], sbuf)

    @pl.loop(0, DEG_STRIPE // 16, unroll=4)
    def _(c):
        acc16 = sbuf[0, pl.ds(c * 16, 16)]
        for w in range(1, NS):
            acc16 += sbuf[w, pl.ds(c * 16, 16)]
        obuf[pl.ds(c * 16, 16)] = acc16

    pltpu.sync_copy(obuf, out_hbm.at[cid, pl.ds(sid * DEG_STRIPE, DEG_STRIPE)])


@functools.partial(
    pl.kernel,
    out_type=jax.ShapeDtypeStruct((NC, NROWS, D), jnp.float32),
    mesh=_mesh,
    compiler_params=pltpu.CompilerParams(needs_layout_passes=False),
    scratch_types=[
        pltpu.VMEM((EPT,), jnp.int32),
        pltpu.VMEM((K,), jnp.int32),
        pltpu.VMEM((K,), jnp.int32),
        pltpu.VMEM((K, D), jnp.float32),
        pltpu.VMEM((K, D), jnp.float32),
        pltpu.VMEM_SHARED((NROWS, D), jnp.float32),
        pltpu.SemaphoreType.DMA,
        pltpu.SemaphoreType.DMA,
        pltpu.SemaphoreType.DMA,
        pltpu.SemaphoreType.DMA,
    ],
)
def _prop_kernel(g_hbm, src_hbm, dst_hbm, out_hbm,
                 sidx, didx0, didx1, rows0, rows1, acc,
                 gsem0, gsem1, dsem0, dsem1):
    cid = lax.axis_index("c")
    sid = lax.axis_index("s")
    tid = cid * NS + sid
    base = pl.multiple_of(tid * EPT, 8)

    zero16 = jnp.zeros((16,), jnp.float32)

    @pl.loop(0, K, unroll=4)
    def _(r):
        for cc in range(D // 16):
            rows0[r, pl.ds(cc * 16, 16)] = zero16

    for j in range(ROWS_PER_TILE // K):
        pltpu.sync_copy(rows0, acc.at[pl.ds(sid * ROWS_PER_TILE + j * K, K)])
    pltpu.sync_copy(src_hbm.at[pl.ds(base, EPT)], sidx)
    pltpu.async_copy(dst_hbm.at[pl.ds(base, K)], didx0, dsem0)
    pltpu.async_copy(g_hbm.at[sidx.at[pl.ds(0, K)]], rows0, gsem0)
    plsc.subcore_barrier()

    @pl.loop(0, NCHUNK // 2)
    def _(i):
        c = i * 2
        o1 = pl.multiple_of((c + 1) * K, 8)
        o2 = pl.multiple_of((c + 2) * K, 8)
        pltpu.async_copy(dst_hbm.at[pl.ds(base + o1, K)], didx1, dsem1)
        pltpu.async_copy(g_hbm.at[sidx.at[pl.ds(o1, K)]], rows1, gsem1)
        pltpu.make_async_copy(g_hbm.at[sidx.at[pl.ds(0, K)]], rows0, gsem0).wait()
        pltpu.make_async_copy(dst_hbm.at[pl.ds(base, K)], didx0, dsem0).wait()
        pltpu.sync_copy(rows0, acc.at[didx0], add=True)
        pltpu.async_copy(dst_hbm.at[pl.ds(base + o2, K)], didx0, dsem0)
        pltpu.async_copy(g_hbm.at[sidx.at[pl.ds(o2, K)]], rows0, gsem0)
        pltpu.make_async_copy(g_hbm.at[sidx.at[pl.ds(0, K)]], rows1, gsem1).wait()
        pltpu.make_async_copy(dst_hbm.at[pl.ds(base, K)], didx1, dsem1).wait()
        pltpu.sync_copy(rows1, acc.at[didx1], add=True)

    pltpu.make_async_copy(g_hbm.at[sidx.at[pl.ds(0, K)]], rows0, gsem0).wait()
    pltpu.make_async_copy(dst_hbm.at[pl.ds(base, K)], didx0, dsem0).wait()
    pltpu.sync_copy(rows0, acc.at[didx0], add=True)

    plsc.subcore_barrier()
    pltpu.sync_copy(acc.at[pl.ds(sid * ROWS_PER_TILE, ROWS_PER_TILE)],
                    out_hbm.at[cid, pl.ds(sid * ROWS_PER_TILE, ROWS_PER_TILE)])



BS = 5000
GR = N // BS


def _mm_scale_body(x_ref, w_ref, d0_ref, d1_ref, o_ref):
    dinv = lax.rsqrt(d0_ref[0] + d1_ref[0] + 1.0)
    h = jnp.dot(x_ref[...], w_ref[...], preferred_element_type=jnp.float32)
    o_ref[...] = dinv * h


def _mm_scale(x, w, degp):
    return pl.pallas_call(
        _mm_scale_body,
        grid=(GR,),
        in_specs=[
            pl.BlockSpec((BS, D), lambda i: (i, 0)),
            pl.BlockSpec((D, D), lambda i: (0, 0)),
            pl.BlockSpec((1, BS, 1), lambda i: (0, i, 0)),
            pl.BlockSpec((1, BS, 1), lambda i: (1, i, 0)),
        ],
        out_specs=pl.BlockSpec((BS, D), lambda i: (i, 0)),
        out_shape=jax.ShapeDtypeStruct((N, D), jnp.float32),
    )(x, w, degp, degp)


def _layer2_body(p0_ref, p1_ref, g_ref, d0_ref, d1_ref, b_ref, w_ref, o_ref):
    dinv = lax.rsqrt(d0_ref[0] + d1_ref[0] + 1.0)
    z = dinv * (p0_ref[0] + p1_ref[0] + g_ref[...]) + b_ref[...]
    z = jnp.maximum(z, 0.0)
    h = jnp.dot(z, w_ref[...], preferred_element_type=jnp.float32)
    o_ref[...] = dinv * h


def _layer2(p, g, degp, b, w):
    return pl.pallas_call(
        _layer2_body,
        grid=(GR,),
        in_specs=[
            pl.BlockSpec((1, BS, D), lambda i: (0, i, 0)),
            pl.BlockSpec((1, BS, D), lambda i: (1, i, 0)),
            pl.BlockSpec((BS, D), lambda i: (i, 0)),
            pl.BlockSpec((1, BS, 1), lambda i: (0, i, 0)),
            pl.BlockSpec((1, BS, 1), lambda i: (1, i, 0)),
            pl.BlockSpec((1, D), lambda i: (0, 0)),
            pl.BlockSpec((D, D), lambda i: (0, 0)),
        ],
        out_specs=pl.BlockSpec((BS, D), lambda i: (i, 0)),
        out_shape=jax.ShapeDtypeStruct((N, D), jnp.float32),
    )(p, p, g, degp, degp, b, w)


def _final_body(p0_ref, p1_ref, g_ref, d0_ref, d1_ref, b_ref, o_ref):
    dinv = lax.rsqrt(d0_ref[0] + d1_ref[0] + 1.0)
    z = dinv * (p0_ref[0] + p1_ref[0] + g_ref[...]) + b_ref[...]
    m = jnp.max(z, axis=1, keepdims=True)
    zc = z - m
    o_ref[...] = zc - jnp.log(jnp.sum(jnp.exp(zc), axis=1, keepdims=True))


def _final(p, g, degp, b):
    return pl.pallas_call(
        _final_body,
        grid=(GR,),
        in_specs=[
            pl.BlockSpec((1, BS, D), lambda i: (0, i, 0)),
            pl.BlockSpec((1, BS, D), lambda i: (1, i, 0)),
            pl.BlockSpec((BS, D), lambda i: (i, 0)),
            pl.BlockSpec((1, BS, 1), lambda i: (0, i, 0)),
            pl.BlockSpec((1, BS, 1), lambda i: (1, i, 0)),
            pl.BlockSpec((1, D), lambda i: (0, 0)),
        ],
        out_specs=pl.BlockSpec((BS, D), lambda i: (i, 0)),
        out_shape=jax.ShapeDtypeStruct((N, D), jnp.float32),
    )(p, p, g, degp, degp, b)


def kernel(x, adj, W1, b1, W2, b2):
    src = adj[0].astype(jnp.int32)
    dst = adj[1].astype(jnp.int32)
    degp = _deg_kernel(dst)
    deg3 = degp.reshape(NC, NPAD, 1)

    b1r = b1.reshape(1, D)
    b2r = b2.reshape(1, D)

    g1 = _mm_scale(x, W1, deg3)
    p = _prop_kernel(g1, src, dst)
    g2 = _layer2(p, g1, deg3, b1r, W2)
    q = _prop_kernel(g2, src, dst)
    return _final(q, g2, deg3, b2r)

# --- scband reference (transcript-rebuilt; emitter-appended) ---
"""Pipeline reference for scband-gcn-55722905699172 (READ-ONLY COPY).

The authoritative reference and input builder live on the scoring server;
editing this copy changes nothing except your own understanding.
"""

import jax, jax.numpy as jnp
import numpy as np

N_NODES = 10000
N_EDGES = 320000
D_IN = 128
D_HID = 128
D_OUT = 128


def setup_inputs(seed: int = 0) -> dict:
    key = jax.random.key(seed)
    k1, k2, k3, k4, k5, k6 = jax.random.split(key, 6)
    x = jax.random.normal(k1, (N_NODES, D_IN), dtype=jnp.float32)
    adj = jax.random.randint(k2, (2, N_EDGES), 0, N_NODES, dtype=jnp.int64)
    W1 = jax.random.normal(k3, (D_IN, D_HID), dtype=jnp.float32) * (1.0 / np.sqrt(D_IN))
    b1 = jnp.zeros((D_HID,), dtype=jnp.float32)
    W2 = jax.random.normal(k4, (D_HID, D_OUT), dtype=jnp.float32) * (1.0 / np.sqrt(D_HID))
    b2 = jnp.zeros((D_OUT,), dtype=jnp.float32)
    return {"x": x, "adj": adj, "W1": W1, "b1": b1, "W2": W2, "b2": b2}


def gcn_conv(x, edge_index, W, b, num_nodes):
    # x' = D^{-1/2} (A + I) D^{-1/2} X W + b  (PyG GCNConv semantics)
    h = x @ W
    src = edge_index[0]
    dst = edge_index[1]
    loop = jnp.arange(num_nodes, dtype=src.dtype)
    src = jnp.concatenate([src, loop])
    dst = jnp.concatenate([dst, loop])
    deg = jnp.zeros((num_nodes,), dtype=h.dtype).at[dst].add(1.0)
    dinv = jnp.where(deg > 0, jax.lax.rsqrt(deg), 0.0)
    norm = dinv[src] * dinv[dst]
    msg = h[src] * norm[:, None]
    out = jnp.zeros((num_nodes, h.shape[1]), dtype=h.dtype).at[dst].add(msg)
    return out + b


def reference(x, adj, W1, b1, W2, b2):
    n = x.shape[0]
    h = gcn_conv(x, adj, W1, b1, n)
    h = jax.nn.relu(h)
    h = gcn_conv(h, adj, W2, b2, n)
    return jax.nn.log_softmax(h, axis=1)

if __name__ == "__main__":
    import jax
    _d = setup_inputs()
    print(jax.jit(kernel)(*tuple(_d.values())))

</pallas_src>

<mosaic_0001>
#map = affine_map<(d0, d1) -> (0)>
#map1 = affine_map<(d0, d1) -> (0, 0)>
module attributes {stable_mosaic.version = 14 : i64} {
  func.func @_deg_kernel(%arg0: i32, %arg1: i32, %arg2: memref<320000xi32, #tpu.memory_space<hbm>>, %arg3: memref<2x10240xf32, #tpu.memory_space<hbm>>, %arg4: memref<10240xf32, #tpu.memory_space<vmem>>, %arg5: memref<10000xi32, #tpu.memory_space<vmem>>, %arg6: memref<16x640xf32, #tpu.memory_space<vmem>>, %arg7: memref<640xf32, #tpu.memory_space<vmem>>, %arg8: memref<16x10240xf32, #tpu.memory_space<vmem_shared>>, %arg9: memref<!tpu.dma_semaphore, #tpu.memory_space<semaphore_mem>>) attributes {dimension_semantics = [#tpu.dimension_semantics<core_parallel>, #tpu.dimension_semantics<subcore_parallel>], iteration_bounds = array<i64: 2, 16>, scalar_prefetch = 0 : i64, scratch_operands = 6 : i64, tpu.core_type = #tpu.core_type<sc_vector_subcore>, window_params = [{transform_indices = #map}, {transform_indices = #map1}]} {
    %mul3A = arith.constant 16 : i32
    %mul3A_0 = arith.muli %arg0, %mul3A : i32
    %add3A = arith.addi %mul3A_0, %arg1 : i32
    %mul3A_1 = arith.constant 10000 : i32
    %mul3A_2 = arith.muli %add3A, %mul3A_1 : i32
    %dma_start3A = tpu.memref_slice %arg2[%mul3A_2] : memref<320000xi32, #tpu.memory_space<hbm>> -> memref<10000xi32, #tpu.memory_space<hbm>>
    %dma_start3A_3 = tpu.memref_slice %arg2[%mul3A_2] : memref<320000xi32, #tpu.memory_space<hbm>> -> memref<10000xi32, #tpu.memory_space<hbm>>
    tpu.enqueue_dma source(%dma_start3A_3 : memref<10000xi32, #tpu.memory_space<hbm>>) target(%arg5 : memref<10000xi32, #tpu.memory_space<vmem>>) target_semaphore(%arg9 : memref<!tpu.dma_semaphore, #tpu.memory_space<semaphore_mem>>)
    %broadcast_in_dim3A = arith.constant 0.000000e+00 : f32
    %broadcast_in_dim3A_4 = vector.broadcast %broadcast_in_dim3A : f32 to vector<16xf32>
    %scan3A = arith.constant 0 : i32
    %scan3A_5 = arith.constant 640 : i32
    %scan3A_6 = arith.addi %scan3A, %scan3A_5 : i32
    %scan3A_7 = arith.constant 8 : i32
    scf.for %scan3A_37 = %scan3A to %scan3A_6 step %scan3A_7  : i32 {
      %mul3A_38 = arith.constant 1 : i32
      %mul3A_39 = arith.muli %scan3A_37, %mul3A_38 : i32
      %add3A_40 = arith.constant 0 : i32
      %add3A_41 = arith.addi %add3A_40, %mul3A_39 : i32
      %mul3A_42 = arith.constant 16 : i32
      %mul3A_43 = arith.muli %add3A_41, %mul3A_42 : i32
      %swap3A = arith.index_cast %mul3A_43 : i32 to index
      %swap3A_44 = tpu.vector_load %arg4[%swap3A] {strides = array<i32>} : memref<10240xf32, #tpu.memory_space<vmem>>, vector<16xf32>,
      tpu.vector_store %arg4[%swap3A], %broadcast_in_dim3A_4 {strides = array<i32>} : memref<10240xf32, #tpu.memory_space<vmem>>, vector<16xf32>,
      %scan3A_45 = arith.constant 1 : i32
      %scan3A_46 = arith.addi %scan3A_37, %scan3A_45 : i32
      %mul3A_47 = arith.constant 1 : i32
      %mul3A_48 = arith.muli %scan3A_46, %mul3A_47 : i32
      %add3A_49 = arith.constant 0 : i32
      %add3A_50 = arith.addi %add3A_49, %mul3A_48 : i32
      %mul3A_51 = arith.constant 16 : i32
      %mul3A_52 = arith.muli %add3A_50, %mul3A_51 : i32
      %swap3A_53 = arith.index_cast %mul3A_52 : i32 to index
      %swap3A_54 = tpu.vector_load %arg4[%swap3A_53] {strides = array<i32>} : memref<10240xf32, #tpu.memory_space<vmem>>, vector<16xf32>,
      tpu.vector_store %arg4[%swap3A_53], %broadcast_in_dim3A_4 {strides = array<i32>} : memref<10240xf32, #tpu.memory_space<vmem>>, vector<16xf32>,
      %scan3A_55 = arith.constant 2 : i32
      %scan3A_56 = arith.addi %scan3A_37, %scan3A_55 : i32
      %mul3A_57 = arith.constant 1 : i32
      %mul3A_58 = arith.muli %scan3A_56, %mul3A_57 : i32
      %add3A_59 = arith.constant 0 : i32
      %add3A_60 = arith.addi %add3A_59, %mul3A_58 : i32
      %mul3A_61 = arith.constant 16 : i32
      %mul3A_62 = arith.muli %add3A_60, %mul3A_61 : i32
      %swap3A_63 = arith.index_cast %mul3A_62 : i32 to index
      %swap3A_64 = tpu.vector_load %arg4[%swap3A_63] {strides = array<i32>} : memref<10240xf32, #tpu.memory_space<vmem>>, vector<16xf32>,
      tpu.vector_store %arg4[%swap3A_63], %broadcast_in_dim3A_4 {strides = array<i32>} : memref<10240xf32, #tpu.memory_space<vmem>>, vector<16xf32>,
      %scan3A_65 = arith.constant 3 : i32
      %scan3A_66 = arith.addi %scan3A_37, %scan3A_65 : i32
      %mul3A_67 = arith.constant 1 : i32
      %mul3A_68 = arith.muli %scan3A_66, %mul3A_67 : i32
      %add3A_69 = arith.constant 0 : i32
      %add3A_70 = arith.addi %add3A_69, %mul3A_68 : i32
      %mul3A_71 = arith.constant 16 : i32
      %mul3A_72 = arith.muli %add3A_70, %mul3A_71 : i32
      %swap3A_73 = arith.index_cast %mul3A_72 : i32 to index
      %swap3A_74 = tpu.vector_load %arg4[%swap3A_73] {strides = array<i32>} : memref<10240xf32, #tpu.memory_space<vmem>>, vector<16xf32>,
      tpu.vector_store %arg4[%swap3A_73], %broadcast_in_dim3A_4 {strides = array<i32>} : memref<10240xf32, #tpu.memory_space<vmem>>, vector<16xf32>,
      %scan3A_75 = arith.constant 4 : i32
      %scan3A_76 = arith.addi %scan3A_37, %scan3A_75 : i32
      %mul3A_77 = arith.constant 1 : i32
      %mul3A_78 = arith.muli %scan3A_76, %mul3A_77 : i32
      %add3A_79 = arith.constant 0 : i32
      %add3A_80 = arith.addi %add3A_79, %mul3A_78 : i32
      %mul3A_81 = arith.constant 16 : i32
      %mul3A_82 = arith.muli %add3A_80, %mul3A_81 : i32
      %swap3A_83 = arith.index_cast %mul3A_82 : i32 to index
      %swap3A_84 = tpu.vector_load %arg4[%swap3A_83] {strides = array<i32>} : memref<10240xf32, #tpu.memory_space<vmem>>, vector<16xf32>,
      tpu.vector_store %arg4[%swap3A_83], %broadcast_in_dim3A_4 {strides = array<i32>} : memref<10240xf32, #tpu.memory_space<vmem>>, vector<16xf32>,
      %scan3A_85 = arith.constant 5 : i32
      %scan3A_86 = arith.addi %scan3A_37, %scan3A_85 : i32
      %mul3A_87 = arith.constant 1 : i32
      %mul3A_88 = arith.muli %scan3A_86, %mul3A_87 : i32
      %add3A_89 = arith.constant 0 : i32
      %add3A_90 = arith.addi %add3A_89, %mul3A_88 : i32
      %mul3A_91 = arith.constant 16 : i32
      %mul3A_92 = arith.muli %add3A_90, %mul3A_91 : i32
      %swap3A_93 = arith.index_cast %mul3A_92 : i32 to index
      %swap3A_94 = tpu.vector_load %arg4[%swap3A_93] {strides = array<i32>} : memref<10240xf32, #tpu.memory_space<vmem>>, vector<16xf32>,
      tpu.vector_store %arg4[%swap3A_93], %broadcast_in_dim3A_4 {strides = array<i32>} : memref<10240xf32, #tpu.memory_space<vmem>>, vector<16xf32>,
      %scan3A_95 = arith.constant 6 : i32
      %scan3A_96 = arith.addi %scan3A_37, %scan3A_95 : i32
      %mul3A_97 = arith.constant 1 : i32
      %mul3A_98 = arith.muli %scan3A_96, %mul3A_97 : i32
      %add3A_99 = arith.constant 0 : i32
      %add3A_100 = arith.addi %add3A_99, %mul3A_98 : i32
      %mul3A_101 = arith.constant 16 : i32
      %mul3A_102 = arith.muli %add3A_100, %mul3A_101 : i32
      %swap3A_103 = arith.index_cast %mul3A_102 : i32 to index
      %swap3A_104 = tpu.vector_load %arg4[%swap3A_103] {strides = array<i32>} : memref<10240xf32, #tpu.memory_space<vmem>>, vector<16xf32>,
      tpu.vector_store %arg4[%swap3A_103], %broadcast_in_dim3A_4 {strides = array<i32>} : memref<10240xf32, #tpu.memory_space<vmem>>, vector<16xf32>,
      %scan3A_105 = arith.constant 7 : i32
      %scan3A_106 = arith.addi %scan3A_37, %scan3A_105 : i32
      %mul3A_107 = arith.constant 1 : i32
      %mul3A_108 = arith.muli %scan3A_106, %mul3A_107 : i32
      %add3A_109 = arith.constant 0 : i32
      %add3A_110 = arith.addi %add3A_109, %mul3A_108 : i32
      %mul3A_111 = arith.constant 16 : i32
      %mul3A_112 = arith.muli %add3A_110, %mul3A_111 : i32
      %swap3A_113 = arith.index_cast %mul3A_112 : i32 to index
      %swap3A_114 = tpu.vector_load %arg4[%swap3A_113] {strides = array<i32>} : memref<10240xf32, #tpu.memory_space<vmem>>, vector<16xf32>,
      tpu.vector_store %arg4[%swap3A_113], %broadcast_in_dim3A_4 {strides = array<i32>} : memref<10240xf32, #tpu.memory_space<vmem>>, vector<16xf32>,
    }
    %scan3A_8 = arith.constant 640 : i32
    %mul3A_9 = arith.constant 10000 : i32
    %mul3A_10 = arith.muli %add3A, %mul3A_9 : i32
    %dma_wait3A = tpu.memref_slice %arg2[%mul3A_10] : memref<320000xi32, #tpu.memory_space<hbm>> -> memref<10000xi32, #tpu.memory_space<hbm>>
    %dma_wait3A_11 = tpu.memref_slice %arg2[%mul3A_10] : memref<320000xi32, #tpu.memory_space<hbm>> -> memref<10000xi32, #tpu.memory_space<hbm>>
    tpu.wait_dma2 semaphore(%arg9 : memref<!tpu.dma_semaphore, #tpu.memory_space<semaphore_mem>>) src(%dma_wait3A_11 : memref<10000xi32, #tpu.memory_space<hbm>>) dst(%arg5 : memref<10000xi32, #tpu.memory_space<vmem>>)
    %broadcast_in_dim3A_12 = arith.constant 1.000000e+00 : f32
    %broadcast_in_dim3A_13 = vector.broadcast %broadcast_in_dim3A_12 : f32 to vector<16xf32>
    %scan3A_14 = arith.constant 0 : i32
    %scan3A_15 = arith.constant 624 : i32
    %scan3A_16 = arith.addi %scan3A_14, %scan3A_15 : i32
    %scan3A_17 = arith.constant 8 : i32
    scf.for %scan3A_37 = %scan3A_14 to %scan3A_16 step %scan3A_17  : i32 {
      %mul3A_38 = arith.constant 1 : i32
      %mul3A_39 = arith.muli %scan3A_37, %mul3A_38 : i32
      %add3A_40 = arith.constant 0 : i32
      %add3A_41 = arith.addi %add3A_40, %mul3A_39 : i32
      %mul3A_42 = arith.constant 16 : i32
      %mul3A_43 = arith.muli %add3A_41, %mul3A_42 : i32
      %get3A_44 = arith.index_cast %mul3A_43 : i32 to index
      %get3A_45 = tpu.vector_load %arg5[%get3A_44] {strides = array<i32>} : memref<10000xi32, #tpu.memory_space<vmem>>, vector<16xi32>,
      tpu.vector_store_idx %arg4[%get3A_45], %broadcast_in_dim3A_13 {add = true} : memref<10240xf32, #tpu.memory_space<vmem>>[vector<16xi32>], vector<16xf32>,
      %scan3A_46 = arith.constant 1 : i32
      %scan3A_47 = arith.addi %scan3A_37, %scan3A_46 : i32
      %mul3A_48 = arith.constant 1 : i32
      %mul3A_49 = arith.muli %scan3A_47, %mul3A_48 : i32
      %add3A_50 = arith.constant 0 : i32
      %add3A_51 = arith.addi %add3A_50, %mul3A_49 : i32
      %mul3A_52 = arith.constant 16 : i32
      %mul3A_53 = arith.muli %add3A_51, %mul3A_52 : i32
      %get3A_54 = arith.index_cast %mul3A_53 : i32 to index
      %get3A_55 = tpu.vector_load %arg5[%get3A_54] {strides = array<i32>} : memref<10000xi32, #tpu.memory_space<vmem>>, vector<16xi32>,
      tpu.vector_store_idx %arg4[%get3A_55], %broadcast_in_dim3A_13 {add = true} : memref<10240xf32, #tpu.memory_space<vmem>>[vector<16xi32>], vector<16xf32>,
      %scan3A_56 = arith.constant 2 : i32
      %scan3A_57 = arith.addi %scan3A_37, %scan3A_56 : i32
      %mul3A_58 = arith.constant 1 : i32
      %mul3A_59 = arith.muli %scan3A_57, %mul3A_58 : i32
      %add3A_60 = arith.constant 0 : i32
      %add3A_61 = arith.addi %add3A_60, %mul3A_59 : i32
      %mul3A_62 = arith.constant 16 : i32
      %mul3A_63 = arith.muli %add3A_61, %mul3A_62 : i32
      %get3A_64 = arith.index_cast %mul3A_63 : i32 to index
      %get3A_65 = tpu.vector_load %arg5[%get3A_64] {strides = array<i32>} : memref<10000xi32, #tpu.memory_space<vmem>>, vector<16xi32>,
      tpu.vector_store_idx %arg4[%get3A_65], %broadcast_in_dim3A_13 {add = true} : memref<10240xf32, #tpu.memory_space<vmem>>[vector<16xi32>], vector<16xf32>,
      %scan3A_66 = arith.constant 3 : i32
      %scan3A_67 = arith.addi %scan3A_37, %scan3A_66 : i32
      %mul3A_68 = arith.constant 1 : i32
      %mul3A_69 = arith.muli %scan3A_67, %mul3A_68 : i32
      %add3A_70 = arith.constant 0 : i32
      %add3A_71 = arith.addi %add3A_70, %mul3A_69 : i32
      %mul3A_72 = arith.constant 16 : i32
      %mul3A_73 = arith.muli %add3A_71, %mul3A_72 : i32
      %get3A_74 = arith.index_cast %mul3A_73 : i32 to index
      %get3A_75 = tpu.vector_load %arg5[%get3A_74] {strides = array<i32>} : memref<10000xi32, #tpu.memory_space<vmem>>, vector<16xi32>,
      tpu.vector_store_idx %arg4[%get3A_75], %broadcast_in_dim3A_13 {add = true} : memref<10240xf32, #tpu.memory_space<vmem>>[vector<16xi32>], vector<16xf32>,
      %scan3A_76 = arith.constant 4 : i32
      %scan3A_77 = arith.addi %scan3A_37, %scan3A_76 : i32
      %mul3A_78 = arith.constant 1 : i32
      %mul3A_79 = arith.muli %scan3A_77, %mul3A_78 : i32
      %add3A_80 = arith.constant 0 : i32
      %add3A_81 = arith.addi %add3A_80, %mul3A_79 : i32
      %mul3A_82 = arith.constant 16 : i32
      %mul3A_83 = arith.muli %add3A_81, %mul3A_82 : i32
      %get3A_84 = arith.index_cast %mul3A_83 : i32 to index
      %get3A_85 = tpu.vector_load %arg5[%get3A_84] {strides = array<i32>} : memref<10000xi32, #tpu.memory_space<vmem>>, vector<16xi32>,
      tpu.vector_store_idx %arg4[%get3A_85], %broadcast_in_dim3A_13 {add = true} : memref<10240xf32, #tpu.memory_space<vmem>>[vector<16xi32>], vector<16xf32>,
      %scan3A_86 = arith.constant 5 : i32
      %scan3A_87 = arith.addi %scan3A_37, %scan3A_86 : i32
      %mul3A_88 = arith.constant 1 : i32
      %mul3A_89 = arith.muli %scan3A_87, %mul3A_88 : i32
      %add3A_90 = arith.constant 0 : i32
      %add3A_91 = arith.addi %add3A_90, %mul3A_89 : i32
      %mul3A_92 = arith.constant 16 : i32
      %mul3A_93 = arith.muli %add3A_91, %mul3A_92 : i32
      %get3A_94 = arith.index_cast %mul3A_93 : i32 to index
      %get3A_95 = tpu.vector_load %arg5[%get3A_94] {strides = array<i32>} : memref<10000xi32, #tpu.memory_space<vmem>>, vector<16xi32>,
      tpu.vector_store_idx %arg4[%get3A_95], %broadcast_in_dim3A_13 {add = true} : memref<10240xf32, #tpu.memory_space<vmem>>[vector<16xi32>], vector<16xf32>,
      %scan3A_96 = arith.constant 6 : i32
      %scan3A_97 = arith.addi %scan3A_37, %scan3A_96 : i32
      %mul3A_98 = arith.constant 1 : i32
      %mul3A_99 = arith.muli %scan3A_97, %mul3A_98 : i32
      %add3A_100 = arith.constant 0 : i32
      %add3A_101 = arith.addi %add3A_100, %mul3A_99 : i32
      %mul3A_102 = arith.constant 16 : i32
      %mul3A_103 = arith.muli %add3A_101, %mul3A_102 : i32
      %get3A_104 = arith.index_cast %mul3A_103 : i32 to index
      %get3A_105 = tpu.vector_load %arg5[%get3A_104] {strides = array<i32>} : memref<10000xi32, #tpu.memory_space<vmem>>, vector<16xi32>,
      tpu.vector_store_idx %arg4[%get3A_105], %broadcast_in_dim3A_13 {add = true} : memref<10240xf32, #tpu.memory_space<vmem>>[vector<16xi32>], vector<16xf32>,
      %scan3A_106 = arith.constant 7 : i32
      %scan3A_107 = arith.addi %scan3A_37, %scan3A_106 : i32
      %mul3A_108 = arith.constant 1 : i32
      %mul3A_109 = arith.muli %scan3A_107, %mul3A_108 : i32
      %add3A_110 = arith.constant 0 : i32
      %add3A_111 = arith.addi %add3A_110, %mul3A_109 : i32
      %mul3A_112 = arith.constant 16 : i32
      %mul3A_113 = arith.muli %add3A_111, %mul3A_112 : i32
      %get3A_114 = arith.index_cast %mul3A_113 : i32 to index
      %get3A_115 = tpu.vector_load %arg5[%get3A_114] {strides = array<i32>} : memref<10000xi32, #tpu.memory_space<vmem>>, vector<16xi32>,
      tpu.vector_store_idx %arg4[%get3A_115], %broadcast_in_dim3A_13 {add = true} : memref<10240xf32, #tpu.memory_space<vmem>>[vector<16xi32>], vector<16xf32>,
    }
    %scan3A_18 = arith.constant 624 : i32
    %scan3A_19 = arith.addi %scan3A_14, %scan3A_18 : i32
    %mul3A_20 = arith.constant 1 : i32
    %mul3A_21 = arith.muli %scan3A_19, %mul3A_20 : i32
    %add3A_22 = arith.constant 0 : i32
    %add3A_23 = arith.addi %add3A_22, %mul3A_21 : i32
    %mul3A_24 = arith.constant 16 : i32
    %mul3A_25 = arith.muli %add3A_23, %mul3A_24 : i32
    %get3A = arith.index_cast %mul3A_25 : i32 to index
    %get3A_26 = tpu.vector_load %arg5[%get3A] {strides = array<i32>} : memref<10000xi32, #tpu.memory_space<vmem>>, vector<16xi32>,
    tpu.vector_store_idx %arg4[%get3A_26], %broadcast_in_dim3A_13 {add = true} : memref<10240xf32, #tpu.memory_space<vmem>>[vector<16xi32>], vector<16xf32>,
    %scan3A_27 = arith.constant 625 : i32
    "tpu.region"() ({
      %run_scoped3A = tpu.sem_alloc : memref<!tpu.dma_semaphore, #tpu.memory_space<semaphore_mem>>
      %dma_start3A_37 = arith.constant 0 : i32
      %dma_start3A_38 = tpu.memref_slice %arg8[%arg1, %dma_start3A_37] : memref<16x10240xf32, #tpu.memory_space<vmem_shared>> -> memref<1x10240xf32, #tpu.memory_space<vmem_shared>>
      %dma_start3A_39 = tpu.memref_squeeze %dma_start3A_38 : memref<1x10240xf32, #tpu.memory_space<vmem_shared>> -> memref<10240xf32, #tpu.memory_space<vmem_shared>>
      %dma_start3A_40 = arith.constant 0 : i32
      %dma_start3A_41 = tpu.memref_slice %arg8[%arg1, %dma_start3A_40] : memref<16x10240xf32, #tpu.memory_space<vmem_shared>> -> memref<1x10240xf32, #tpu.memory_space<vmem_shared>>
      %dma_start3A_42 = tpu.memref_squeeze %dma_start3A_41 : memref<1x10240xf32, #tpu.memory_space<vmem_shared>> -> memref<10240xf32, #tpu.memory_space<vmem_shared>>
      tpu.enqueue_dma source(%arg4 : memref<10240xf32, #tpu.memory_space<vmem>>) target(%dma_start3A_42 : memref<10240xf32, #tpu.memory_space<vmem_shared>>) target_semaphore(%run_scoped3A : memref<!tpu.dma_semaphore, #tpu.memory_space<semaphore_mem>>)
      %dma_wait3A_43 = arith.constant 0 : i32
      %dma_wait3A_44 = tpu.memref_slice %arg8[%arg1, %dma_wait3A_43] : memref<16x10240xf32, #tpu.memory_space<vmem_shared>> -> memref<1x10240xf32, #tpu.memory_space<vmem_shared>>
      %dma_wait3A_45 = tpu.memref_squeeze %dma_wait3A_44 : memref<1x10240xf32, #tpu.memory_space<vmem_shared>> -> memref<10240xf32, #tpu.memory_space<vmem_shared>>
      %dma_wait3A_46 = arith.constant 0 : i32
      %dma_wait3A_47 = tpu.memref_slice %arg8[%arg1, %dma_wait3A_46] : memref<16x10240xf32, #tpu.memory_space<vmem_shared>> -> memref<1x10240xf32, #tpu.memory_space<vmem_shared>>
      %dma_wait3A_48 = tpu.memref_squeeze %dma_wait3A_47 : memref<1x10240xf32, #tpu.memory_space<vmem_shared>> -> memref<10240xf32, #tpu.memory_space<vmem_shared>>
      tpu.wait_dma2 semaphore(%run_scoped3A : memref<!tpu.dma_semaphore, #tpu.memory_space<semaphore_mem>>) src(%arg4 : memref<10240xf32, #tpu.memory_space<vmem>>) dst(%dma_wait3A_48 : memref<10240xf32, #tpu.memory_space<vmem_shared>>)
      tpu.yield
    }) : () -> ()
    %barrier3A = arith.constant 0 : index
    tpu.barrier barrier_id(%barrier3A)
    %mul3A_28 = arith.constant 640 : i32
    %mul3A_29 = arith.muli %arg1, %mul3A_28 : i32
    "tpu.region"() ({
      %run_scoped3A = tpu.sem_alloc : memref<!tpu.dma_semaphore, #tpu.memory_space<semaphore_mem>>
      %dma_start3A_37 = arith.constant 0 : i32
      %dma_start3A_38 = tpu.memref_slice %arg8[%dma_start3A_37, %mul3A_29] : memref<16x10240xf32, #tpu.memory_space<vmem_shared>> -> memref<16x640xf32, #tpu.memory_space<vmem_shared>>
      %dma_start3A_39 = arith.constant 0 : i32
      %dma_start3A_40 = tpu.memref_slice %arg8[%dma_start3A_39, %mul3A_29] : memref<16x10240xf32, #tpu.memory_space<vmem_shared>> -> memref<16x640xf32, #tpu.memory_space<vmem_shared>>
      tpu.enqueue_dma source(%dma_start3A_40 : memref<16x640xf32, #tpu.memory_space<vmem_shared>>) target(%arg6 : memref<16x640xf32, #tpu.memory_space<vmem>>) target_semaphore(%run_scoped3A : memref<!tpu.dma_semaphore, #tpu.memory_space<semaphore_mem>>)
      %dma_wait3A_41 = arith.constant 0 : i32
      %dma_wait3A_42 = tpu.memref_slice %arg8[%dma_wait3A_41, %mul3A_29] : memref<16x10240xf32, #tpu.memory_space<vmem_shared>> -> memref<16x640xf32, #tpu.memory_space<vmem_shared>>
      %dma_wait3A_43 = arith.constant 0 : i32
      %dma_wait3A_44 = tpu.memref_slice %arg8[%dma_wait3A_43, %mul3A_29] : memref<16x10240xf32, #tpu.memory_space<vmem_shared>> -> memref<16x640xf32, #tpu.memory_space<vmem_shared>>
      tpu.wait_dma2 semaphore(%run_scoped3A : memref<!tpu.dma_semaphore, #tpu.memory_space<semaphore_mem>>) src(%dma_wait3A_44 : memref<16x640xf32, #tpu.memory_space<vmem_shared>>) dst(%arg6 : memref<16x640xf32, #tpu.memory_space<vmem>>)
      tpu.yield
    }) : () -> ()
    %scan3A_30 = arith.constant 0 : i32
    %scan3A_31 = arith.constant 40 : i32
    %scan3A_32 = arith.addi %scan3A_30, %scan3A_31 : i32
    %scan3A_33 = arith.constant 4 : i32
    scf.for %scan3A_37 = %scan3A_30 to %scan3A_32 step %scan3A_33  : i32 {
      %mul3A_38 = arith.constant 1 : i32
      %mul3A_39 = arith.muli %scan3A_37, %mul3A_38 : i32
      %add3A_40 = arith.constant 0 : i32
      %add3A_41 = arith.addi %add3A_40, %mul3A_39 : i32
      %mul3A_42 = arith.constant 16 : i32
      %mul3A_43 = arith.muli %add3A_41, %mul3A_42 : i32
      %get3A_44 = arith.constant 0 : i32
      %get3A_45 = arith.index_cast %get3A_44 : i32 to index
      %get3A_46 = arith.index_cast %mul3A_43 : i32 to index
      %get3A_47 = tpu.vector_load %arg6[%get3A_45, %get3A_46] {strides = array<i32>} : memref<16x640xf32, #tpu.memory_space<vmem>>, vector<16xf32>,
      %mul3A_48 = arith.constant 16 : i32
      %mul3A_49 = arith.muli %add3A_41, %mul3A_48 : i32
      %get3A_50 = arith.constant 1 : i32
      %get3A_51 = arith.index_cast %get3A_50 : i32 to index
      %get3A_52 = arith.index_cast %mul3A_49 : i32 to index
      %get3A_53 = tpu.vector_load %arg6[%get3A_51, %get3A_52] {strides = array<i32>} : memref<16x640xf32, #tpu.memory_space<vmem>>, vector<16xf32>,
      %add3A_54 = arith.addf %get3A_47, %get3A_53 : vector<16xf32>
      %mul3A_55 = arith.constant 16 : i32
      %mul3A_56 = arith.muli %add3A_41, %mul3A_55 : i32
      %get3A_57 = arith.constant 2 : i32
      %get3A_58 = arith.index_cast %get3A_57 : i32 to index
      %get3A_59 = arith.index_cast %mul3A_56 : i32 to index
      %get3A_60 = tpu.vector_load %arg6[%get3A_58, %get3A_59] {strides = array<i32>} : memref<16x640xf32, #tpu.memory_space<vmem>>, vector<16xf32>,
      %add3A_61 = arith.addf %add3A_54, %get3A_60 : vector<16xf32>
      %mul3A_62 = arith.constant 16 : i32
      %mul3A_63 = arith.muli %add3A_41, %mul3A_62 : i32
      %get3A_64 = arith.constant 3 : i32
      %get3A_65 = arith.index_cast %get3A_64 : i32 to index
      %get3A_66 = arith.index_cast %mul3A_63 : i32 to index
      %get3A_67 = tpu.vector_load %arg6[%get3A_65, %get3A_66] {strides = array<i32>} : memref<16x640xf32, #tpu.memory_space<vmem>>, vector<16xf32>,
      %add3A_68 = arith.addf %add3A_61, %get3A_67 : vector<16xf32>
      %mul3A_69 = arith.constant 16 : i32
      %mul3A_70 = arith.muli %add3A_41, %mul3A_69 : i32
      %get3A_71 = arith.constant 4 : i32
      %get3A_72 = arith.index_cast %get3A_71 : i32 to index
      %get3A_73 = arith.index_cast %mul3A_70 : i32 to index
      %get3A_74 = tpu.vector_load %arg6[%get3A_72, %get3A_73] {strides = array<i32>} : memref<16x640xf32, #tpu.memory_space<vmem>>, vector<16xf32>,
      %add3A_75 = arith.addf %add3A_68, %get3A_74 : vector<16xf32>
      %mul3A_76 = arith.constant 16 : i32
      %mul3A_77 = arith.muli %add3A_41, %mul3A_76 : i32
      %get3A_78 = arith.constant 5 : i32
      %get3A_79 = arith.index_cast %get3A_78 : i32 to index
      %get3A_80 = arith.index_cast %mul3A_77 : i32 to index
      %get3A_81 = tpu.vector_load %arg6[%get3A_79, %get3A_80] {strides = array<i32>} : memref<16x640xf32, #tpu.memory_space<vmem>>, vector<16xf32>,
      %add3A_82 = arith.addf %add3A_75, %get3A_81 : vector<16xf32>
      %mul3A_83 = arith.constant 16 : i32
      %mul3A_84 = arith.muli %add3A_41, %mul3A_83 : i32
      %get3A_85 = arith.constant 6 : i32
      %get3A_86 = arith.index_cast %get3A_85 : i32 to index
      %get3A_87 = arith.index_cast %mul3A_84 : i32 to index
      %get3A_88 = tpu.vector_load %arg6[%get3A_86, %get3A_87] {strides = array<i32>} : memref<16x640xf32, #tpu.memory_space<vmem>>, vector<16xf32>,
      %add3A_89 = arith.addf %add3A_82, %get3A_88 : vector<16xf32>
      %mul3A_90 = arith.constant 16 : i32
      %mul3A_91 = arith.muli %add3A_41, %mul3A_90 : i32
      %get3A_92 = arith.constant 7 : i32
      %get3A_93 = arith.index_cast %get3A_92 : i32 to index
      %get3A_94 = arith.index_cast %mul3A_91 : i32 to index
      %get3A_95 = tpu.vector_load %arg6[%get3A_93, %get3A_94] {strides = array<i32>} : memref<16x640xf32, #tpu.memory_space<vmem>>, vector<16xf32>,
      %add3A_96 = arith.addf %add3A_89, %get3A_95 : vector<16xf32>
      %mul3A_97 = arith.constant 16 : i32
      %mul3A_98 = arith.muli %add3A_41, %mul3A_97 : i32
      %get3A_99 = arith.constant 8 : i32
      %get3A_100 = arith.index_cast %get3A_99 : i32 to index
      %get3A_101 = arith.index_cast %mul3A_98 : i32 to index
      %get3A_102 = tpu.vector_load %arg6[%get3A_100, %get3A_101] {strides = array<i32>} : memref<16x640xf32, #tpu.memory_space<vmem>>, vector<16xf32>,
      %add3A_103 = arith.addf %add3A_96, %get3A_102 : vector<16xf32>
      %mul3A_104 = arith.constant 16 : i32
      %mul3A_105 = arith.muli %add3A_41, %mul3A_104 : i32
      %get3A_106 = arith.constant 9 : i32
      %get3A_107 = arith.index_cast %get3A_106 : i32 to index
      %get3A_108 = arith.index_cast %mul3A_105 : i32 to index
      %get3A_109 = tpu.vector_load %arg6[%get3A_107, %get3A_108] {strides = array<i32>} : memref<16x640xf32, #tpu.memory_space<vmem>>, vector<16xf32>,
      %add3A_110 = arith.addf %add3A_103, %get3A_109 : vector<16xf32>
      %mul3A_111 = arith.constant 16 : i32
      %mul3A_112 = arith.muli %add3A_41, %mul3A_111 : i32
      %get3A_113 = arith.constant 10 : i32
      %get3A_114 = arith.index_cast %get3A_113 : i32 to index
      %get3A_115 = arith.index_cast %mul3A_112 : i32 to index
      %get3A_116 = tpu.vector_load %arg6[%get3A_114, %get3A_115] {strides = array<i32>} : memref<16x640xf32, #tpu.memory_space<vmem>>, vector<16xf32>,
      %add3A_117 = arith.addf %add3A_110, %get3A_116 : vector<16xf32>
      %mul3A_118 = arith.constant 16 : i32
      %mul3A_119 = arith.muli %add3A_41, %mul3A_118 : i32
      %get3A_120 = arith.constant 11 : i32
      %get3A_121 = arith.index_cast %get3A_120 : i32 to index
      %get3A_122 = arith.index_cast %mul3A_119 : i32 to index
      %get3A_123 = tpu.vector_load %arg6[%get3A_121, %get3A_122] {strides = array<i32>} : memref<16x640xf32, #tpu.memory_space<vmem>>, vector<16xf32>,
      %add3A_124 = arith.addf %add3A_117, %get3A_123 : vector<16xf32>
      %mul3A_125 = arith.constant 16 : i32
      %mul3A_126 = arith.muli %add3A_41, %mul3A_125 : i32
      %get3A_127 = arith.constant 12 : i32
      %get3A_128 = arith.index_cast %get3A_127 : i32 to index
      %get3A_129 = arith.index_cast %mul3A_126 : i32 to index
      %get3A_130 = tpu.vector_load %arg6[%get3A_128, %get3A_129] {strides = array<i32>} : memref<16x640xf32, #tpu.memory_space<vmem>>, vector<16xf32>,
      %add3A_131 = arith.addf %add3A_124, %get3A_130 : vector<16xf32>
      %mul3A_132 = arith.constant 16 : i32
      %mul3A_133 = arith.muli %add3A_41, %mul3A_132 : i32
      %get3A_134 = arith.constant 13 : i32
      %get3A_135 = arith.index_cast %get3A_134 : i32 to index
      %get3A_136 = arith.index_cast %mul3A_133 : i32 to index
      %get3A_137 = tpu.vector_load %arg6[%get3A_135, %get3A_136] {strides = array<i32>} : memref<16x640xf32, #tpu.memory_space<vmem>>, vector<16xf32>,
      %add3A_138 = arith.addf %add3A_131, %get3A_137 : vector<16xf32>
      %mul3A_139 = arith.constant 16 : i32
      %mul3A_140 = arith.muli %add3A_41, %mul3A_139 : i32
      %get3A_141 = arith.constant 14 : i32
      %get3A_142 = arith.index_cast %get3A_141 : i32 to index
      %get3A_143 = arith.index_cast %mul3A_140 : i32 to index
      %get3A_144 = tpu.vector_load %arg6[%get3A_142, %get3A_143] {strides = array<i32>} : memref<16x640xf32, #tpu.memory_space<vmem>>, vector<16xf32>,
      %add3A_145 = arith.addf %add3A_138, %get3A_144 : vector<16xf32>
      %mul3A_146 = arith.constant 16 : i32
      %mul3A_147 = arith.muli %add3A_41, %mul3A_146 : i32
      %get3A_148 = arith.constant 15 : i32
      %get3A_149 = arith.index_cast %get3A_148 : i32 to index
      %get3A_150 = arith.index_cast %mul3A_147 : i32 to index
      %get3A_151 = tpu.vector_load %arg6[%get3A_149, %get3A_150] {strides = array<i32>} : memref<16x640xf32, #tpu.memory_space<vmem>>, vector<16xf32>,
      %add3A_152 = arith.addf %add3A_145, %get3A_151 : vector<16xf32>
      %mul3A_153 = arith.constant 16 : i32
      %mul3A_154 = arith.muli %add3A_41, %mul3A_153 : i32
      %swap3A = arith.index_cast %mul3A_154 : i32 to index
      %swap3A_155 = tpu.vector_load %arg7[%swap3A] {strides = array<i32>} : memref<640xf32, #tpu.memory_space<vmem>>, vector<16xf32>,
      tpu.vector_store %arg7[%swap3A], %add3A_152 {strides = array<i32>} : memref<640xf32, #tpu.memory_space<vmem>>, vector<16xf32>,
      %scan3A_156 = arith.constant 1 : i32
      %scan3A_157 = arith.addi %scan3A_37, %scan3A_156 : i32
      %mul3A_158 = arith.constant 1 : i32
      %mul3A_159 = arith.muli %scan3A_157, %mul3A_158 : i32
      %add3A_160 = arith.constant 0 : i32
      %add3A_161 = arith.addi %add3A_160, %mul3A_159 : i32
      %mul3A_162 = arith.constant 16 : i32
      %mul3A_163 = arith.muli %add3A_161, %mul3A_162 : i32
      %get3A_164 = arith.constant 0 : i32
      %get3A_165 = arith.index_cast %get3A_164 : i32 to index
      %get3A_166 = arith.index_cast %mul3A_163 : i32 to index
      %get3A_167 = tpu.vector_load %arg6[%get3A_165, %get3A_166] {strides = array<i32>} : memref<16x640xf32, #tpu.memory_space<vmem>>, vector<16xf32>,
      %mul3A_168 = arith.constant 16 : i32
      %mul3A_169 = arith.muli %add3A_161, %mul3A_168 : i32
      %get3A_170 = arith.constant 1 : i32
      %get3A_171 = arith.index_cast %get3A_170 : i32 to index
      %get3A_172 = arith.index_cast %mul3A_169 : i32 to index
      %get3A_173 = tpu.vector_load %arg6[%get3A_171, %get3A_172] {strides = array<i32>} : memref<16x640xf32, #tpu.memory_space<vmem>>, vector<16xf32>,
      %add3A_174 = arith.addf %get3A_167, %get3A_173 : vector<16xf32>
      %mul3A_175 = arith.constant 16 : i32
      %mul3A_176 = arith.muli %add3A_161, %mul3A_175 : i32
      %get3A_177 = arith.constant 2 : i32
      %get3A_178 = arith.index_cast %get3A_177 : i32 to index
      %get3A_179 = arith.index_cast %mul3A_176 : i32 to index
      %get3A_180 = tpu.vector_load %arg6[%get3A_178, %get3A_179] {strides = array<i32>} : memref<16x640xf32, #tpu.memory_space<vmem>>, vector<16xf32>,
      %add3A_181 = arith.addf %add3A_174, %get3A_180 : vector<16xf32>
      %mul3A_182 = arith.constant 16 : i32
      %mul3A_183 = arith.muli %add3A_161, %mul3A_182 : i32
      %get3A_184 = arith.constant 3 : i32
      %get3A_185 = arith.index_cast %get3A_184 : i32 to index
      %get3A_186 = arith.index_cast %mul3A_183 : i32 to index
      %get3A_187 = tpu.vector_load %arg6[%get3A_185, %get3A_186] {strides = array<i32>} : memref<16x640xf32, #tpu.memory_space<vmem>>, vector<16xf32>,
      %add3A_188 = arith.addf %add3A_181, %get3A_187 : vector<16xf32>
      %mul3A_189 = arith.constant 16 : i32
      %mul3A_190 = arith.muli %add3A_161, %mul3A_189 : i32
      %get3A_191 = arith.constant 4 : i32
      %get3A_192 = arith.index_cast %get3A_191 : i32 to index
      %get3A_193 = arith.index_cast %mul3A_190 : i32 to index
      %get3A_194 = tpu.vector_load %arg6[%get3A_192, %get3A_193] {strides = array<i32>} : memref<16x640xf32, #tpu.memory_space<vmem>>, vector<16xf32>,
      %add3A_195 = arith.addf %add3A_188, %get3A_194 : vector<16xf32>
      %mul3A_196 = arith.constant 16 : i32
      %mul3A_197 = arith.muli %add3A_161, %mul3A_196 : i32
      %get3A_198 = arith.constant 5 : i32
      %get3A_199 = arith.index_cast %get3A_198 : i32 to index
      %get3A_200 = arith.index_cast %mul3A_197 : i32 to index
      %get3A_201 = tpu.vector_load %arg6[%get3A_199, %get3A_200] {strides = array<i32>} : memref<16x640xf32, #tpu.memory_space<vmem>>, vector<16xf32>,
      %add3A_202 = arith.addf %add3A_195, %get3A_201 : vector<16xf32>
      %mul3A_203 = arith.constant 16 : i32
      %mul3A_204 = arith.muli %add3A_161, %mul3A_203 : i32
      %get3A_205 = arith.constant 6 : i32
      %get3A_206 = arith.index_cast %get3A_205 : i32 to index
      %get3A_207 = arith.index_cast %mul3A_204 : i32 to index
      %get3A_208 = tpu.vector_load %arg6[%get3A_206, %get3A_207] {strides = array<i32>} : memref<16x640xf32, #tpu.memory_space<vmem>>, vector<16xf32>,
      %add3A_209 = arith.addf %add3A_202, %get3A_208 : vector<16xf32>
      %mul3A_210 = arith.constant 16 : i32
      %mul3A_211 = arith.muli %add3A_161, %mul3A_210 : i32
      %get3A_212 = arith.constant 7 : i32
      %get3A_213 = arith.index_cast %get3A_212 : i32 to index
      %get3A_214 = arith.index_cast %mul3A_211 : i32 to index
      %get3A_215 = tpu.vector_load %arg6[%get3A_213, %get3A_214] {strides = array<i32>} : memref<16x640xf32, #tpu.memory_space<vmem>>, vector<16xf32>,
      %add3A_216 = arith.addf %add3A_209, %get3A_215 : vector<16xf32>
      %mul3A_217 = arith.constant 16 : i32
      %mul3A_218 = arith.muli %add3A_161, %mul3A_217 : i32
      %get3A_219 = arith.constant 8 : i32
      %get3A_220 = arith.index_cast %get3A_219 : i32 to index
      %get3A_221 = arith.index_cast %mul3A_218 : i32 to index
      %get3A_222 = tpu.vector_load %arg6[%get3A_220, %get3A_221] {strides = array<i32>} : memref<16x640xf32, #tpu.memory_space<vmem>>, vector<16xf32>,
      %add3A_223 = arith.addf %add3A_216, %get3A_222 : vector<16xf32>
      %mul3A_224 = arith.constant 16 : i32
      %mul3A_225 = arith.muli %add3A_161, %mul3A_224 : i32
      %get3A_226 = arith.constant 9 : i32
      %get3A_227 = arith.index_cast %get3A_226 : i32 to index
      %get3A_228 = arith.index_cast %mul3A_225 : i32 to index
      %get3A_229 = tpu.vector_load %arg6[%get3A_227, %get3A_228] {strides = array<i32>} : memref<16x640xf32, #tpu.memory_space<vmem>>, vector<16xf32>,
      %add3A_230 = arith.addf %add3A_223, %get3A_229 : vector<16xf32>
      %mul3A_231 = arith.constant 16 : i32
      %mul3A_232 = arith.muli %add3A_161, %mul3A_231 : i32
      %get3A_233 = arith.constant 10 : i32
      %get3A_234 = arith.index_cast %get3A_233 : i32 to index
      %get3A_235 = arith.index_cast %mul3A_232 : i32 to index
      %get3A_236 = tpu.vector_load %arg6[%get3A_234, %get3A_235] {strides = array<i32>} : memref<16x640xf32, #tpu.memory_space<vmem>>, vector<16xf32>,
      %add3A_237 = arith.addf %add3A_230, %get3A_236 : vector<16xf32>
      %mul3A_238 = arith.constant 16 : i32
      %mul3A_239 = arith.muli %add3A_161, %mul3A_238 : i32
      %get3A_240 = arith.constant 11 : i32
      %get3A_241 = arith.index_cast %get3A_240 : i32 to index
      %get3A_242 = arith.index_cast %mul3A_239 : i32 to index
      %get3A_243 = tpu.vector_load %arg6[%get3A_241, %get3A_242] {strides = array<i32>} : memref<16x640xf32, #tpu.memory_space<vmem>>, vector<16xf32>,
      %add3A_244 = arith.addf %add3A_237, %get3A_243 : vector<16xf32>
      %mul3A_245 = arith.constant 16 : i32
      %mul3A_246 = arith.muli %add3A_161, %mul3A_245 : i32
      %get3A_247 = arith.constant 12 : i32
      %get3A_248 = arith.index_cast %get3A_247 : i32 to index
      %get3A_249 = arith.index_cast %mul3A_246 : i32 to index
      %get3A_250 = tpu.vector_load %arg6[%get3A_248, %get3A_249] {strides = array<i32>} : memref<16x640xf32, #tpu.memory_space<vmem>>, vector<16xf32>,
      %add3A_251 = arith.addf %add3A_244, %get3A_250 : vector<16xf32>
      %mul3A_252 = arith.constant 16 : i32
      %mul3A_253 = arith.muli %add3A_161, %mul3A_252 : i32
      %get3A_254 = arith.constant 13 : i32
      %get3A_255 = arith.index_cast %get3A_254 : i32 to index
      %get3A_256 = arith.index_cast %mul3A_253 : i32 to index
      %get3A_257 = tpu.vector_load %arg6[%get3A_255, %get3A_256] {strides = array<i32>} : memref<16x640xf32, #tpu.memory_space<vmem>>, vector<16xf32>,
      %add3A_258 = arith.addf %add3A_251, %get3A_257 : vector<16xf32>
      %mul3A_259 = arith.constant 16 : i32
      %mul3A_260 = arith.muli %add3A_161, %mul3A_259 : i32
      %get3A_261 = arith.constant 14 : i32
      %get3A_262 = arith.index_cast %get3A_261 : i32 to index
      %get3A_263 = arith.index_cast %mul3A_260 : i32 to index
      %get3A_264 = tpu.vector_load %arg6[%get3A_262, %get3A_263] {strides = array<i32>} : memref<16x640xf32, #tpu.memory_space<vmem>>, vector<16xf32>,
      %add3A_265 = arith.addf %add3A_258, %get3A_264 : vector<16xf32>
      %mul3A_266 = arith.constant 16 : i32
      %mul3A_267 = arith.muli %add3A_161, %mul3A_266 : i32
      %get3A_268 = arith.constant 15 : i32
      %get3A_269 = arith.index_cast %get3A_268 : i32 to index
      %get3A_270 = arith.index_cast %mul3A_267 : i32 to index
      %get3A_271 = tpu.vector_load %arg6[%get3A_269, %get3A_270] {strides = array<i32>} : memref<16x640xf32, #tpu.memory_space<vmem>>, vector<16xf32>,
      %add3A_272 = arith.addf %add3A_265, %get3A_271 : vector<16xf32>
      %mul3A_273 = arith.constant 16 : i32
      %mul3A_274 = arith.muli %add3A_161, %mul3A_273 : i32
      %swap3A_275 = arith.index_cast %mul3A_274 : i32 to index
      %swap3A_276 = tpu.vector_load %arg7[%swap3A_275] {strides = array<i32>} : memref<640xf32, #tpu.memory_space<vmem>>, vector<16xf32>,
      tpu.vector_store %arg7[%swap3A_275], %add3A_272 {strides = array<i32>} : memref<640xf32, #tpu.memory_space<vmem>>, vector<16xf32>,
      %scan3A_277 = arith.constant 2 : i32
      %scan3A_278 = arith.addi %scan3A_37, %scan3A_277 : i32
      %mul3A_279 = arith.constant 1 : i32
      %mul3A_280 = arith.muli %scan3A_278, %mul3A_279 : i32
      %add3A_281 = arith.constant 0 : i32
      %add3A_282 = arith.addi %add3A_281, %mul3A_280 : i32
      %mul3A_283 = arith.constant 16 : i32
      %mul3A_284 = arith.muli %add3A_282, %mul3A_283 : i32
      %get3A_285 = arith.constant 0 : i32
      %get3A_286 = arith.index_cast %get3A_285 : i32 to index
      %get3A_287 = arith.index_cast %mul3A_284 : i32 to index
      %get3A_288 = tpu.vector_load %arg6[%get3A_286, %get3A_287] {strides = array<i32>} : memref<16x640xf32, #tpu.memory_space<vmem>>, vector<16xf32>,
      %mul3A_289 = arith.constant 16 : i32
      %mul3A_290 = arith.muli %add3A_282, %mul3A_289 : i32
      %get3A_291 = arith.constant 1 : i32
      %get3A_292 = arith.index_cast %get3A_291 : i32 to index
      %get3A_293 = arith.index_cast %mul3A_290 : i32 to index
      %get3A_294 = tpu.vector_load %arg6[%get3A_292, %get3A_293] {strides = array<i32>} : memref<16x640xf32, #tpu.memory_space<vmem>>, vector<16xf32>,
      %add3A_295 = arith.addf %get3A_288, %get3A_294 : vector<16xf32>
      %mul3A_296 = arith.constant 16 : i32
      %mul3A_297 = arith.muli %add3A_282, %mul3A_296 : i32
      %get3A_298 = arith.constant 2 : i32
      %get3A_299 = arith.index_cast %get3A_298 : i32 to index
      %get3A_300 = arith.index_cast %mul3A_297 : i32 to index
      %get3A_301 = tpu.vector_load %arg6[%get3A_299, %get3A_300] {strides = array<i32>} : memref<16x640xf32, #tpu.memory_space<vmem>>, vector<16xf32>,
      %add3A_302 = arith.addf %add3A_295, %get3A_301 : vector<16xf32>
      %mul3A_303 = arith.constant 16 : i32
      %mul3A_304 = arith.muli %add3A_282, %mul3A_303 : i32
      %get3A_305 = arith.constant 3 : i32
      %get3A_306 = arith.index_cast %get3A_305 : i32 to index
      %get3A_307 = arith.index_cast %mul3A_304 : i32 to index
      %get3A_308 = tpu.vector_load %arg6[%get3A_306, %get3A_307] {strides = array<i32>} : memref<16x640xf32, #tpu.memory_space<vmem>>, vector<16xf32>,
      %add3A_309 = arith.addf %add3A_302, %get3A_308 : vector<16xf32>
      %mul3A_310 = arith.constant 16 : i32
      %mul3A_311 = arith.muli %add3A_282, %mul3A_310 : i32
      %get3A_312 = arith.constant 4 : i32
      %get3A_313 = arith.index_cast %get3A_312 : i32 to index
      %get3A_314 = arith.index_cast %mul3A_311 : i32 to index
      %get3A_315 = tpu.vector_load %arg6[%get3A_313, %get3A_314] {strides = array<i32>} : memref<16x640xf32, #tpu.memory_space<vmem>>, vector<16xf32>,
      %add3A_316 = arith.addf %add3A_309, %get3A_315 : vector<16xf32>
      %mul3A_317 = arith.constant 16 : i32
      %mul3A_318 = arith.muli %add3A_282, %mul3A_317 : i32
      %get3A_319 = arith.constant 5 : i32
      %get3A_320 = arith.index_cast %get3A_319 : i32 to index
      %get3A_321 = arith.index_cast %mul3A_318 : i32 to index
      %get3A_322 = tpu.vector_load %arg6[%get3A_320, %get3A_321] {strides = array<i32>} : memref<16x640xf32, #tpu.memory_space<vmem>>, vector<16xf32>,
      %add3A_323 = arith.addf %add3A_316, %get3A_322 : vector<16xf32>
      %mul3A_324 = arith.constant 16 : i32
      %mul3A_325 = arith.muli %add3A_282, %mul3A_324 : i32
      %get3A_326 = arith.constant 6 : i32
      %get3A_327 = arith.index_cast %get3A_326 : i32 to index
      %get3A_328 = arith.index_cast %mul3A_325 : i32 to index
      %get3A_329 = tpu.vector_load %arg6[%get3A_327, %get3A_328] {strides = array<i32>} : memref<16x640xf32, #tpu.memory_space<vmem>>, vector<16xf32>,
      %add3A_330 = arith.addf %add3A_323, %get3A_329 : vector<16xf32>
      %mul3A_331 = arith.constant 16 : i32
      %mul3A_332 = arith.muli %add3A_282, %mul3A_331 : i32
      %get3A_333 = arith.constant 7 : i32
      %get3A_334 = arith.index_cast %get3A_333 : i32 to index
      %get3A_335 = arith.index_cast %mul3A_332 : i32 to index
      %get3A_336 = tpu.vector_load %arg6[%get3A_334, %get3A_335] {strides = array<i32>} : memref<16x640xf32, #tpu.memory_space<vmem>>, vector<16xf32>,
      %add3A_337 = arith.addf %add3A_330, %get3A_336 : vector<16xf32>
      %mul3A_338 = arith.constant 16 : i32
      %mul3A_339 = arith.muli %add3A_282, %mul3A_338 : i32
      %get3A_340 = arith.constant 8 : i32
      %get3A_341 = arith.index_cast %get3A_340 : i32 to index
      %get3A_342 = arith.index_cast %mul3A_339 : i32 to index
      %get3A_343 = tpu.vector_load %arg6[%get3A_341, %get3A_342] {strides = array<i32>} : memref<16x640xf32, #tpu.memory_space<vmem>>, vector<16xf32>,
      %add3A_344 = arith.addf %add3A_337, %get3A_343 : vector<16xf32>
      %mul3A_345 = arith.constant 16 : i32
      %mul3A_346 = arith.muli %add3A_282, %mul3A_345 : i32
      %get3A_347 = arith.constant 9 : i32
      %get3A_348 = arith.index_cast %get3A_347 : i32 to index
      %get3A_349 = arith.index_cast %mul3A_346 : i32 to index
      %get3A_350 = tpu.vector_load %arg6[%get3A_348, %get3A_349] {strides = array<i32>} : memref<16x640xf32, #tpu.memory_space<vmem>>, vector<16xf32>,
      %add3A_351 = arith.addf %add3A_344, %get3A_350 : vector<16xf32>
      %mul3A_352 = arith.constant 16 : i32
      %mul3A_353 = arith.muli %add3A_282, %mul3A_352 : i32
      %get3A_354 = arith.constant 10 : i32
      %get3A_355 = arith.index_cast %get3A_354 : i32 to index
      %get3A_356 = arith.index_cast %mul3A_353 : i32 to index
      %get3A_357 = tpu.vector_load %arg6[%get3A_355, %get3A_356] {strides = array<i32>} : memref<16x640xf32, #tpu.memory_space<vmem>>, vector<16xf32>,
      %add3A_358 = arith.addf %add3A_351, %get3A_357 : vector<16xf32>
      %mul3A_359 = arith.constant 16 : i32
      %mul3A_360 = arith.muli %add3A_282, %mul3A_359 : i32
      %get3A_361 = arith.constant 11 : i32
      %get3A_362 = arith.index_cast %get3A_361 : i32 to index
      %get3A_363 = arith.index_cast %mul3A_360 : i32 to index
      %get3A_364 = tpu.vector_load %arg6[%get3A_362, %get3A_363] {strides = array<i32>} : memref<16x640xf32, #tpu.memory_space<vmem>>, vector<16xf32>,
      %add3A_365 = arith.addf %add3A_358, %get3A_364 : vector<16xf32>
      %mul3A_366 = arith.constant 16 : i32
      %mul3A_367 = arith.muli %add3A_282, %mul3A_366 : i32
      %get3A_368 = arith.constant 12 : i32
      %get3A_369 = arith.index_cast %get3A_368 : i32 to index
      %get3A_370 = arith.index_cast %mul3A_367 : i32 to index
      %get3A_371 = tpu.vector_load %arg6[%get3A_369, %get3A_370] {strides = array<i32>} : memref<16x640xf32, #tpu.memory_space<vmem>>, vector<16xf32>,
      %add3A_372 = arith.addf %add3A_365, %get3A_371 : vector<16xf32>
      %mul3A_373 = arith.constant 16 : i32
      %mul3A_374 = arith.muli %add3A_282, %mul3A_373 : i32
      %get3A_375 = arith.constant 13 : i32
      %get3A_376 = arith.index_cast %get3A_375 : i32 to index
      %get3A_377 = arith.index_cast %mul3A_374 : i32 to index
      %get3A_378 = tpu.vector_load %arg6[%get3A_376, %get3A_377] {strides = array<i32>} : memref<16x640xf32, #tpu.memory_space<vmem>>, vector<16xf32>,
      %add3A_379 = arith.addf %add3A_372, %get3A_378 : vector<16xf32>
      %mul3A_380 = arith.constant 16 : i32
      %mul3A_381 = arith.muli %add3A_282, %mul3A_380 : i32
      %get3A_382 = arith.constant 14 : i32
      %get3A_383 = arith.index_cast %get3A_382 : i32 to index
      %get3A_384 = arith.index_cast %mul3A_381 : i32 to index
      %get3A_385 = tpu.vector_load %arg6[%get3A_383, %get3A_384] {strides = array<i32>} : memref<16x640xf32, #tpu.memory_space<vmem>>, vector<16xf32>,
      %add3A_386 = arith.addf %add3A_379, %get3A_385 : vector<16xf32>
      %mul3A_387 = arith.constant 16 : i32
      %mul3A_388 = arith.muli %add3A_282, %mul3A_387 : i32
      %get3A_389 = arith.constant 15 : i32
      %get3A_390 = arith.index_cast %get3A_389 : i32 to index
      %get3A_391 = arith.index_cast %mul3A_388 : i32 to index
      %get3A_392 = tpu.vector_load %arg6[%get3A_390, %get3A_391] {strides = array<i32>} : memref<16x640xf32, #tpu.memory_space<vmem>>, vector<16xf32>,
      %add3A_393 = arith.addf %add3A_386, %get3A_392 : vector<16xf32>
      %mul3A_394 = arith.constant 16 : i32
      %mul3A_395 = arith.muli %add3A_282, %mul3A_394 : i32
      %swap3A_396 = arith.index_cast %mul3A_395 : i32 to index
      %swap3A_397 = tpu.vector_load %arg7[%swap3A_396] {strides = array<i32>} : memref<640xf32, #tpu.memory_space<vmem>>, vector<16xf32>,
      tpu.vector_store %arg7[%swap3A_396], %add3A_393 {strides = array<i32>} : memref<640xf32, #tpu.memory_space<vmem>>, vector<16xf32>,
      %scan3A_398 = arith.constant 3 : i32
      %scan3A_399 = arith.addi %scan3A_37, %scan3A_398 : i32
      %mul3A_400 = arith.constant 1 : i32
      %mul3A_401 = arith.muli %scan3A_399, %mul3A_400 : i32
      %add3A_402 = arith.constant 0 : i32
      %add3A_403 = arith.addi %add3A_402, %mul3A_401 : i32
      %mul3A_404 = arith.constant 16 : i32
      %mul3A_405 = arith.muli %add3A_403, %mul3A_404 : i32
      %get3A_406 = arith.constant 0 : i32
      %get3A_407 = arith.index_cast %get3A_406 : i32 to index
      %get3A_408 = arith.index_cast %mul3A_405 : i32 to index
      %get3A_409 = tpu.vector_load %arg6[%get3A_407, %get3A_408] {strides = array<i32>} : memref<16x640xf32, #tpu.memory_space<vmem>>, vector<16xf32>,
      %mul3A_410 = arith.constant 16 : i32
      %mul3A_411 = arith.muli %add3A_403, %mul3A_410 : i32
      %get3A_412 = arith.constant 1 : i32
      %get3A_413 = arith.index_cast %get3A_412 : i32 to index
      %get3A_414 = arith.index_cast %mul3A_411 : i32 to index
      %get3A_415 = tpu.vector_load %arg6[%get3A_413, %get3A_414] {strides = array<i32>} : memref<16x640xf32, #tpu.memory_space<vmem>>, vector<16xf32>,
      %add3A_416 = arith.addf %get3A_409, %get3A_415 : vector<16xf32>
      %mul3A_417 = arith.constant 16 : i32
      %mul3A_418 = arith.muli %add3A_403, %mul3A_417 : i32
      %get3A_419 = arith.constant 2 : i32
      %get3A_420 = arith.index_cast %get3A_419 : i32 to index
      %get3A_421 = arith.index_cast %mul3A_418 : i32 to index
      %get3A_422 = tpu.vector_load %arg6[%get3A_420, %get3A_421] {strides = array<i32>} : memref<16x640xf32, #tpu.memory_space<vmem>>, vector<16xf32>,
      %add3A_423 = arith.addf %add3A_416, %get3A_422 : vector<16xf32>
      %mul3A_424 = arith.constant 16 : i32
      %mul3A_425 = arith.muli %add3A_403, %mul3A_424 : i32
      %get3A_426 = arith.constant 3 : i32
      %get3A_427 = arith.index_cast %get3A_426 : i32 to index
      %get3A_428 = arith.index_cast %mul3A_425 : i32 to index
      %get3A_429 = tpu.vector_load %arg6[%get3A_427, %get3A_428] {strides = array<i32>} : memref<16x640xf32, #tpu.memory_space<vmem>>, vector<16xf32>,
      %add3A_430 = arith.addf %add3A_423, %get3A_429 : vector<16xf32>
      %mul3A_431 = arith.constant 16 : i32
      %mul3A_432 = arith.muli %add3A_403, %mul3A_431 : i32
      %get3A_433 = arith.constant 4 : i32
      %get3A_434 = arith.index_cast %get3A_433 : i32 to index
      %get3A_435 = arith.index_cast %mul3A_432 : i32 to index
      %get3A_436 = tpu.vector_load %arg6[%get3A_434, %get3A_435] {strides = array<i32>} : memref<16x640xf32, #tpu.memory_space<vmem>>, vector<16xf32>,
      %add3A_437 = arith.addf %add3A_430, %get3A_436 : vector<16xf32>
      %mul3A_438 = arith.constant 16 : i32
      %mul3A_439 = arith.muli %add3A_403, %mul3A_438 : i32
      %get3A_440 = arith.constant 5 : i32
      %get3A_441 = arith.index_cast %get3A_440 : i32 to index
      %get3A_442 = arith.index_cast %mul3A_439 : i32 to index
      %get3A_443 = tpu.vector_load %arg6[%get3A_441, %get3A_442] {strides = array<i32>} : memref<16x640xf32, #tpu.memory_space<vmem>>, vector<16xf32>,
      %add3A_444 = arith.addf %add3A_437, %get3A_443 : vector<16xf32>
      %mul3A_445 = arith.constant 16 : i32
      %mul3A_446 = arith.muli %add3A_403, %mul3A_445 : i32
      %get3A_447 = arith.constant 6 : i32
      %get3A_448 = arith.index_cast %get3A_447 : i32 to index
      %get3A_449 = arith.index_cast %mul3A_446 : i32 to index
      %get3A_450 = tpu.vector_load %arg6[%get3A_448, %get3A_449] {strides = array<i32>} : memref<16x640xf32, #tpu.memory_space<vmem>>, vector<16xf32>,
      %add3A_451 = arith.addf %add3A_444, %get3A_450 : vector<16xf32>
      %mul3A_452 = arith.constant 16 : i32
      %mul3A_453 = arith.muli %add3A_403, %mul3A_452 : i32
      %get3A_454 = arith.constant 7 : i32
      %get3A_455 = arith.index_cast %get3A_454 : i32 to index
      %get3A_456 = arith.index_cast %mul3A_453 : i32 to index
      %get3A_457 = tpu.vector_load %arg6[%get3A_455, %get3A_456] {strides = array<i32>} : memref<16x640xf32, #tpu.memory_space<vmem>>, vector<16xf32>,
      %add3A_458 = arith.addf %add3A_451, %get3A_457 : vector<16xf32>
      %mul3A_459 = arith.constant 16 : i32
      %mul3A_460 = arith.muli %add3A_403, %mul3A_459 : i32
      %get3A_461 = arith.constant 8 : i32
      %get3A_462 = arith.index_cast %get3A_461 : i32 to index
      %get3A_463 = arith.index_cast %mul3A_460 : i32 to index
      %get3A_464 = tpu.vector_load %arg6[%get3A_462, %get3A_463] {strides = array<i32>} : memref<16x640xf32, #tpu.memory_space<vmem>>, vector<16xf32>,
      %add3A_465 = arith.addf %add3A_458, %get3A_464 : vector<16xf32>
      %mul3A_466 = arith.constant 16 : i32
      %mul3A_467 = arith.muli %add3A_403, %mul3A_466 : i32
      %get3A_468 = arith.constant 9 : i32
      %get3A_469 = arith.index_cast %get3A_468 : i32 to index
      %get3A_470 = arith.index_cast %mul3A_467 : i32 to index
      %get3A_471 = tpu.vector_load %arg6[%get3A_469, %get3A_470] {strides = array<i32>} : memref<16x640xf32, #tpu.memory_space<vmem>>, vector<16xf32>,
      %add3A_472 = arith.addf %add3A_465, %get3A_471 : vector<16xf32>
      %mul3A_473 = arith.constant 16 : i32
      %mul3A_474 = arith.muli %add3A_403, %mul3A_473 : i32
      %get3A_475 = arith.constant 10 : i32
      %get3A_476 = arith.index_cast %get3A_475 : i32 to index
      %get3A_477 = arith.index_cast %mul3A_474 : i32 to index
      %get3A_478 = tpu.vector_load %arg6[%get3A_476, %get3A_477] {strides = array<i32>} : memref<16x640xf32, #tpu.memory_space<vmem>>, vector<16xf32>,
      %add3A_479 = arith.addf %add3A_472, %get3A_478 : vector<16xf32>
      %mul3A_480 = arith.constant 16 : i32
      %mul3A_481 = arith.muli %add3A_403, %mul3A_480 : i32
      %get3A_482 = arith.constant 11 : i32
      %get3A_483 = arith.index_cast %get3A_482 : i32 to index
      %get3A_484 = arith.index_cast %mul3A_481 : i32 to index
      %get3A_485 = tpu.vector_load %arg6[%get3A_483, %get3A_484] {strides = array<i32>} : memref<16x640xf32, #tpu.memory_space<vmem>>, vector<16xf32>,
      %add3A_486 = arith.addf %add3A_479, %get3A_485 : vector<16xf32>
      %mul3A_487 = arith.constant 16 : i32
      %mul3A_488 = arith.muli %add3A_403, %mul3A_487 : i32
      %get3A_489 = arith.constant 12 : i32
      %get3A_490 = arith.index_cast %get3A_489 : i32 to index
      %get3A_491 = arith.index_cast %mul3A_488 : i32 to index
      %get3A_492 = tpu.vector_load %arg6[%get3A_490, %get3A_491] {strides = array<i32>} : memref<16x640xf32, #tpu.memory_space<vmem>>, vector<16xf32>,
      %add3A_493 = arith.addf %add3A_486, %get3A_492 : vector<16xf32>
      %mul3A_494 = arith.constant 16 : i32
      %mul3A_495 = arith.muli %add3A_403, %mul3A_494 : i32
      %get3A_496 = arith.constant 13 : i32
      %get3A_497 = arith.index_cast %get3A_496 : i32 to index
      %get3A_498 = arith.index_cast %mul3A_495 : i32 to index
      %get3A_499 = tpu.vector_load %arg6[%get3A_497, %get3A_498] {strides = array<i32>} : memref<16x640xf32, #tpu.memory_space<vmem>>, vector<16xf32>,
      %add3A_500 = arith.addf %add3A_493, %get3A_499 : vector<16xf32>
      %mul3A_501 = arith.constant 16 : i32
      %mul3A_502 = arith.muli %add3A_403, %mul3A_501 : i32
      %get3A_503 = arith.constant 14 : i32
      %get3A_504 = arith.index_cast %get3A_503 : i32 to index
      %get3A_505 = arith.index_cast %mul3A_502 : i32 to index
      %get3A_506 = tpu.vector_load %arg6[%get3A_504, %get3A_505] {strides = array<i32>} : memref<16x640xf32, #tpu.memory_space<vmem>>, vector<16xf32>,
      %add3A_507 = arith.addf %add3A_500, %get3A_506 : vector<16xf32>
      %mul3A_508 = arith.constant 16 : i32
      %mul3A_509 = arith.muli %add3A_403, %mul3A_508 : i32
      %get3A_510 = arith.constant 15 : i32
      %get3A_511 = arith.index_cast %get3A_510 : i32 to index
      %get3A_512 = arith.index_cast %mul3A_509 : i32 to index
      %get3A_513 = tpu.vector_load %arg6[%get3A_511, %get3A_512] {strides = array<i32>} : memref<16x640xf32, #tpu.memory_space<vmem>>, vector<16xf32>,
      %add3A_514 = arith.addf %add3A_507, %get3A_513 : vector<16xf32>
      %mul3A_515 = arith.constant 16 : i32
      %mul3A_516 = arith.muli %add3A_403, %mul3A_515 : i32
      %swap3A_517 = arith.index_cast %mul3A_516 : i32 to index
      %swap3A_518 = tpu.vector_load %arg7[%swap3A_517] {strides = array<i32>} : memref<640xf32, #tpu.memory_space<vmem>>, vector<16xf32>,
      tpu.vector_store %arg7[%swap3A_517], %add3A_514 {strides = array<i32>} : memref<640xf32, #tpu.memory_space<vmem>>, vector<16xf32>,
    }
    %scan3A_34 = arith.constant 40 : i32
    %mul3A_35 = arith.constant 640 : i32
    %mul3A_36 = arith.muli %arg1, %mul3A_35 : i32
    "tpu.region"() ({
      %run_scoped3A = tpu.sem_alloc : memref<!tpu.dma_semaphore, #tpu.memory_space<semaphore_mem>>
      %dma_start3A_37 = tpu.memref_slice %arg3[%arg0, %mul3A_36] : memref<2x10240xf32, #tpu.memory_space<hbm>> -> memref<1x640xf32, #tpu.memory_space<hbm>>
      %dma_start3A_38 = tpu.memref_squeeze %dma_start3A_37 : memref<1x640xf32, #tpu.memory_space<hbm>> -> memref<640xf32, #tpu.memory_space<hbm>>
      %dma_start3A_39 = tpu.memref_slice %arg3[%arg0, %mul3A_36] : memref<2x10240xf32, #tpu.memory_space<hbm>> -> memref<1x640xf32, #tpu.memory_space<hbm>>
      %dma_start3A_40 = tpu.memref_squeeze %dma_start3A_39 : memref<1x640xf32, #tpu.memory_space<hbm>> -> memref<640xf32, #tpu.memory_space<hbm>>
      tpu.enqueue_dma source(%arg7 : memref<640xf32, #tpu.memory_space<vmem>>) target(%dma_start3A_40 : memref<640xf32, #tpu.memory_space<hbm>>) target_semaphore(%run_scoped3A : memref<!tpu.dma_semaphore, #tpu.memory_space<semaphore_mem>>)
      %dma_wait3A_41 = tpu.memref_slice %arg3[%arg0, %mul3A_36] : memref<2x10240xf32, #tpu.memory_space<hbm>> -> memref<1x640xf32, #tpu.memory_space<hbm>>
      %dma_wait3A_42 = tpu.memref_squeeze %dma_wait3A_41 : memref<1x640xf32, #tpu.memory_space<hbm>> -> memref<640xf32, #tpu.memory_space<hbm>>
      %dma_wait3A_43 = tpu.memref_slice %arg3[%arg0, %mul3A_36] : memref<2x10240xf32, #tpu.memory_space<hbm>> -> memref<1x640xf32, #tpu.memory_space<hbm>>
      %dma_wait3A_44 = tpu.memref_squeeze %dma_wait3A_43 : memref<1x640xf32, #tpu.memory_space<hbm>> -> memref<640xf32, #tpu.memory_space<hbm>>
      tpu.wait_dma2 semaphore(%run_scoped3A : memref<!tpu.dma_semaphore, #tpu.memory_space<semaphore_mem>>) src(%arg7 : memref<640xf32, #tpu.memory_space<vmem>>) dst(%dma_wait3A_44 : memref<640xf32, #tpu.memory_space<hbm>>)
      tpu.yield
    }) : () -> ()
    return
  }
}

#map = affine_map<(d0, d1) -> (0, 0)>
#map1 = affine_map<(d0, d1) -> (0)>
#map2 = affine_map<(d0, d1) -> (0, 0, 0)>
module attributes {stable_mosaic.version = 14 : i64} {
  func.func @_prop_kernel(%arg0: i32, %arg1: i32, %arg2: memref<10000x128xf32, #tpu.memory_space<hbm>>, %arg3: memref<320000xi32, #tpu.memory_space<hbm>>, %arg4: memref<320000xi32, #tpu.memory_space<hbm>>, %arg5: memref<2x10240x128xf32, #tpu.memory_space<hbm>>, %arg6: memref<10000xi32, #tpu.memory_space<vmem>>, %arg7: memref<80xi32, #tpu.memory_space<vmem>>, %arg8: memref<80xi32, #tpu.memory_space<vmem>>, %arg9: memref<80x128xf32, #tpu.memory_space<vmem>>, %arg10: memref<80x128xf32, #tpu.memory_space<vmem>>, %arg11: memref<10240x128xf32, #tpu.memory_space<vmem_shared>>, %arg12: memref<!tpu.dma_semaphore, #tpu.memory_space<semaphore_mem>>, %arg13: memref<!tpu.dma_semaphore, #tpu.memory_space<semaphore_mem>>, %arg14: memref<!tpu.dma_semaphore, #tpu.memory_space<semaphore_mem>>, %arg15: memref<!tpu.dma_semaphore, #tpu.memory_space<semaphore_mem>>) attributes {dimension_semantics = [#tpu.dimension_semantics<core_parallel>, #tpu.dimension_semantics<subcore_parallel>], iteration_bounds = array<i64: 2, 16>, scalar_prefetch = 0 : i64, scratch_operands = 10 : i64, tpu.core_type = #tpu.core_type<sc_vector_subcore>, window_params = [{transform_indices = #map}, {transform_indices = #map1}, {transform_indices = #map1}, {transform_indices = #map2}]} {
    %mul3A = arith.constant 16 : i32
    %mul3A_0 = arith.muli %arg0, %mul3A : i32
    %add3A = arith.addi %mul3A_0, %arg1 : i32
    %mul3A_1 = arith.constant 10000 : i32
    %mul3A_2 = arith.muli %add3A, %mul3A_1 : i32
    %multiple_of3A = tpu.assume_multiple %mul3A_2, 8 : i32
    %broadcast_in_dim3A = arith.constant 0.000000e+00 : f32
    %broadcast_in_dim3A_3 = vector.broadcast %broadcast_in_dim3A : f32 to vector<16xf32>
    %scan3A = arith.constant 0 : i32
    %scan3A_4 = arith.constant 80 : i32
    %scan3A_5 = arith.addi %scan3A, %scan3A_4 : i32
    %scan3A_6 = arith.constant 4 : i32
    scf.for %scan3A_62 = %scan3A to %scan3A_5 step %scan3A_6  : i32 {
      %mul3A_63 = arith.constant 1 : i32
      %mul3A_64 = arith.muli %scan3A_62, %mul3A_63 : i32
      %add3A_65 = arith.constant 0 : i32
      %add3A_66 = arith.addi %add3A_65, %mul3A_64 : i32
      %swap3A = arith.index_cast %add3A_66 : i32 to index
      %swap3A_67 = arith.constant 0 : index
      %swap3A_68 = tpu.vector_load %arg9[%swap3A, %swap3A_67] {strides = array<i32>} : memref<80x128xf32, #tpu.memory_space<vmem>>, vector<16xf32>,
      tpu.vector_store %arg9[%swap3A, %swap3A_67], %broadcast_in_dim3A_3 {strides = array<i32>} : memref<80x128xf32, #tpu.memory_space<vmem>>, vector<16xf32>,
      %swap3A_69 = arith.index_cast %add3A_66 : i32 to index
      %swap3A_70 = arith.constant 16 : index
      %swap3A_71 = tpu.vector_load %arg9[%swap3A_69, %swap3A_70] {strides = array<i32>} : memref<80x128xf32, #tpu.memory_space<vmem>>, vector<16xf32>,
      tpu.vector_store %arg9[%swap3A_69, %swap3A_70], %broadcast_in_dim3A_3 {strides = array<i32>} : memref<80x128xf32, #tpu.memory_space<vmem>>, vector<16xf32>,
      %swap3A_72 = arith.index_cast %add3A_66 : i32 to index
      %swap3A_73 = arith.constant 32 : index
      %swap3A_74 = tpu.vector_load %arg9[%swap3A_72, %swap3A_73] {strides = array<i32>} : memref<80x128xf32, #tpu.memory_space<vmem>>, vector<16xf32>,
      tpu.vector_store %arg9[%swap3A_72, %swap3A_73], %broadcast_in_dim3A_3 {strides = array<i32>} : memref<80x128xf32, #tpu.memory_space<vmem>>, vector<16xf32>,
      %swap3A_75 = arith.index_cast %add3A_66 : i32 to index
      %swap3A_76 = arith.constant 48 : index
      %swap3A_77 = tpu.vector_load %arg9[%swap3A_75, %swap3A_76] {strides = array<i32>} : memref<80x128xf32, #tpu.memory_space<vmem>>, vector<16xf32>,
      tpu.vector_store %arg9[%swap3A_75, %swap3A_76], %broadcast_in_dim3A_3 {strides = array<i32>} : memref<80x128xf32, #tpu.memory_space<vmem>>, vector<16xf32>,
      %swap3A_78 = arith.index_cast %add3A_66 : i32 to index
      %swap3A_79 = arith.constant 64 : index
      %swap3A_80 = tpu.vector_load %arg9[%swap3A_78, %swap3A_79] {strides = array<i32>} : memref<80x128xf32, #tpu.memory_space<vmem>>, vector<16xf32>,
      tpu.vector_store %arg9[%swap3A_78, %swap3A_79], %broadcast_in_dim3A_3 {strides = array<i32>} : memref<80x128xf32, #tpu.memory_space<vmem>>, vector<16xf32>,
      %swap3A_81 = arith.index_cast %add3A_66 : i32 to index
      %swap3A_82 = arith.constant 80 : index
      %swap3A_83 = tpu.vector_load %arg9[%swap3A_81, %swap3A_82] {strides = array<i32>} : memref<80x128xf32, #tpu.memory_space<vmem>>, vector<16xf32>,
      tpu.vector_store %arg9[%swap3A_81, %swap3A_82], %broadcast_in_dim3A_3 {strides = array<i32>} : memref<80x128xf32, #tpu.memory_space<vmem>>, vector<16xf32>,
      %swap3A_84 = arith.index_cast %add3A_66 : i32 to index
      %swap3A_85 = arith.constant 96 : index
      %swap3A_86 = tpu.vector_load %arg9[%swap3A_84, %swap3A_85] {strides = array<i32>} : memref<80x128xf32, #tpu.memory_space<vmem>>, vector<16xf32>,
      tpu.vector_store %arg9[%swap3A_84, %swap3A_85], %broadcast_in_dim3A_3 {strides = array<i32>} : memref<80x128xf32, #tpu.memory_space<vmem>>, vector<16xf32>,
      %swap3A_87 = arith.index_cast %add3A_66 : i32 to index
      %swap3A_88 = arith.constant 112 : index
      %swap3A_89 = tpu.vector_load %arg9[%swap3A_87, %swap3A_88] {strides = array<i32>} : memref<80x128xf32, #tpu.memory_space<vmem>>, vector<16xf32>,
      tpu.vector_store %arg9[%swap3A_87, %swap3A_88], %broadcast_in_dim3A_3 {strides = array<i32>} : memref<80x128xf32, #tpu.memory_space<vmem>>, vector<16xf32>,
      %scan3A_90 = arith.constant 1 : i32
      %scan3A_91 = arith.addi %scan3A_62, %scan3A_90 : i32
      %mul3A_92 = arith.constant 1 : i32
      %mul3A_93 = arith.muli %scan3A_91, %mul3A_92 : i32
      %add3A_94 = arith.constant 0 : i32
      %add3A_95 = arith.addi %add3A_94, %mul3A_93 : i32
      %swap3A_96 = arith.index_cast %add3A_95 : i32 to index
      %swap3A_97 = arith.constant 0 : index
      %swap3A_98 = tpu.vector_load %arg9[%swap3A_96, %swap3A_97] {strides = array<i32>} : memref<80x128xf32, #tpu.memory_space<vmem>>, vector<16xf32>,
      tpu.vector_store %arg9[%swap3A_96, %swap3A_97], %broadcast_in_dim3A_3 {strides = array<i32>} : memref<80x128xf32, #tpu.memory_space<vmem>>, vector<16xf32>,
      %swap3A_99 = arith.index_cast %add3A_95 : i32 to index
      %swap3A_100 = arith.constant 16 : index
      %swap3A_101 = tpu.vector_load %arg9[%swap3A_99, %swap3A_100] {strides = array<i32>} : memref<80x128xf32, #tpu.memory_space<vmem>>, vector<16xf32>,
      tpu.vector_store %arg9[%swap3A_99, %swap3A_100], %broadcast_in_dim3A_3 {strides = array<i32>} : memref<80x128xf32, #tpu.memory_space<vmem>>, vector<16xf32>,
      %swap3A_102 = arith.index_cast %add3A_95 : i32 to index
      %swap3A_103 = arith.constant 32 : index
      %swap3A_104 = tpu.vector_load %arg9[%swap3A_102, %swap3A_103] {strides = array<i32>} : memref<80x128xf32, #tpu.memory_space<vmem>>, vector<16xf32>,
      tpu.vector_store %arg9[%swap3A_102, %swap3A_103], %broadcast_in_dim3A_3 {strides = array<i32>} : memref<80x128xf32, #tpu.memory_space<vmem>>, vector<16xf32>,
      %swap3A_105 = arith.index_cast %add3A_95 : i32 to index
      %swap3A_106 = arith.constant 48 : index
      %swap3A_107 = tpu.vector_load %arg9[%swap3A_105, %swap3A_106] {strides = array<i32>} : memref<80x128xf32, #tpu.memory_space<vmem>>, vector<16xf32>,
      tpu.vector_store %arg9[%swap3A_105, %swap3A_106], %broadcast_in_dim3A_3 {strides = array<i32>} : memref<80x128xf32, #tpu.memory_space<vmem>>, vector<16xf32>,
      %swap3A_108 = arith.index_cast %add3A_95 : i32 to index
      %swap3A_109 = arith.constant 64 : index
      %swap3A_110 = tpu.vector_load %arg9[%swap3A_108, %swap3A_109] {strides = array<i32>} : memref<80x128xf32, #tpu.memory_space<vmem>>, vector<16xf32>,
      tpu.vector_store %arg9[%swap3A_108, %swap3A_109], %broadcast_in_dim3A_3 {strides = array<i32>} : memref<80x128xf32, #tpu.memory_space<vmem>>, vector<16xf32>,
      %swap3A_111 = arith.index_cast %add3A_95 : i32 to index
      %swap3A_112 = arith.constant 80 : index
      %swap3A_113 = tpu.vector_load %arg9[%swap3A_111, %swap3A_112] {strides = array<i32>} : memref<80x128xf32, #tpu.memory_space<vmem>>, vector<16xf32>,
      tpu.vector_store %arg9[%swap3A_111, %swap3A_112], %broadcast_in_dim3A_3 {strides = array<i32>} : memref<80x128xf32, #tpu.memory_space<vmem>>, vector<16xf32>,
      %swap3A_114 = arith.index_cast %add3A_95 : i32 to index
      %swap3A_115 = arith.constant 96 : index
      %swap3A_116 = tpu.vector_load %arg9[%swap3A_114, %swap3A_115] {strides = array<i32>} : memref<80x128xf32, #tpu.memory_space<vmem>>, vector<16xf32>,
      tpu.vector_store %arg9[%swap3A_114, %swap3A_115], %broadcast_in_dim3A_3 {strides = array<i32>} : memref<80x128xf32, #tpu.memory_space<vmem>>, vector<16xf32>,
      %swap3A_117 = arith.index_cast %add3A_95 : i32 to index
      %swap3A_118 = arith.constant 112 : index
      %swap3A_119 = tpu.vector_load %arg9[%swap3A_117, %swap3A_118] {strides = array<i32>} : memref<80x128xf32, #tpu.memory_space<vmem>>, vector<16xf32>,
      tpu.vector_store %arg9[%swap3A_117, %swap3A_118], %broadcast_in_dim3A_3 {strides = array<i32>} : memref<80x128xf32, #tpu.memory_space<vmem>>, vector<16xf32>,
      %scan3A_120 = arith.constant 2 : i32
      %scan3A_121 = arith.addi %scan3A_62, %scan3A_120 : i32
      %mul3A_122 = arith.constant 1 : i32
      %mul3A_123 = arith.muli %scan3A_121, %mul3A_122 : i32
      %add3A_124 = arith.constant 0 : i32
      %add3A_125 = arith.addi %add3A_124, %mul3A_123 : i32
      %swap3A_126 = arith.index_cast %add3A_125 : i32 to index
      %swap3A_127 = arith.constant 0 : index
      %swap3A_128 = tpu.vector_load %arg9[%swap3A_126, %swap3A_127] {strides = array<i32>} : memref<80x128xf32, #tpu.memory_space<vmem>>, vector<16xf32>,
      tpu.vector_store %arg9[%swap3A_126, %swap3A_127], %broadcast_in_dim3A_3 {strides = array<i32>} : memref<80x128xf32, #tpu.memory_space<vmem>>, vector<16xf32>,
      %swap3A_129 = arith.index_cast %add3A_125 : i32 to index
      %swap3A_130 = arith.constant 16 : index
      %swap3A_131 = tpu.vector_load %arg9[%swap3A_129, %swap3A_130] {strides = array<i32>} : memref<80x128xf32, #tpu.memory_space<vmem>>, vector<16xf32>,
      tpu.vector_store %arg9[%swap3A_129, %swap3A_130], %broadcast_in_dim3A_3 {strides = array<i32>} : memref<80x128xf32, #tpu.memory_space<vmem>>, vector<16xf32>,
      %swap3A_132 = arith.index_cast %add3A_125 : i32 to index
      %swap3A_133 = arith.constant 32 : index
      %swap3A_134 = tpu.vector_load %arg9[%swap3A_132, %swap3A_133] {strides = array<i32>} : memref<80x128xf32, #tpu.memory_space<vmem>>, vector<16xf32>,
      tpu.vector_store %arg9[%swap3A_132, %swap3A_133], %broadcast_in_dim3A_3 {strides = array<i32>} : memref<80x128xf32, #tpu.memory_space<vmem>>, vector<16xf32>,
      %swap3A_135 = arith.index_cast %add3A_125 : i32 to index
      %swap3A_136 = arith.constant 48 : index
      %swap3A_137 = tpu.vector_load %arg9[%swap3A_135, %swap3A_136] {strides = array<i32>} : memref<80x128xf32, #tpu.memory_space<vmem>>, vector<16xf32>,
      tpu.vector_store %arg9[%swap3A_135, %swap3A_136], %broadcast_in_dim3A_3 {strides = array<i32>} : memref<80x128xf32, #tpu.memory_space<vmem>>, vector<16xf32>,
      %swap3A_138 = arith.index_cast %add3A_125 : i32 to index
      %swap3A_139 = arith.constant 64 : index
      %swap3A_140 = tpu.vector_load %arg9[%swap3A_138, %swap3A_139] {strides = array<i32>} : memref<80x128xf32, #tpu.memory_space<vmem>>, vector<16xf32>,
      tpu.vector_store %arg9[%swap3A_138, %swap3A_139], %broadcast_in_dim3A_3 {strides = array<i32>} : memref<80x128xf32, #tpu.memory_space<vmem>>, vector<16xf32>,
      %swap3A_141 = arith.index_cast %add3A_125 : i32 to index
      %swap3A_142 = arith.constant 80 : index
      %swap3A_143 = tpu.vector_load %arg9[%swap3A_141, %swap3A_142] {strides = array<i32>} : memref<80x128xf32, #tpu.memory_space<vmem>>, vector<16xf32>,
      tpu.vector_store %arg9[%swap3A_141, %swap3A_142], %broadcast_in_dim3A_3 {strides = array<i32>} : memref<80x128xf32, #tpu.memory_space<vmem>>, vector<16xf32>,
      %swap3A_144 = arith.index_cast %add3A_125 : i32 to index
      %swap3A_145 = arith.constant 96 : index
      %swap3A_146 = tpu.vector_load %arg9[%swap3A_144, %swap3A_145] {strides = array<i32>} : memref<80x128xf32, #tpu.memory_space<vmem>>, vector<16xf32>,
      tpu.vector_store %arg9[%swap3A_144, %swap3A_145], %broadcast_in_dim3A_3 {strides = array<i32>} : memref<80x128xf32, #tpu.memory_space<vmem>>, vector<16xf32>,
      %swap3A_147 = arith.index_cast %add3A_125 : i32 to index
      %swap3A_148 = arith.constant 112 : index
      %swap3A_149 = tpu.vector_load %arg9[%swap3A_147, %swap3A_148] {strides = array<i32>} : memref<80x128xf32, #tpu.memory_space<vmem>>, vector<16xf32>,
      tpu.vector_store %arg9[%swap3A_147, %swap3A_148], %broadcast_in_dim3A_3 {strides = array<i32>} : memref<80x128xf32, #tpu.memory_space<vmem>>, vector<16xf32>,
      %scan3A_150 = arith.constant 3 : i32
      %scan3A_151 = arith.addi %scan3A_62, %scan3A_150 : i32
      %mul3A_152 = arith.constant 1 : i32
      %mul3A_153 = arith.muli %scan3A_151, %mul3A_152 : i32
      %add3A_154 = arith.constant 0 : i32
      %add3A_155 = arith.addi %add3A_154, %mul3A_153 : i32
      %swap3A_156 = arith.index_cast %add3A_155 : i32 to index
      %swap3A_157 = arith.constant 0 : index
      %swap3A_158 = tpu.vector_load %arg9[%swap3A_156, %swap3A_157] {strides = array<i32>} : memref<80x128xf32, #tpu.memory_space<vmem>>, vector<16xf32>,
      tpu.vector_store %arg9[%swap3A_156, %swap3A_157], %broadcast_in_dim3A_3 {strides = array<i32>} : memref<80x128xf32, #tpu.memory_space<vmem>>, vector<16xf32>,
      %swap3A_159 = arith.index_cast %add3A_155 : i32 to index
      %swap3A_160 = arith.constant 16 : index
      %swap3A_161 = tpu.vector_load %arg9[%swap3A_159, %swap3A_160] {strides = array<i32>} : memref<80x128xf32, #tpu.memory_space<vmem>>, vector<16xf32>,
      tpu.vector_store %arg9[%swap3A_159, %swap3A_160], %broadcast_in_dim3A_3 {strides = array<i32>} : memref<80x128xf32, #tpu.memory_space<vmem>>, vector<16xf32>,
      %swap3A_162 = arith.index_cast %add3A_155 : i32 to index
      %swap3A_163 = arith.constant 32 : index
      %swap3A_164 = tpu.vector_load %arg9[%swap3A_162, %swap3A_163] {strides = array<i32>} : memref<80x128xf32, #tpu.memory_space<vmem>>, vector<16xf32>,
      tpu.vector_store %arg9[%swap3A_162, %swap3A_163], %broadcast_in_dim3A_3 {strides = array<i32>} : memref<80x128xf32, #tpu.memory_space<vmem>>, vector<16xf32>,
      %swap3A_165 = arith.index_cast %add3A_155 : i32 to index
      %swap3A_166 = arith.constant 48 : index
      %swap3A_167 = tpu.vector_load %arg9[%swap3A_165, %swap3A_166] {strides = array<i32>} : memref<80x128xf32, #tpu.memory_space<vmem>>, vector<16xf32>,
      tpu.vector_store %arg9[%swap3A_165, %swap3A_166], %broadcast_in_dim3A_3 {strides = array<i32>} : memref<80x128xf32, #tpu.memory_space<vmem>>, vector<16xf32>,
      %swap3A_168 = arith.index_cast %add3A_155 : i32 to index
      %swap3A_169 = arith.constant 64 : index
      %swap3A_170 = tpu.vector_load %arg9[%swap3A_168, %swap3A_169] {strides = array<i32>} : memref<80x128xf32, #tpu.memory_space<vmem>>, vector<16xf32>,
      tpu.vector_store %arg9[%swap3A_168, %swap3A_169], %broadcast_in_dim3A_3 {strides = array<i32>} : memref<80x128xf32, #tpu.memory_space<vmem>>, vector<16xf32>,
      %swap3A_171 = arith.index_cast %add3A_155 : i32 to index
      %swap3A_172 = arith.constant 80 : index
      %swap3A_173 = tpu.vector_load %arg9[%swap3A_171, %swap3A_172] {strides = array<i32>} : memref<80x128xf32, #tpu.memory_space<vmem>>, vector<16xf32>,
      tpu.vector_store %arg9[%swap3A_171, %swap3A_172], %broadcast_in_dim3A_3 {strides = array<i32>} : memref<80x128xf32, #tpu.memory_space<vmem>>, vector<16xf32>,
      %swap3A_174 = arith.index_cast %add3A_155 : i32 to index
      %swap3A_175 = arith.constant 96 : index
      %swap3A_176 = tpu.vector_load %arg9[%swap3A_174, %swap3A_175] {strides = array<i32>} : memref<80x128xf32, #tpu.memory_space<vmem>>, vector<16xf32>,
      tpu.vector_store %arg9[%swap3A_174, %swap3A_175], %broadcast_in_dim3A_3 {strides = array<i32>} : memref<80x128xf32, #tpu.memory_space<vmem>>, vector<16xf32>,
      %swap3A_177 = arith.index_cast %add3A_155 : i32 to index
      %swap3A_178 = arith.constant 112 : index
      %swap3A_179 = tpu.vector_load %arg9[%swap3A_177, %swap3A_178] {strides = array<i32>} : memref<80x128xf32, #tpu.memory_space<vmem>>, vector<16xf32>,
      tpu.vector_store %arg9[%swap3A_177, %swap3A_178], %broadcast_in_dim3A_3 {strides = array<i32>} : memref<80x128xf32, #tpu.memory_space<vmem>>, vector<16xf32>,
    }
    %scan3A_7 = arith.constant 80 : i32
    %mul3A_8 = arith.constant 640 : i32
    %mul3A_9 = arith.muli %arg1, %mul3A_8 : i32
    %add3A_10 = arith.constant 0 : i32
    %add3A_11 = arith.addi %mul3A_9, %add3A_10 : i32
    "tpu.region"() ({
      %run_scoped3A = tpu.sem_alloc : memref<!tpu.dma_semaphore, #tpu.memory_space<semaphore_mem>>
      %dma_start3A_62 = arith.constant 0 : i32
      %dma_start3A_63 = tpu.memref_slice %arg11[%add3A_11, %dma_start3A_62] : memref<10240x128xf32, #tpu.memory_space<vmem_shared>> -> memref<80x128xf32, #tpu.memory_space<vmem_shared>>
      %dma_start3A_64 = arith.constant 0 : i32
      %dma_start3A_65 = tpu.memref_slice %arg11[%add3A_11, %dma_start3A_64] : memref<10240x128xf32, #tpu.memory_space<vmem_shared>> -> memref<80x128xf32, #tpu.memory_space<vmem_shared>>
      tpu.enqueue_dma source(%arg9 : memref<80x128xf32, #tpu.memory_space<vmem>>) target(%dma_start3A_65 : memref<80x128xf32, #tpu.memory_space<vmem_shared>>) target_semaphore(%run_scoped3A : memref<!tpu.dma_semaphore, #tpu.memory_space<semaphore_mem>>)
      %dma_wait3A_66 = arith.constant 0 : i32
      %dma_wait3A_67 = tpu.memref_slice %arg11[%add3A_11, %dma_wait3A_66] : memref<10240x128xf32, #tpu.memory_space<vmem_shared>> -> memref<80x128xf32, #tpu.memory_space<vmem_shared>>
      %dma_wait3A_68 = arith.constant 0 : i32
      %dma_wait3A_69 = tpu.memref_slice %arg11[%add3A_11, %dma_wait3A_68] : memref<10240x128xf32, #tpu.memory_space<vmem_shared>> -> memref<80x128xf32, #tpu.memory_space<vmem_shared>>
      tpu.wait_dma2 semaphore(%run_scoped3A : memref<!tpu.dma_semaphore, #tpu.memory_space<semaphore_mem>>) src(%arg9 : memref<80x128xf32, #tpu.memory_space<vmem>>) dst(%dma_wait3A_69 : memref<80x128xf32, #tpu.memory_space<vmem_shared>>)
      tpu.yield
    }) : () -> ()
    %mul3A_12 = arith.constant 640 : i32
    %mul3A_13 = arith.muli %arg1, %mul3A_12 : i32
    %add3A_14 = arith.constant 80 : i32
    %add3A_15 = arith.addi %mul3A_13, %add3A_14 : i32
    "tpu.region"() ({
      %run_scoped3A = tpu.sem_alloc : memref<!tpu.dma_semaphore, #tpu.memory_space<semaphore_mem>>
      %dma_start3A_62 = arith.constant 0 : i32
      %dma_start3A_63 = tpu.memref_slice %arg11[%add3A_15, %dma_start3A_62] : memref<10240x128xf32, #tpu.memory_space<vmem_shared>> -> memref<80x128xf32, #tpu.memory_space<vmem_shared>>
      %dma_start3A_64 = arith.constant 0 : i32
      %dma_start3A_65 = tpu.memref_slice %arg11[%add3A_15, %dma_start3A_64] : memref<10240x128xf32, #tpu.memory_space<vmem_shared>> -> memref<80x128xf32, #tpu.memory_space<vmem_shared>>
      tpu.enqueue_dma source(%arg9 : memref<80x128xf32, #tpu.memory_space<vmem>>) target(%dma_start3A_65 : memref<80x128xf32, #tpu.memory_space<vmem_shared>>) target_semaphore(%run_scoped3A : memref<!tpu.dma_semaphore, #tpu.memory_space<semaphore_mem>>)
      %dma_wait3A_66 = arith.constant 0 : i32
      %dma_wait3A_67 = tpu.memref_slice %arg11[%add3A_15, %dma_wait3A_66] : memref<10240x128xf32, #tpu.memory_space<vmem_shared>> -> memref<80x128xf32, #tpu.memory_space<vmem_shared>>
      %dma_wait3A_68 = arith.constant 0 : i32
      %dma_wait3A_69 = tpu.memref_slice %arg11[%add3A_15, %dma_wait3A_68] : memref<10240x128xf32, #tpu.memory_space<vmem_shared>> -> memref<80x128xf32, #tpu.memory_space<vmem_shared>>
      tpu.wait_dma2 semaphore(%run_scoped3A : memref<!tpu.dma_semaphore, #tpu.memory_space<semaphore_mem>>) src(%arg9 : memref<80x128xf32, #tpu.memory_space<vmem>>) dst(%dma_wait3A_69 : memref<80x128xf32, #tpu.memory_space<vmem_shared>>)
      tpu.yield
    }) : () -> ()
    %mul3A_16 = arith.constant 640 : i32
    %mul3A_17 = arith.muli %arg1, %mul3A_16 : i32
    %add3A_18 = arith.constant 160 : i32
    %add3A_19 = arith.addi %mul3A_17, %add3A_18 : i32
    "tpu.region"() ({
      %run_scoped3A = tpu.sem_alloc : memref<!tpu.dma_semaphore, #tpu.memory_space<semaphore_mem>>
      %dma_start3A_62 = arith.constant 0 : i32
      %dma_start3A_63 = tpu.memref_slice %arg11[%add3A_19, %dma_start3A_62] : memref<10240x128xf32, #tpu.memory_space<vmem_shared>> -> memref<80x128xf32, #tpu.memory_space<vmem_shared>>
      %dma_start3A_64 = arith.constant 0 : i32
      %dma_start3A_65 = tpu.memref_slice %arg11[%add3A_19, %dma_start3A_64] : memref<10240x128xf32, #tpu.memory_space<vmem_shared>> -> memref<80x128xf32, #tpu.memory_space<vmem_shared>>
      tpu.enqueue_dma source(%arg9 : memref<80x128xf32, #tpu.memory_space<vmem>>) target(%dma_start3A_65 : memref<80x128xf32, #tpu.memory_space<vmem_shared>>) target_semaphore(%run_scoped3A : memref<!tpu.dma_semaphore, #tpu.memory_space<semaphore_mem>>)
      %dma_wait3A_66 = arith.constant 0 : i32
      %dma_wait3A_67 = tpu.memref_slice %arg11[%add3A_19, %dma_wait3A_66] : memref<10240x128xf32, #tpu.memory_space<vmem_shared>> -> memref<80x128xf32, #tpu.memory_space<vmem_shared>>
      %dma_wait3A_68 = arith.constant 0 : i32
      %dma_wait3A_69 = tpu.memref_slice %arg11[%add3A_19, %dma_wait3A_68] : memref<10240x128xf32, #tpu.memory_space<vmem_shared>> -> memref<80x128xf32, #tpu.memory_space<vmem_shared>>
      tpu.wait_dma2 semaphore(%run_scoped3A : memref<!tpu.dma_semaphore, #tpu.memory_space<semaphore_mem>>) src(%arg9 : memref<80x128xf32, #tpu.memory_space<vmem>>) dst(%dma_wait3A_69 : memref<80x128xf32, #tpu.memory_space<vmem_shared>>)
      tpu.yield
    }) : () -> ()
    %mul3A_20 = arith.constant 640 : i32
    %mul3A_21 = arith.muli %arg1, %mul3A_20 : i32
    %add3A_22 = arith.constant 240 : i32
    %add3A_23 = arith.addi %mul3A_21, %add3A_22 : i32
    "tpu.region"() ({
      %run_scoped3A = tpu.sem_alloc : memref<!tpu.dma_semaphore, #tpu.memory_space<semaphore_mem>>
      %dma_start3A_62 = arith.constant 0 : i32
      %dma_start3A_63 = tpu.memref_slice %arg11[%add3A_23, %dma_start3A_62] : memref<10240x128xf32, #tpu.memory_space<vmem_shared>> -> memref<80x128xf32, #tpu.memory_space<vmem_shared>>
      %dma_start3A_64 = arith.constant 0 : i32
      %dma_start3A_65 = tpu.memref_slice %arg11[%add3A_23, %dma_start3A_64] : memref<10240x128xf32, #tpu.memory_space<vmem_shared>> -> memref<80x128xf32, #tpu.memory_space<vmem_shared>>
      tpu.enqueue_dma source(%arg9 : memref<80x128xf32, #tpu.memory_space<vmem>>) target(%dma_start3A_65 : memref<80x128xf32, #tpu.memory_space<vmem_shared>>) target_semaphore(%run_scoped3A : memref<!tpu.dma_semaphore, #tpu.memory_space<semaphore_mem>>)
      %dma_wait3A_66 = arith.constant 0 : i32
      %dma_wait3A_67 = tpu.memref_slice %arg11[%add3A_23, %dma_wait3A_66] : memref<10240x128xf32, #tpu.memory_space<vmem_shared>> -> memref<80x128xf32, #tpu.memory_space<vmem_shared>>
      %dma_wait3A_68 = arith.constant 0 : i32
      %dma_wait3A_69 = tpu.memref_slice %arg11[%add3A_23, %dma_wait3A_68] : memref<10240x128xf32, #tpu.memory_space<vmem_shared>> -> memref<80x128xf32, #tpu.memory_space<vmem_shared>>
      tpu.wait_dma2 semaphore(%run_scoped3A : memref<!tpu.dma_semaphore, #tpu.memory_space<semaphore_mem>>) src(%arg9 : memref<80x128xf32, #tpu.memory_space<vmem>>) dst(%dma_wait3A_69 : memref<80x128xf32, #tpu.memory_space<vmem_shared>>)
      tpu.yield
    }) : () -> ()
    %mul3A_24 = arith.constant 640 : i32
    %mul3A_25 = arith.muli %arg1, %mul3A_24 : i32
    %add3A_26 = arith.constant 320 : i32
    %add3A_27 = arith.addi %mul3A_25, %add3A_26 : i32
    "tpu.region"() ({
      %run_scoped3A = tpu.sem_alloc : memref<!tpu.dma_semaphore, #tpu.memory_space<semaphore_mem>>
      %dma_start3A_62 = arith.constant 0 : i32
      %dma_start3A_63 = tpu.memref_slice %arg11[%add3A_27, %dma_start3A_62] : memref<10240x128xf32, #tpu.memory_space<vmem_shared>> -> memref<80x128xf32, #tpu.memory_space<vmem_shared>>
      %dma_start3A_64 = arith.constant 0 : i32
      %dma_start3A_65 = tpu.memref_slice %arg11[%add3A_27, %dma_start3A_64] : memref<10240x128xf32, #tpu.memory_space<vmem_shared>> -> memref<80x128xf32, #tpu.memory_space<vmem_shared>>
      tpu.enqueue_dma source(%arg9 : memref<80x128xf32, #tpu.memory_space<vmem>>) target(%dma_start3A_65 : memref<80x128xf32, #tpu.memory_space<vmem_shared>>) target_semaphore(%run_scoped3A : memref<!tpu.dma_semaphore, #tpu.memory_space<semaphore_mem>>)
      %dma_wait3A_66 = arith.constant 0 : i32
      %dma_wait3A_67 = tpu.memref_slice %arg11[%add3A_27, %dma_wait3A_66] : memref<10240x128xf32, #tpu.memory_space<vmem_shared>> -> memref<80x128xf32, #tpu.memory_space<vmem_shared>>
      %dma_wait3A_68 = arith.constant 0 : i32
      %dma_wait3A_69 = tpu.memref_slice %arg11[%add3A_27, %dma_wait3A_68] : memref<10240x128xf32, #tpu.memory_space<vmem_shared>> -> memref<80x128xf32, #tpu.memory_space<vmem_shared>>
      tpu.wait_dma2 semaphore(%run_scoped3A : memref<!tpu.dma_semaphore, #tpu.memory_space<semaphore_mem>>) src(%arg9 : memref<80x128xf32, #tpu.memory_space<vmem>>) dst(%dma_wait3A_69 : memref<80x128xf32, #tpu.memory_space<vmem_shared>>)
      tpu.yield
    }) : () -> ()
    %mul3A_28 = arith.constant 640 : i32
    %mul3A_29 = arith.muli %arg1, %mul3A_28 : i32
    %add3A_30 = arith.constant 400 : i32
    %add3A_31 = arith.addi %mul3A_29, %add3A_30 : i32
    "tpu.region"() ({
      %run_scoped3A = tpu.sem_alloc : memref<!tpu.dma_semaphore, #tpu.memory_space<semaphore_mem>>
      %dma_start3A_62 = arith.constant 0 : i32
      %dma_start3A_63 = tpu.memref_slice %arg11[%add3A_31, %dma_start3A_62] : memref<10240x128xf32, #tpu.memory_space<vmem_shared>> -> memref<80x128xf32, #tpu.memory_space<vmem_shared>>
      %dma_start3A_64 = arith.constant 0 : i32
      %dma_start3A_65 = tpu.memref_slice %arg11[%add3A_31, %dma_start3A_64] : memref<10240x128xf32, #tpu.memory_space<vmem_shared>> -> memref<80x128xf32, #tpu.memory_space<vmem_shared>>
      tpu.enqueue_dma source(%arg9 : memref<80x128xf32, #tpu.memory_space<vmem>>) target(%dma_start3A_65 : memref<80x128xf32, #tpu.memory_space<vmem_shared>>) target_semaphore(%run_scoped3A : memref<!tpu.dma_semaphore, #tpu.memory_space<semaphore_mem>>)
      %dma_wait3A_66 = arith.constant 0 : i32
      %dma_wait3A_67 = tpu.memref_slice %arg11[%add3A_31, %dma_wait3A_66] : memref<10240x128xf32, #tpu.memory_space<vmem_shared>> -> memref<80x128xf32, #tpu.memory_space<vmem_shared>>
      %dma_wait3A_68 = arith.constant 0 : i32
      %dma_wait3A_69 = tpu.memref_slice %arg11[%add3A_31, %dma_wait3A_68] : memref<10240x128xf32, #tpu.memory_space<vmem_shared>> -> memref<80x128xf32, #tpu.memory_space<vmem_shared>>
      tpu.wait_dma2 semaphore(%run_scoped3A : memref<!tpu.dma_semaphore, #tpu.memory_space<semaphore_mem>>) src(%arg9 : memref<80x128xf32, #tpu.memory_space<vmem>>) dst(%dma_wait3A_69 : memref<80x128xf32, #tpu.memory_space<vmem_shared>>)
      tpu.yield
    }) : () -> ()
    %mul3A_32 = arith.constant 640 : i32
    %mul3A_33 = arith.muli %arg1, %mul3A_32 : i32
    %add3A_34 = arith.constant 480 : i32
    %add3A_35 = arith.addi %mul3A_33, %add3A_34 : i32
    "tpu.region"() ({
      %run_scoped3A = tpu.sem_alloc : memref<!tpu.dma_semaphore, #tpu.memory_space<semaphore_mem>>
      %dma_start3A_62 = arith.constant 0 : i32
      %dma_start3A_63 = tpu.memref_slice %arg11[%add3A_35, %dma_start3A_62] : memref<10240x128xf32, #tpu.memory_space<vmem_shared>> -> memref<80x128xf32, #tpu.memory_space<vmem_shared>>
      %dma_start3A_64 = arith.constant 0 : i32
      %dma_start3A_65 = tpu.memref_slice %arg11[%add3A_35, %dma_start3A_64] : memref<10240x128xf32, #tpu.memory_space<vmem_shared>> -> memref<80x128xf32, #tpu.memory_space<vmem_shared>>
      tpu.enqueue_dma source(%arg9 : memref<80x128xf32, #tpu.memory_space<vmem>>) target(%dma_start3A_65 : memref<80x128xf32, #tpu.memory_space<vmem_shared>>) target_semaphore(%run_scoped3A : memref<!tpu.dma_semaphore, #tpu.memory_space<semaphore_mem>>)
      %dma_wait3A_66 = arith.constant 0 : i32
      %dma_wait3A_67 = tpu.memref_slice %arg11[%add3A_35, %dma_wait3A_66] : memref<10240x128xf32, #tpu.memory_space<vmem_shared>> -> memref<80x128xf32, #tpu.memory_space<vmem_shared>>
      %dma_wait3A_68 = arith.constant 0 : i32
      %dma_wait3A_69 = tpu.memref_slice %arg11[%add3A_35, %dma_wait3A_68] : memref<10240x128xf32, #tpu.memory_space<vmem_shared>> -> memref<80x128xf32, #tpu.memory_space<vmem_shared>>
      tpu.wait_dma2 semaphore(%run_scoped3A : memref<!tpu.dma_semaphore, #tpu.memory_space<semaphore_mem>>) src(%arg9 : memref<80x128xf32, #tpu.memory_space<vmem>>) dst(%dma_wait3A_69 : memref<80x128xf32, #tpu.memory_space<vmem_shared>>)
      tpu.yield
    }) : () -> ()
    %mul3A_36 = arith.constant 640 : i32
    %mul3A_37 = arith.muli %arg1, %mul3A_36 : i32
    %add3A_38 = arith.constant 560 : i32
    %add3A_39 = arith.addi %mul3A_37, %add3A_38 : i32
    "tpu.region"() ({
      %run_scoped3A = tpu.sem_alloc : memref<!tpu.dma_semaphore, #tpu.memory_space<semaphore_mem>>
      %dma_start3A_62 = arith.constant 0 : i32
      %dma_start3A_63 = tpu.memref_slice %arg11[%add3A_39, %dma_start3A_62] : memref<10240x128xf32, #tpu.memory_space<vmem_shared>> -> memref<80x128xf32, #tpu.memory_space<vmem_shared>>
      %dma_start3A_64 = arith.constant 0 : i32
      %dma_start3A_65 = tpu.memref_slice %arg11[%add3A_39, %dma_start3A_64] : memref<10240x128xf32, #tpu.memory_space<vmem_shared>> -> memref<80x128xf32, #tpu.memory_space<vmem_shared>>
      tpu.enqueue_dma source(%arg9 : memref<80x128xf32, #tpu.memory_space<vmem>>) target(%dma_start3A_65 : memref<80x128xf32, #tpu.memory_space<vmem_shared>>) target_semaphore(%run_scoped3A : memref<!tpu.dma_semaphore, #tpu.memory_space<semaphore_mem>>)
      %dma_wait3A_66 = arith.constant 0 : i32
      %dma_wait3A_67 = tpu.memref_slice %arg11[%add3A_39, %dma_wait3A_66] : memref<10240x128xf32, #tpu.memory_space<vmem_shared>> -> memref<80x128xf32, #tpu.memory_space<vmem_shared>>
      %dma_wait3A_68 = arith.constant 0 : i32
      %dma_wait3A_69 = tpu.memref_slice %arg11[%add3A_39, %dma_wait3A_68] : memref<10240x128xf32, #tpu.memory_space<vmem_shared>> -> memref<80x128xf32, #tpu.memory_space<vmem_shared>>
      tpu.wait_dma2 semaphore(%run_scoped3A : memref<!tpu.dma_semaphore, #tpu.memory_space<semaphore_mem>>) src(%arg9 : memref<80x128xf32, #tpu.memory_space<vmem>>) dst(%dma_wait3A_69 : memref<80x128xf32, #tpu.memory_space<vmem_shared>>)
      tpu.yield
    }) : () -> ()
    "tpu.region"() ({
      %run_scoped3A = tpu.sem_alloc : memref<!tpu.dma_semaphore, #tpu.memory_space<semaphore_mem>>
      %dma_start3A_62 = tpu.memref_slice %arg3[%multiple_of3A] : memref<320000xi32, #tpu.memory_space<hbm>> -> memref<10000xi32, #tpu.memory_space<hbm>>
      %dma_start3A_63 = tpu.memref_slice %arg3[%multiple_of3A] : memref<320000xi32, #tpu.memory_space<hbm>> -> memref<10000xi32, #tpu.memory_space<hbm>>
      tpu.enqueue_dma source(%dma_start3A_63 : memref<10000xi32, #tpu.memory_space<hbm>>) target(%arg6 : memref<10000xi32, #tpu.memory_space<vmem>>) target_semaphore(%run_scoped3A : memref<!tpu.dma_semaphore, #tpu.memory_space<semaphore_mem>>)
      %dma_wait3A_64 = tpu.memref_slice %arg3[%multiple_of3A] : memref<320000xi32, #tpu.memory_space<hbm>> -> memref<10000xi32, #tpu.memory_space<hbm>>
      %dma_wait3A_65 = tpu.memref_slice %arg3[%multiple_of3A] : memref<320000xi32, #tpu.memory_space<hbm>> -> memref<10000xi32, #tpu.memory_space<hbm>>
      tpu.wait_dma2 semaphore(%run_scoped3A : memref<!tpu.dma_semaphore, #tpu.memory_space<semaphore_mem>>) src(%dma_wait3A_65 : memref<10000xi32, #tpu.memory_space<hbm>>) dst(%arg6 : memref<10000xi32, #tpu.memory_space<vmem>>)
      tpu.yield
    }) : () -> ()
    %dma_start3A = tpu.memref_slice %arg4[%multiple_of3A] : memref<320000xi32, #tpu.memory_space<hbm>> -> memref<80xi32, #tpu.memory_space<hbm>>
    %dma_start3A_40 = tpu.memref_slice %arg4[%multiple_of3A] : memref<320000xi32, #tpu.memory_space<hbm>> -> memref<80xi32, #tpu.memory_space<hbm>>
    tpu.enqueue_dma source(%dma_start3A_40 : memref<80xi32, #tpu.memory_space<hbm>>) target(%arg7 : memref<80xi32, #tpu.memory_space<vmem>>) target_semaphore(%arg14 : memref<!tpu.dma_semaphore, #tpu.memory_space<semaphore_mem>>)
    %dma_start3A_41 = arith.constant 0 : i32
    %dma_start3A_42 = tpu.memref_slice %arg6[%dma_start3A_41] : memref<10000xi32, #tpu.memory_space<vmem>> -> memref<80xi32, #tpu.memory_space<vmem>>
    %dma_start3A_43 = arith.constant 0 : i32
    %dma_start3A_44 = arith.constant 0 : i32
    %dma_start3A_45 = tpu.memref_slice %arg2[%dma_start3A_43, %dma_start3A_44] : memref<10000x128xf32, #tpu.memory_space<hbm>> -> memref<10000x128xf32, #tpu.memory_space<hbm>>
    tpu.enqueue_indirect_dma source(%dma_start3A_45 : memref<10000x128xf32, #tpu.memory_space<hbm>>) target(%arg9 : memref<80x128xf32, #tpu.memory_space<vmem>>) offsets(%dma_start3A_42 : memref<80xi32, #tpu.memory_space<vmem>>) semaphore(%arg12 : memref<!tpu.dma_semaphore, #tpu.memory_space<semaphore_mem>>)
    %barrier3A = arith.constant 0 : index
    tpu.barrier barrier_id(%barrier3A)
    %scan3A_46 = arith.constant 0 : i32
    %scan3A_47 = arith.constant 62 : i32
    %scan3A_48 = arith.addi %scan3A_46, %scan3A_47 : i32
    %scan3A_49 = arith.constant 1 : i32
    scf.for %scan3A_62 = %scan3A_46 to %scan3A_48 step %scan3A_49  : i32 {
      %mul3A_63 = arith.constant 1 : i32
      %mul3A_64 = arith.muli %scan3A_62, %mul3A_63 : i32
      %add3A_65 = arith.constant 0 : i32
      %add3A_66 = arith.addi %add3A_65, %mul3A_64 : i32
      %mul3A_67 = arith.constant 2 : i32
      %mul3A_68 = arith.muli %add3A_66, %mul3A_67 : i32
      %add3A_69 = arith.constant 1 : i32
      %add3A_70 = arith.addi %mul3A_68, %add3A_69 : i32
      %mul3A_71 = arith.constant 80 : i32
      %mul3A_72 = arith.muli %add3A_70, %mul3A_71 : i32
      %multiple_of3A_73 = tpu.assume_multiple %mul3A_72, 8 : i32
      %add3A_74 = arith.constant 2 : i32
      %add3A_75 = arith.addi %mul3A_68, %add3A_74 : i32
      %mul3A_76 = arith.constant 80 : i32
      %mul3A_77 = arith.muli %add3A_75, %mul3A_76 : i32
      %multiple_of3A_78 = tpu.assume_multiple %mul3A_77, 8 : i32
      %add3A_79 = arith.addi %multiple_of3A, %multiple_of3A_73 : i32
      %dma_start3A_80 = tpu.memref_slice %arg4[%add3A_79] : memref<320000xi32, #tpu.memory_space<hbm>> -> memref<80xi32, #tpu.memory_space<hbm>>
      %dma_start3A_81 = tpu.memref_slice %arg4[%add3A_79] : memref<320000xi32, #tpu.memory_space<hbm>> -> memref<80xi32, #tpu.memory_space<hbm>>
      tpu.enqueue_dma source(%dma_start3A_81 : memref<80xi32, #tpu.memory_space<hbm>>) target(%arg8 : memref<80xi32, #tpu.memory_space<vmem>>) target_semaphore(%arg15 : memref<!tpu.dma_semaphore, #tpu.memory_space<semaphore_mem>>)
      %dma_start3A_82 = tpu.memref_slice %arg6[%multiple_of3A_73] : memref<10000xi32, #tpu.memory_space<vmem>> -> memref<80xi32, #tpu.memory_space<vmem>>
      %dma_start3A_83 = arith.constant 0 : i32
      %dma_start3A_84 = arith.constant 0 : i32
      %dma_start3A_85 = tpu.memref_slice %arg2[%dma_start3A_83, %dma_start3A_84] : memref<10000x128xf32, #tpu.memory_space<hbm>> -> memref<10000x128xf32, #tpu.memory_space<hbm>>
      tpu.enqueue_indirect_dma source(%dma_start3A_85 : memref<10000x128xf32, #tpu.memory_space<hbm>>) target(%arg10 : memref<80x128xf32, #tpu.memory_space<vmem>>) offsets(%dma_start3A_82 : memref<80xi32, #tpu.memory_space<vmem>>) semaphore(%arg13 : memref<!tpu.dma_semaphore, #tpu.memory_space<semaphore_mem>>)
      %dma_wait3A_86 = arith.constant 0 : i32
      %dma_wait3A_87 = tpu.memref_slice %arg6[%dma_wait3A_86] : memref<10000xi32, #tpu.memory_space<vmem>> -> memref<80xi32, #tpu.memory_space<vmem>>
      %dma_wait3A_88 = arith.constant 0 : i32
      %dma_wait3A_89 = arith.constant 0 : i32
      %dma_wait3A_90 = tpu.memref_slice %arg2[%dma_wait3A_88, %dma_wait3A_89] : memref<10000x128xf32, #tpu.memory_space<hbm>> -> memref<10000x128xf32, #tpu.memory_space<hbm>>
      tpu.wait_indirect_dma semaphore(%arg12 : memref<!tpu.dma_semaphore, #tpu.memory_space<semaphore_mem>>) src(%dma_wait3A_90 : memref<10000x128xf32, #tpu.memory_space<hbm>>) dst(%arg9 : memref<80x128xf32, #tpu.memory_space<vmem>>)
      %dma_wait3A_91 = tpu.memref_slice %arg4[%multiple_of3A] : memref<320000xi32, #tpu.memory_space<hbm>> -> memref<80xi32, #tpu.memory_space<hbm>>
      %dma_wait3A_92 = tpu.memref_slice %arg4[%multiple_of3A] : memref<320000xi32, #tpu.memory_space<hbm>> -> memref<80xi32, #tpu.memory_space<hbm>>
      tpu.wait_dma2 semaphore(%arg14 : memref<!tpu.dma_semaphore, #tpu.memory_space<semaphore_mem>>) src(%dma_wait3A_92 : memref<80xi32, #tpu.memory_space<hbm>>) dst(%arg7 : memref<80xi32, #tpu.memory_space<vmem>>)
      "tpu.region"() ({
        %run_scoped3A = tpu.sem_alloc : memref<!tpu.dma_semaphore, #tpu.memory_space<semaphore_mem>>
        %dma_start3A_107 = arith.constant 0 : i32
        %dma_start3A_108 = arith.constant 0 : i32
        %dma_start3A_109 = tpu.memref_slice %arg11[%dma_start3A_107, %dma_start3A_108] : memref<10240x128xf32, #tpu.memory_space<vmem_shared>> -> memref<10240x128xf32, #tpu.memory_space<vmem_shared>>
        tpu.enqueue_indirect_dma source(%arg9 : memref<80x128xf32, #tpu.memory_space<vmem>>) target(%dma_start3A_109 : memref<10240x128xf32, #tpu.memory_space<vmem_shared>>) offsets(%arg7 : memref<80xi32, #tpu.memory_space<vmem>>) semaphore(%run_scoped3A : memref<!tpu.dma_semaphore, #tpu.memory_space<semaphore_mem>>) {add = true}
        %dma_wait3A_110 = arith.constant 0 : i32
        %dma_wait3A_111 = arith.constant 0 : i32
        %dma_wait3A_112 = tpu.memref_slice %arg11[%dma_wait3A_110, %dma_wait3A_111] : memref<10240x128xf32, #tpu.memory_space<vmem_shared>> -> memref<10240x128xf32, #tpu.memory_space<vmem_shared>>
        tpu.wait_indirect_dma semaphore(%run_scoped3A : memref<!tpu.dma_semaphore, #tpu.memory_space<semaphore_mem>>) src(%arg9 : memref<80x128xf32, #tpu.memory_space<vmem>>) dst(%dma_wait3A_112 : memref<10240x128xf32, #tpu.memory_space<vmem_shared>>)
        tpu.yield
      }) : () -> ()
      %add3A_93 = arith.addi %multiple_of3A, %multiple_of3A_78 : i32
      %dma_start3A_94 = tpu.memref_slice %arg4[%add3A_93] : memref<320000xi32, #tpu.memory_space<hbm>> -> memref<80xi32, #tpu.memory_space<hbm>>
      %dma_start3A_95 = tpu.memref_slice %arg4[%add3A_93] : memref<320000xi32, #tpu.memory_space<hbm>> -> memref<80xi32, #tpu.memory_space<hbm>>
      tpu.enqueue_dma source(%dma_start3A_95 : memref<80xi32, #tpu.memory_space<hbm>>) target(%arg7 : memref<80xi32, #tpu.memory_space<vmem>>) target_semaphore(%arg14 : memref<!tpu.dma_semaphore, #tpu.memory_space<semaphore_mem>>)
      %dma_start3A_96 = tpu.memref_slice %arg6[%multiple_of3A_78] : memref<10000xi32, #tpu.memory_space<vmem>> -> memref<80xi32, #tpu.memory_space<vmem>>
      %dma_start3A_97 = arith.constant 0 : i32
      %dma_start3A_98 = arith.constant 0 : i32
      %dma_start3A_99 = tpu.memref_slice %arg2[%dma_start3A_97, %dma_start3A_98] : memref<10000x128xf32, #tpu.memory_space<hbm>> -> memref<10000x128xf32, #tpu.memory_space<hbm>>
      tpu.enqueue_indirect_dma source(%dma_start3A_99 : memref<10000x128xf32, #tpu.memory_space<hbm>>) target(%arg9 : memref<80x128xf32, #tpu.memory_space<vmem>>) offsets(%dma_start3A_96 : memref<80xi32, #tpu.memory_space<vmem>>) semaphore(%arg12 : memref<!tpu.dma_semaphore, #tpu.memory_space<semaphore_mem>>)
      %dma_wait3A_100 = arith.constant 0 : i32
      %dma_wait3A_101 = tpu.memref_slice %arg6[%dma_wait3A_100] : memref<10000xi32, #tpu.memory_space<vmem>> -> memref<80xi32, #tpu.memory_space<vmem>>
      %dma_wait3A_102 = arith.constant 0 : i32
      %dma_wait3A_103 = arith.constant 0 : i32
      %dma_wait3A_104 = tpu.memref_slice %arg2[%dma_wait3A_102, %dma_wait3A_103] : memref<10000x128xf32, #tpu.memory_space<hbm>> -> memref<10000x128xf32, #tpu.memory_space<hbm>>
      tpu.wait_indirect_dma semaphore(%arg13 : memref<!tpu.dma_semaphore, #tpu.memory_space<semaphore_mem>>) src(%dma_wait3A_104 : memref<10000x128xf32, #tpu.memory_space<hbm>>) dst(%arg10 : memref<80x128xf32, #tpu.memory_space<vmem>>)
      %dma_wait3A_105 = tpu.memref_slice %arg4[%multiple_of3A] : memref<320000xi32, #tpu.memory_space<hbm>> -> memref<80xi32, #tpu.memory_space<hbm>>
      %dma_wait3A_106 = tpu.memref_slice %arg4[%multiple_of3A] : memref<320000xi32, #tpu.memory_space<hbm>> -> memref<80xi32, #tpu.memory_space<hbm>>
      tpu.wait_dma2 semaphore(%arg15 : memref<!tpu.dma_semaphore, #tpu.memory_space<semaphore_mem>>) src(%dma_wait3A_106 : memref<80xi32, #tpu.memory_space<hbm>>) dst(%arg8 : memref<80xi32, #tpu.memory_space<vmem>>)
      "tpu.region"() ({
        %run_scoped3A = tpu.sem_alloc : memref<!tpu.dma_semaphore, #tpu.memory_space<semaphore_mem>>
        %dma_start3A_107 = arith.constant 0 : i32
        %dma_start3A_108 = arith.constant 0 : i32
        %dma_start3A_109 = tpu.memref_slice %arg11[%dma_start3A_107, %dma_start3A_108] : memref<10240x128xf32, #tpu.memory_space<vmem_shared>> -> memref<10240x128xf32, #tpu.memory_space<vmem_shared>>
        tpu.enqueue_indirect_dma source(%arg10 : memref<80x128xf32, #tpu.memory_space<vmem>>) target(%dma_start3A_109 : memref<10240x128xf32, #tpu.memory_space<vmem_shared>>) offsets(%arg8 : memref<80xi32, #tpu.memory_space<vmem>>) semaphore(%run_scoped3A : memref<!tpu.dma_semaphore, #tpu.memory_space<semaphore_mem>>) {add = true}
        %dma_wait3A_110 = arith.constant 0 : i32
        %dma_wait3A_111 = arith.constant 0 : i32
        %dma_wait3A_112 = tpu.memref_slice %arg11[%dma_wait3A_110, %dma_wait3A_111] : memref<10240x128xf32, #tpu.memory_space<vmem_shared>> -> memref<10240x128xf32, #tpu.memory_space<vmem_shared>>
        tpu.wait_indirect_dma semaphore(%run_scoped3A : memref<!tpu.dma_semaphore, #tpu.memory_space<semaphore_mem>>) src(%arg10 : memref<80x128xf32, #tpu.memory_space<vmem>>) dst(%dma_wait3A_112 : memref<10240x128xf32, #tpu.memory_space<vmem_shared>>)
        tpu.yield
      }) : () -> ()
    }
    %scan3A_50 = arith.constant 62 : i32
    %dma_wait3A = arith.constant 0 : i32
    %dma_wait3A_51 = tpu.memref_slice %arg6[%dma_wait3A] : memref<10000xi32, #tpu.memory_space<vmem>> -> memref<80xi32, #tpu.memory_space<vmem>>
    %dma_wait3A_52 = arith.constant 0 : i32
    %dma_wait3A_53 = arith.constant 0 : i32
    %dma_wait3A_54 = tpu.memref_slice %arg2[%dma_wait3A_52, %dma_wait3A_53] : memref<10000x128xf32, #tpu.memory_space<hbm>> -> memref<10000x128xf32, #tpu.memory_space<hbm>>
    tpu.wait_indirect_dma semaphore(%arg12 : memref<!tpu.dma_semaphore, #tpu.memory_space<semaphore_mem>>) src(%dma_wait3A_54 : memref<10000x128xf32, #tpu.memory_space<hbm>>) dst(%arg9 : memref<80x128xf32, #tpu.memory_space<vmem>>)
    %dma_wait3A_55 = tpu.memref_slice %arg4[%multiple_of3A] : memref<320000xi32, #tpu.memory_space<hbm>> -> memref<80xi32, #tpu.memory_space<hbm>>
    %dma_wait3A_56 = tpu.memref_slice %arg4[%multiple_of3A] : memref<320000xi32, #tpu.memory_space<hbm>> -> memref<80xi32, #tpu.memory_space<hbm>>
    tpu.wait_dma2 semaphore(%arg14 : memref<!tpu.dma_semaphore, #tpu.memory_space<semaphore_mem>>) src(%dma_wait3A_56 : memref<80xi32, #tpu.memory_space<hbm>>) dst(%arg7 : memref<80xi32, #tpu.memory_space<vmem>>)
    "tpu.region"() ({
      %run_scoped3A = tpu.sem_alloc : memref<!tpu.dma_semaphore, #tpu.memory_space<semaphore_mem>>
      %dma_start3A_62 = arith.constant 0 : i32
      %dma_start3A_63 = arith.constant 0 : i32
      %dma_start3A_64 = tpu.memref_slice %arg11[%dma_start3A_62, %dma_start3A_63] : memref<10240x128xf32, #tpu.memory_space<vmem_shared>> -> memref<10240x128xf32, #tpu.memory_space<vmem_shared>>
      tpu.enqueue_indirect_dma source(%arg9 : memref<80x128xf32, #tpu.memory_space<vmem>>) target(%dma_start3A_64 : memref<10240x128xf32, #tpu.memory_space<vmem_shared>>) offsets(%arg7 : memref<80xi32, #tpu.memory_space<vmem>>) semaphore(%run_scoped3A : memref<!tpu.dma_semaphore, #tpu.memory_space<semaphore_mem>>) {add = true}
      %dma_wait3A_65 = arith.constant 0 : i32
      %dma_wait3A_66 = arith.constant 0 : i32
      %dma_wait3A_67 = tpu.memref_slice %arg11[%dma_wait3A_65, %dma_wait3A_66] : memref<10240x128xf32, #tpu.memory_space<vmem_shared>> -> memref<10240x128xf32, #tpu.memory_space<vmem_shared>>
      tpu.wait_indirect_dma semaphore(%run_scoped3A : memref<!tpu.dma_semaphore, #tpu.memory_space<semaphore_mem>>) src(%arg9 : memref<80x128xf32, #tpu.memory_space<vmem>>) dst(%dma_wait3A_67 : memref<10240x128xf32, #tpu.memory_space<vmem_shared>>)
      tpu.yield
    }) : () -> ()
    %barrier3A_57 = arith.constant 0 : index
    tpu.barrier barrier_id(%barrier3A_57)
    %mul3A_58 = arith.constant 640 : i32
    %mul3A_59 = arith.muli %arg1, %mul3A_58 : i32
    %mul3A_60 = arith.constant 640 : i32
    %mul3A_61 = arith.muli %arg1, %mul3A_60 : i32
    "tpu.region"() ({
      %run_scoped3A = tpu.sem_alloc : memref<!tpu.dma_semaphore, #tpu.memory_space<semaphore_mem>>
      %dma_start3A_62 = arith.constant 0 : i32
      %dma_start3A_63 = tpu.memref_slice %arg5[%arg0, %mul3A_61, %dma_start3A_62] : memref<2x10240x128xf32, #tpu.memory_space<hbm>> -> memref<1x640x128xf32, #tpu.memory_space<hbm>>
      %dma_start3A_64 = tpu.memref_squeeze %dma_start3A_63 : memref<1x640x128xf32, #tpu.memory_space<hbm>> -> memref<640x128xf32, #tpu.memory_space<hbm>>
      %dma_start3A_65 = arith.constant 0 : i32
      %dma_start3A_66 = tpu.memref_slice %arg11[%mul3A_59, %dma_start3A_65] : memref<10240x128xf32, #tpu.memory_space<vmem_shared>> -> memref<640x128xf32, #tpu.memory_space<vmem_shared>>
      tpu.enqueue_dma source(%dma_start3A_66 : memref<640x128xf32, #tpu.memory_space<vmem_shared>>) target(%dma_start3A_64 : memref<640x128xf32, #tpu.memory_space<hbm>>) target_semaphore(%run_scoped3A : memref<!tpu.dma_semaphore, #tpu.memory_space<semaphore_mem>>)
      %dma_wait3A_67 = arith.constant 0 : i32
      %dma_wait3A_68 = tpu.memref_slice %arg5[%arg0, %mul3A_61, %dma_wait3A_67] : memref<2x10240x128xf32, #tpu.memory_space<hbm>> -> memref<1x640x128xf32, #tpu.memory_space<hbm>>
      %dma_wait3A_69 = tpu.memref_squeeze %dma_wait3A_68 : memref<1x640x128xf32, #tpu.memory_space<hbm>> -> memref<640x128xf32, #tpu.memory_space<hbm>>
      %dma_wait3A_70 = arith.constant 0 : i32
      %dma_wait3A_71 = tpu.memref_slice %arg11[%mul3A_59, %dma_wait3A_70] : memref<10240x128xf32, #tpu.memory_space<vmem_shared>> -> memref<640x128xf32, #tpu.memory_space<vmem_shared>>
      tpu.wait_dma2 semaphore(%run_scoped3A : memref<!tpu.dma_semaphore, #tpu.memory_space<semaphore_mem>>) src(%dma_wait3A_71 : memref<640x128xf32, #tpu.memory_space<vmem_shared>>) dst(%dma_wait3A_69 : memref<640x128xf32, #tpu.memory_space<hbm>>)
      tpu.yield
    }) : () -> ()
    return
  }
}

#map = affine_map<(d0, d1) -> (0, 0)>
#map1 = affine_map<(d0, d1) -> (0)>
#map2 = affine_map<(d0, d1) -> (0, 0, 0)>
module attributes {stable_mosaic.version = 14 : i64} {
  func.func @_prop_kernel(%arg0: i32, %arg1: i32, %arg2: memref<10000x128xf32, #tpu.memory_space<hbm>>, %arg3: memref<320000xi32, #tpu.memory_space<hbm>>, %arg4: memref<320000xi32, #tpu.memory_space<hbm>>, %arg5: memref<2x10240x128xf32, #tpu.memory_space<hbm>>, %arg6: memref<10000xi32, #tpu.memory_space<vmem>>, %arg7: memref<80xi32, #tpu.memory_space<vmem>>, %arg8: memref<80xi32, #tpu.memory_space<vmem>>, %arg9: memref<80x128xf32, #tpu.memory_space<vmem>>, %arg10: memref<80x128xf32, #tpu.memory_space<vmem>>, %arg11: memref<10240x128xf32, #tpu.memory_space<vmem_shared>>, %arg12: memref<!tpu.dma_semaphore, #tpu.memory_space<semaphore_mem>>, %arg13: memref<!tpu.dma_semaphore, #tpu.memory_space<semaphore_mem>>, %arg14: memref<!tpu.dma_semaphore, #tpu.memory_space<semaphore_mem>>, %arg15: memref<!tpu.dma_semaphore, #tpu.memory_space<semaphore_mem>>) attributes {dimension_semantics = [#tpu.dimension_semantics<core_parallel>, #tpu.dimension_semantics<subcore_parallel>], iteration_bounds = array<i64: 2, 16>, scalar_prefetch = 0 : i64, scratch_operands = 10 : i64, tpu.core_type = #tpu.core_type<sc_vector_subcore>, window_params = [{transform_indices = #map}, {transform_indices = #map1}, {transform_indices = #map1}, {transform_indices = #map2}]} {
    %mul3A = arith.constant 16 : i32
    %mul3A_0 = arith.muli %arg0, %mul3A : i32
    %add3A = arith.addi %mul3A_0, %arg1 : i32
    %mul3A_1 = arith.constant 10000 : i32
    %mul3A_2 = arith.muli %add3A, %mul3A_1 : i32
    %multiple_of3A = tpu.assume_multiple %mul3A_2, 8 : i32
    %broadcast_in_dim3A = arith.constant 0.000000e+00 : f32
    %broadcast_in_dim3A_3 = vector.broadcast %broadcast_in_dim3A : f32 to vector<16xf32>
    %scan3A = arith.constant 0 : i32
    %scan3A_4 = arith.constant 80 : i32
    %scan3A_5 = arith.addi %scan3A, %scan3A_4 : i32
    %scan3A_6 = arith.constant 4 : i32
    scf.for %scan3A_62 = %scan3A to %scan3A_5 step %scan3A_6  : i32 {
      %mul3A_63 = arith.constant 1 : i32
      %mul3A_64 = arith.muli %scan3A_62, %mul3A_63 : i32
      %add3A_65 = arith.constant 0 : i32
      %add3A_66 = arith.addi %add3A_65, %mul3A_64 : i32
      %swap3A = arith.index_cast %add3A_66 : i32 to index
      %swap3A_67 = arith.constant 0 : index
      %swap3A_68 = tpu.vector_load %arg9[%swap3A, %swap3A_67] {strides = array<i32>} : memref<80x128xf32, #tpu.memory_space<vmem>>, vector<16xf32>,
      tpu.vector_store %arg9[%swap3A, %swap3A_67], %broadcast_in_dim3A_3 {strides = array<i32>} : memref<80x128xf32, #tpu.memory_space<vmem>>, vector<16xf32>,
      %swap3A_69 = arith.index_cast %add3A_66 : i32 to index
      %swap3A_70 = arith.constant 16 : index
      %swap3A_71 = tpu.vector_load %arg9[%swap3A_69, %swap3A_70] {strides = array<i32>} : memref<80x128xf32, #tpu.memory_space<vmem>>, vector<16xf32>,
      tpu.vector_store %arg9[%swap3A_69, %swap3A_70], %broadcast_in_dim3A_3 {strides = array<i32>} : memref<80x128xf32, #tpu.memory_space<vmem>>, vector<16xf32>,
      %swap3A_72 = arith.index_cast %add3A_66 : i32 to index
      %swap3A_73 = arith.constant 32 : index
      %swap3A_74 = tpu.vector_load %arg9[%swap3A_72, %swap3A_73] {strides = array<i32>} : memref<80x128xf32, #tpu.memory_space<vmem>>, vector<16xf32>,
      tpu.vector_store %arg9[%swap3A_72, %swap3A_73], %broadcast_in_dim3A_3 {strides = array<i32>} : memref<80x128xf32, #tpu.memory_space<vmem>>, vector<16xf32>,
      %swap3A_75 = arith.index_cast %add3A_66 : i32 to index
      %swap3A_76 = arith.constant 48 : index
      %swap3A_77 = tpu.vector_load %arg9[%swap3A_75, %swap3A_76] {strides = array<i32>} : memref<80x128xf32, #tpu.memory_space<vmem>>, vector<16xf32>,
      tpu.vector_store %arg9[%swap3A_75, %swap3A_76], %broadcast_in_dim3A_3 {strides = array<i32>} : memref<80x128xf32, #tpu.memory_space<vmem>>, vector<16xf32>,
      %swap3A_78 = arith.index_cast %add3A_66 : i32 to index
      %swap3A_79 = arith.constant 64 : index
      %swap3A_80 = tpu.vector_load %arg9[%swap3A_78, %swap3A_79] {strides = array<i32>} : memref<80x128xf32, #tpu.memory_space<vmem>>, vector<16xf32>,
      tpu.vector_store %arg9[%swap3A_78, %swap3A_79], %broadcast_in_dim3A_3 {strides = array<i32>} : memref<80x128xf32, #tpu.memory_space<vmem>>, vector<16xf32>,
      %swap3A_81 = arith.index_cast %add3A_66 : i32 to index
      %swap3A_82 = arith.constant 80 : index
      %swap3A_83 = tpu.vector_load %arg9[%swap3A_81, %swap3A_82] {strides = array<i32>} : memref<80x128xf32, #tpu.memory_space<vmem>>, vector<16xf32>,
      tpu.vector_store %arg9[%swap3A_81, %swap3A_82], %broadcast_in_dim3A_3 {strides = array<i32>} : memref<80x128xf32, #tpu.memory_space<vmem>>, vector<16xf32>,
      %swap3A_84 = arith.index_cast %add3A_66 : i32 to index
      %swap3A_85 = arith.constant 96 : index
      %swap3A_86 = tpu.vector_load %arg9[%swap3A_84, %swap3A_85] {strides = array<i32>} : memref<80x128xf32, #tpu.memory_space<vmem>>, vector<16xf32>,
      tpu.vector_store %arg9[%swap3A_84, %swap3A_85], %broadcast_in_dim3A_3 {strides = array<i32>} : memref<80x128xf32, #tpu.memory_space<vmem>>, vector<16xf32>,
      %swap3A_87 = arith.index_cast %add3A_66 : i32 to index
      %swap3A_88 = arith.constant 112 : index
      %swap3A_89 = tpu.vector_load %arg9[%swap3A_87, %swap3A_88] {strides = array<i32>} : memref<80x128xf32, #tpu.memory_space<vmem>>, vector<16xf32>,
      tpu.vector_store %arg9[%swap3A_87, %swap3A_88], %broadcast_in_dim3A_3 {strides = array<i32>} : memref<80x128xf32, #tpu.memory_space<vmem>>, vector<16xf32>,
      %scan3A_90 = arith.constant 1 : i32
      %scan3A_91 = arith.addi %scan3A_62, %scan3A_90 : i32
      %mul3A_92 = arith.constant 1 : i32
      %mul3A_93 = arith.muli %scan3A_91, %mul3A_92 : i32
      %add3A_94 = arith.constant 0 : i32
      %add3A_95 = arith.addi %add3A_94, %mul3A_93 : i32
      %swap3A_96 = arith.index_cast %add3A_95 : i32 to index
      %swap3A_97 = arith.constant 0 : index
      %swap3A_98 = tpu.vector_load %arg9[%swap3A_96, %swap3A_97] {strides = array<i32>} : memref<80x128xf32, #tpu.memory_space<vmem>>, vector<16xf32>,
      tpu.vector_store %arg9[%swap3A_96, %swap3A_97], %broadcast_in_dim3A_3 {strides = array<i32>} : memref<80x128xf32, #tpu.memory_space<vmem>>, vector<16xf32>,
      %swap3A_99 = arith.index_cast %add3A_95 : i32 to index
      %swap3A_100 = arith.constant 16 : index
      %swap3A_101 = tpu.vector_load %arg9[%swap3A_99, %swap3A_100] {strides = array<i32>} : memref<80x128xf32, #tpu.memory_space<vmem>>, vector<16xf32>,
      tpu.vector_store %arg9[%swap3A_99, %swap3A_100], %broadcast_in_dim3A_3 {strides = array<i32>} : memref<80x128xf32, #tpu.memory_space<vmem>>, vector<16xf32>,
      %swap3A_102 = arith.index_cast %add3A_95 : i32 to index
      %swap3A_103 = arith.constant 32 : index
      %swap3A_104 = tpu.vector_load %arg9[%swap3A_102, %swap3A_103] {strides = array<i32>} : memref<80x128xf32, #tpu.memory_space<vmem>>, vector<16xf32>,
      tpu.vector_store %arg9[%swap3A_102, %swap3A_103], %broadcast_in_dim3A_3 {strides = array<i32>} : memref<80x128xf32, #tpu.memory_space<vmem>>, vector<16xf32>,
      %swap3A_105 = arith.index_cast %add3A_95 : i32 to index
      %swap3A_106 = arith.constant 48 : index
      %swap3A_107 = tpu.vector_load %arg9[%swap3A_105, %swap3A_106] {strides = array<i32>} : memref<80x128xf32, #tpu.memory_space<vmem>>, vector<16xf32>,
      tpu.vector_store %arg9[%swap3A_105, %swap3A_106], %broadcast_in_dim3A_3 {strides = array<i32>} : memref<80x128xf32, #tpu.memory_space<vmem>>, vector<16xf32>,
      %swap3A_108 = arith.index_cast %add3A_95 : i32 to index
      %swap3A_109 = arith.constant 64 : index
      %swap3A_110 = tpu.vector_load %arg9[%swap3A_108, %swap3A_109] {strides = array<i32>} : memref<80x128xf32, #tpu.memory_space<vmem>>, vector<16xf32>,
      tpu.vector_store %arg9[%swap3A_108, %swap3A_109], %broadcast_in_dim3A_3 {strides = array<i32>} : memref<80x128xf32, #tpu.memory_space<vmem>>, vector<16xf32>,
      %swap3A_111 = arith.index_cast %add3A_95 : i32 to index
      %swap3A_112 = arith.constant 80 : index
      %swap3A_113 = tpu.vector_load %arg9[%swap3A_111, %swap3A_112] {strides = array<i32>} : memref<80x128xf32, #tpu.memory_space<vmem>>, vector<16xf32>,
      tpu.vector_store %arg9[%swap3A_111, %swap3A_112], %broadcast_in_dim3A_3 {strides = array<i32>} : memref<80x128xf32, #tpu.memory_space<vmem>>, vector<16xf32>,
      %swap3A_114 = arith.index_cast %add3A_95 : i32 to index
      %swap3A_115 = arith.constant 96 : index
      %swap3A_116 = tpu.vector_load %arg9[%swap3A_114, %swap3A_115] {strides = array<i32>} : memref<80x128xf32, #tpu.memory_space<vmem>>, vector<16xf32>,
      tpu.vector_store %arg9[%swap3A_114, %swap3A_115], %broadcast_in_dim3A_3 {strides = array<i32>} : memref<80x128xf32, #tpu.memory_space<vmem>>, vector<16xf32>,
      %swap3A_117 = arith.index_cast %add3A_95 : i32 to index
      %swap3A_118 = arith.constant 112 : index
      %swap3A_119 = tpu.vector_load %arg9[%swap3A_117, %swap3A_118] {strides = array<i32>} : memref<80x128xf32, #tpu.memory_space<vmem>>, vector<16xf32>,
      tpu.vector_store %arg9[%swap3A_117, %swap3A_118], %broadcast_in_dim3A_3 {strides = array<i32>} : memref<80x128xf32, #tpu.memory_space<vmem>>, vector<16xf32>,
      %scan3A_120 = arith.constant 2 : i32
      %scan3A_121 = arith.addi %scan3A_62, %scan3A_120 : i32
      %mul3A_122 = arith.constant 1 : i32
      %mul3A_123 = arith.muli %scan3A_121, %mul3A_122 : i32
      %add3A_124 = arith.constant 0 : i32
      %add3A_125 = arith.addi %add3A_124, %mul3A_123 : i32
      %swap3A_126 = arith.index_cast %add3A_125 : i32 to index
      %swap3A_127 = arith.constant 0 : index
      %swap3A_128 = tpu.vector_load %arg9[%swap3A_126, %swap3A_127] {strides = array<i32>} : memref<80x128xf32, #tpu.memory_space<vmem>>, vector<16xf32>,
      tpu.vector_store %arg9[%swap3A_126, %swap3A_127], %broadcast_in_dim3A_3 {strides = array<i32>} : memref<80x128xf32, #tpu.memory_space<vmem>>, vector<16xf32>,
      %swap3A_129 = arith.index_cast %add3A_125 : i32 to index
      %swap3A_130 = arith.constant 16 : index
      %swap3A_131 = tpu.vector_load %arg9[%swap3A_129, %swap3A_130] {strides = array<i32>} : memref<80x128xf32, #tpu.memory_space<vmem>>, vector<16xf32>,
      tpu.vector_store %arg9[%swap3A_129, %swap3A_130], %broadcast_in_dim3A_3 {strides = array<i32>} : memref<80x128xf32, #tpu.memory_space<vmem>>, vector<16xf32>,
      %swap3A_132 = arith.index_cast %add3A_125 : i32 to index
      %swap3A_133 = arith.constant 32 : index
      %swap3A_134 = tpu.vector_load %arg9[%swap3A_132, %swap3A_133] {strides = array<i32>} : memref<80x128xf32, #tpu.memory_space<vmem>>, vector<16xf32>,
      tpu.vector_store %arg9[%swap3A_132, %swap3A_133], %broadcast_in_dim3A_3 {strides = array<i32>} : memref<80x128xf32, #tpu.memory_space<vmem>>, vector<16xf32>,
      %swap3A_135 = arith.index_cast %add3A_125 : i32 to index
      %swap3A_136 = arith.constant 48 : index
      %swap3A_137 = tpu.vector_load %arg9[%swap3A_135, %swap3A_136] {strides = array<i32>} : memref<80x128xf32, #tpu.memory_space<vmem>>, vector<16xf32>,
      tpu.vector_store %arg9[%swap3A_135, %swap3A_136], %broadcast_in_dim3A_3 {strides = array<i32>} : memref<80x128xf32, #tpu.memory_space<vmem>>, vector<16xf32>,
      %swap3A_138 = arith.index_cast %add3A_125 : i32 to index
      %swap3A_139 = arith.constant 64 : index
      %swap3A_140 = tpu.vector_load %arg9[%swap3A_138, %swap3A_139] {strides = array<i32>} : memref<80x128xf32, #tpu.memory_space<vmem>>, vector<16xf32>,
      tpu.vector_store %arg9[%swap3A_138, %swap3A_139], %broadcast_in_dim3A_3 {strides = array<i32>} : memref<80x128xf32, #tpu.memory_space<vmem>>, vector<16xf32>,
      %swap3A_141 = arith.index_cast %add3A_125 : i32 to index
      %swap3A_142 = arith.constant 80 : index
      %swap3A_143 = tpu.vector_load %arg9[%swap3A_141, %swap3A_142] {strides = array<i32>} : memref<80x128xf32, #tpu.memory_space<vmem>>, vector<16xf32>,
      tpu.vector_store %arg9[%swap3A_141, %swap3A_142], %broadcast_in_dim3A_3 {strides = array<i32>} : memref<80x128xf32, #tpu.memory_space<vmem>>, vector<16xf32>,
      %swap3A_144 = arith.index_cast %add3A_125 : i32 to index
      %swap3A_145 = arith.constant 96 : index
      %swap3A_146 = tpu.vector_load %arg9[%swap3A_144, %swap3A_145] {strides = array<i32>} : memref<80x128xf32, #tpu.memory_space<vmem>>, vector<16xf32>,
      tpu.vector_store %arg9[%swap3A_144, %swap3A_145], %broadcast_in_dim3A_3 {strides = array<i32>} : memref<80x128xf32, #tpu.memory_space<vmem>>, vector<16xf32>,
      %swap3A_147 = arith.index_cast %add3A_125 : i32 to index
      %swap3A_148 = arith.constant 112 : index
      %swap3A_149 = tpu.vector_load %arg9[%swap3A_147, %swap3A_148] {strides = array<i32>} : memref<80x128xf32, #tpu.memory_space<vmem>>, vector<16xf32>,
      tpu.vector_store %arg9[%swap3A_147, %swap3A_148], %broadcast_in_dim3A_3 {strides = array<i32>} : memref<80x128xf32, #tpu.memory_space<vmem>>, vector<16xf32>,
      %scan3A_150 = arith.constant 3 : i32
      %scan3A_151 = arith.addi %scan3A_62, %scan3A_150 : i32
      %mul3A_152 = arith.constant 1 : i32
      %mul3A_153 = arith.muli %scan3A_151, %mul3A_152 : i32
      %add3A_154 = arith.constant 0 : i32
      %add3A_155 = arith.addi %add3A_154, %mul3A_153 : i32
      %swap3A_156 = arith.index_cast %add3A_155 : i32 to index
      %swap3A_157 = arith.constant 0 : index
      %swap3A_158 = tpu.vector_load %arg9[%swap3A_156, %swap3A_157] {strides = array<i32>} : memref<80x128xf32, #tpu.memory_space<vmem>>, vector<16xf32>,
      tpu.vector_store %arg9[%swap3A_156, %swap3A_157], %broadcast_in_dim3A_3 {strides = array<i32>} : memref<80x128xf32, #tpu.memory_space<vmem>>, vector<16xf32>,
      %swap3A_159 = arith.index_cast %add3A_155 : i32 to index
      %swap3A_160 = arith.constant 16 : index
      %swap3A_161 = tpu.vector_load %arg9[%swap3A_159, %swap3A_160] {strides = array<i32>} : memref<80x128xf32, #tpu.memory_space<vmem>>, vector<16xf32>,
      tpu.vector_store %arg9[%swap3A_159, %swap3A_160], %broadcast_in_dim3A_3 {strides = array<i32>} : memref<80x128xf32, #tpu.memory_space<vmem>>, vector<16xf32>,
      %swap3A_162 = arith.index_cast %add3A_155 : i32 to index
      %swap3A_163 = arith.constant 32 : index
      %swap3A_164 = tpu.vector_load %arg9[%swap3A_162, %swap3A_163] {strides = array<i32>} : memref<80x128xf32, #tpu.memory_space<vmem>>, vector<16xf32>,
      tpu.vector_store %arg9[%swap3A_162, %swap3A_163], %broadcast_in_dim3A_3 {strides = array<i32>} : memref<80x128xf32, #tpu.memory_space<vmem>>, vector<16xf32>,
      %swap3A_165 = arith.index_cast %add3A_155 : i32 to index
      %swap3A_166 = arith.constant 48 : index
      %swap3A_167 = tpu.vector_load %arg9[%swap3A_165, %swap3A_166] {strides = array<i32>} : memref<80x128xf32, #tpu.memory_space<vmem>>, vector<16xf32>,
      tpu.vector_store %arg9[%swap3A_165, %swap3A_166], %broadcast_in_dim3A_3 {strides = array<i32>} : memref<80x128xf32, #tpu.memory_space<vmem>>, vector<16xf32>,
      %swap3A_168 = arith.index_cast %add3A_155 : i32 to index
      %swap3A_169 = arith.constant 64 : index
      %swap3A_170 = tpu.vector_load %arg9[%swap3A_168, %swap3A_169] {strides = array<i32>} : memref<80x128xf32, #tpu.memory_space<vmem>>, vector<16xf32>,
      tpu.vector_store %arg9[%swap3A_168, %swap3A_169], %broadcast_in_dim3A_3 {strides = array<i32>} : memref<80x128xf32, #tpu.memory_space<vmem>>, vector<16xf32>,
      %swap3A_171 = arith.index_cast %add3A_155 : i32 to index
      %swap3A_172 = arith.constant 80 : index
      %swap3A_173 = tpu.vector_load %arg9[%swap3A_171, %swap3A_172] {strides = array<i32>} : memref<80x128xf32, #tpu.memory_space<vmem>>, vector<16xf32>,
      tpu.vector_store %arg9[%swap3A_171, %swap3A_172], %broadcast_in_dim3A_3 {strides = array<i32>} : memref<80x128xf32, #tpu.memory_space<vmem>>, vector<16xf32>,
      %swap3A_174 = arith.index_cast %add3A_155 : i32 to index
      %swap3A_175 = arith.constant 96 : index
      %swap3A_176 = tpu.vector_load %arg9[%swap3A_174, %swap3A_175] {strides = array<i32>} : memref<80x128xf32, #tpu.memory_space<vmem>>, vector<16xf32>,
      tpu.vector_store %arg9[%swap3A_174, %swap3A_175], %broadcast_in_dim3A_3 {strides = array<i32>} : memref<80x128xf32, #tpu.memory_space<vmem>>, vector<16xf32>,
      %swap3A_177 = arith.index_cast %add3A_155 : i32 to index
      %swap3A_178 = arith.constant 112 : index
      %swap3A_179 = tpu.vector_load %arg9[%swap3A_177, %swap3A_178] {strides = array<i32>} : memref<80x128xf32, #tpu.memory_space<vmem>>, vector<16xf32>,
      tpu.vector_store %arg9[%swap3A_177, %swap3A_178], %broadcast_in_dim3A_3 {strides = array<i32>} : memref<80x128xf32, #tpu.memory_space<vmem>>, vector<16xf32>,
    }
    %scan3A_7 = arith.constant 80 : i32
    %mul3A_8 = arith.constant 640 : i32
    %mul3A_9 = arith.muli %arg1, %mul3A_8 : i32
    %add3A_10 = arith.constant 0 : i32
    %add3A_11 = arith.addi %mul3A_9, %add3A_10 : i32
    "tpu.region"() ({
      %run_scoped3A = tpu.sem_alloc : memref<!tpu.dma_semaphore, #tpu.memory_space<semaphore_mem>>
      %dma_start3A_62 = arith.constant 0 : i32
      %dma_start3A_63 = tpu.memref_slice %arg11[%add3A_11, %dma_start3A_62] : memref<10240x128xf32, #tpu.memory_space<vmem_shared>> -> memref<80x128xf32, #tpu.memory_space<vmem_shared>>
      %dma_start3A_64 = arith.constant 0 : i32
      %dma_start3A_65 = tpu.memref_slice %arg11[%add3A_11, %dma_start3A_64] : memref<10240x128xf32, #tpu.memory_space<vmem_shared>> -> memref<80x128xf32, #tpu.memory_space<vmem_shared>>
      tpu.enqueue_dma source(%arg9 : memref<80x128xf32, #tpu.memory_space<vmem>>) target(%dma_start3A_65 : memref<80x128xf32, #tpu.memory_space<vmem_shared>>) target_semaphore(%run_scoped3A : memref<!tpu.dma_semaphore, #tpu.memory_space<semaphore_mem>>)
      %dma_wait3A_66 = arith.constant 0 : i32
      %dma_wait3A_67 = tpu.memref_slice %arg11[%add3A_11, %dma_wait3A_66] : memref<10240x128xf32, #tpu.memory_space<vmem_shared>> -> memref<80x128xf32, #tpu.memory_space<vmem_shared>>
      %dma_wait3A_68 = arith.constant 0 : i32
      %dma_wait3A_69 = tpu.memref_slice %arg11[%add3A_11, %dma_wait3A_68] : memref<10240x128xf32, #tpu.memory_space<vmem_shared>> -> memref<80x128xf32, #tpu.memory_space<vmem_shared>>
      tpu.wait_dma2 semaphore(%run_scoped3A : memref<!tpu.dma_semaphore, #tpu.memory_space<semaphore_mem>>) src(%arg9 : memref<80x128xf32, #tpu.memory_space<vmem>>) dst(%dma_wait3A_69 : memref<80x128xf32, #tpu.memory_space<vmem_shared>>)
      tpu.yield
    }) : () -> ()
    %mul3A_12 = arith.constant 640 : i32
    %mul3A_13 = arith.muli %arg1, %mul3A_12 : i32
    %add3A_14 = arith.constant 80 : i32
    %add3A_15 = arith.addi %mul3A_13, %add3A_14 : i32
    "tpu.region"() ({
      %run_scoped3A = tpu.sem_alloc : memref<!tpu.dma_semaphore, #tpu.memory_space<semaphore_mem>>
      %dma_start3A_62 = arith.constant 0 : i32
      %dma_start3A_63 = tpu.memref_slice %arg11[%add3A_15, %dma_start3A_62] : memref<10240x128xf32, #tpu.memory_space<vmem_shared>> -> memref<80x128xf32, #tpu.memory_space<vmem_shared>>
      %dma_start3A_64 = arith.constant 0 : i32
      %dma_start3A_65 = tpu.memref_slice %arg11[%add3A_15, %dma_start3A_64] : memref<10240x128xf32, #tpu.memory_space<vmem_shared>> -> memref<80x128xf32, #tpu.memory_space<vmem_shared>>
      tpu.enqueue_dma source(%arg9 : memref<80x128xf32, #tpu.memory_space<vmem>>) target(%dma_start3A_65 : memref<80x128xf32, #tpu.memory_space<vmem_shared>>) target_semaphore(%run_scoped3A : memref<!tpu.dma_semaphore, #tpu.memory_space<semaphore_mem>>)
      %dma_wait3A_66 = arith.constant 0 : i32
      %dma_wait3A_67 = tpu.memref_slice %arg11[%add3A_15, %dma_wait3A_66] : memref<10240x128xf32, #tpu.memory_space<vmem_shared>> -> memref<80x128xf32, #tpu.memory_space<vmem_shared>>
      %dma_wait3A_68 = arith.constant 0 : i32
      %dma_wait3A_69 = tpu.memref_slice %arg11[%add3A_15, %dma_wait3A_68] : memref<10240x128xf32, #tpu.memory_space<vmem_shared>> -> memref<80x128xf32, #tpu.memory_space<vmem_shared>>
      tpu.wait_dma2 semaphore(%run_scoped3A : memref<!tpu.dma_semaphore, #tpu.memory_space<semaphore_mem>>) src(%arg9 : memref<80x128xf32, #tpu.memory_space<vmem>>) dst(%dma_wait3A_69 : memref<80x128xf32, #tpu.memory_space<vmem_shared>>)
      tpu.yield
    }) : () -> ()
    %mul3A_16 = arith.constant 640 : i32
    %mul3A_17 = arith.muli %arg1, %mul3A_16 : i32
    %add3A_18 = arith.constant 160 : i32
    %add3A_19 = arith.addi %mul3A_17, %add3A_18 : i32
    "tpu.region"() ({
      %run_scoped3A = tpu.sem_alloc : memref<!tpu.dma_semaphore, #tpu.memory_space<semaphore_mem>>
      %dma_start3A_62 = arith.constant 0 : i32
      %dma_start3A_63 = tpu.memref_slice %arg11[%add3A_19, %dma_start3A_62] : memref<10240x128xf32, #tpu.memory_space<vmem_shared>> -> memref<80x128xf32, #tpu.memory_space<vmem_shared>>
      %dma_start3A_64 = arith.constant 0 : i32
      %dma_start3A_65 = tpu.memref_slice %arg11[%add3A_19, %dma_start3A_64] : memref<10240x128xf32, #tpu.memory_space<vmem_shared>> -> memref<80x128xf32, #tpu.memory_space<vmem_shared>>
      tpu.enqueue_dma source(%arg9 : memref<80x128xf32, #tpu.memory_space<vmem>>) target(%dma_start3A_65 : memref<80x128xf32, #tpu.memory_space<vmem_shared>>) target_semaphore(%run_scoped3A : memref<!tpu.dma_semaphore, #tpu.memory_space<semaphore_mem>>)
      %dma_wait3A_66 = arith.constant 0 : i32
      %dma_wait3A_67 = tpu.memref_slice %arg11[%add3A_19, %dma_wait3A_66] : memref<10240x128xf32, #tpu.memory_space<vmem_shared>> -> memref<80x128xf32, #tpu.memory_space<vmem_shared>>
      %dma_wait3A_68 = arith.constant 0 : i32
      %dma_wait3A_69 = tpu.memref_slice %arg11[%add3A_19, %dma_wait3A_68] : memref<10240x128xf32, #tpu.memory_space<vmem_shared>> -> memref<80x128xf32, #tpu.memory_space<vmem_shared>>
      tpu.wait_dma2 semaphore(%run_scoped3A : memref<!tpu.dma_semaphore, #tpu.memory_space<semaphore_mem>>) src(%arg9 : memref<80x128xf32, #tpu.memory_space<vmem>>) dst(%dma_wait3A_69 : memref<80x128xf32, #tpu.memory_space<vmem_shared>>)
      tpu.yield
    }) : () -> ()
    %mul3A_20 = arith.constant 640 : i32
    %mul3A_21 = arith.muli %arg1, %mul3A_20 : i32
    %add3A_22 = arith.constant 240 : i32
    %add3A_23 = arith.addi %mul3A_21, %add3A_22 : i32
    "tpu.region"() ({
      %run_scoped3A = tpu.sem_alloc : memref<!tpu.dma_semaphore, #tpu.memory_space<semaphore_mem>>
      %dma_start3A_62 = arith.constant 0 : i32
      %dma_start3A_63 = tpu.memref_slice %arg11[%add3A_23, %dma_start3A_62] : memref<10240x128xf32, #tpu.memory_space<vmem_shared>> -> memref<80x128xf32, #tpu.memory_space<vmem_shared>>
      %dma_start3A_64 = arith.constant 0 : i32
      %dma_start3A_65 = tpu.memref_slice %arg11[%add3A_23, %dma_start3A_64] : memref<10240x128xf32, #tpu.memory_space<vmem_shared>> -> memref<80x128xf32, #tpu.memory_space<vmem_shared>>
      tpu.enqueue_dma source(%arg9 : memref<80x128xf32, #tpu.memory_space<vmem>>) target(%dma_start3A_65 : memref<80x128xf32, #tpu.memory_space<vmem_shared>>) target_semaphore(%run_scoped3A : memref<!tpu.dma_semaphore, #tpu.memory_space<semaphore_mem>>)
      %dma_wait3A_66 = arith.constant 0 : i32
      %dma_wait3A_67 = tpu.memref_slice %arg11[%add3A_23, %dma_wait3A_66] : memref<10240x128xf32, #tpu.memory_space<vmem_shared>> -> memref<80x128xf32, #tpu.memory_space<vmem_shared>>
      %dma_wait3A_68 = arith.constant 0 : i32
      %dma_wait3A_69 = tpu.memref_slice %arg11[%add3A_23, %dma_wait3A_68] : memref<10240x128xf32, #tpu.memory_space<vmem_shared>> -> memref<80x128xf32, #tpu.memory_space<vmem_shared>>
      tpu.wait_dma2 semaphore(%run_scoped3A : memref<!tpu.dma_semaphore, #tpu.memory_space<semaphore_mem>>) src(%arg9 : memref<80x128xf32, #tpu.memory_space<vmem>>) dst(%dma_wait3A_69 : memref<80x128xf32, #tpu.memory_space<vmem_shared>>)
      tpu.yield
    }) : () -> ()
    %mul3A_24 = arith.constant 640 : i32
    %mul3A_25 = arith.muli %arg1, %mul3A_24 : i32
    %add3A_26 = arith.constant 320 : i32
    %add3A_27 = arith.addi %mul3A_25, %add3A_26 : i32
    "tpu.region"() ({
      %run_scoped3A = tpu.sem_alloc : memref<!tpu.dma_semaphore, #tpu.memory_space<semaphore_mem>>
      %dma_start3A_62 = arith.constant 0 : i32
      %dma_start3A_63 = tpu.memref_slice %arg11[%add3A_27, %dma_start3A_62] : memref<10240x128xf32, #tpu.memory_space<vmem_shared>> -> memref<80x128xf32, #tpu.memory_space<vmem_shared>>
      %dma_start3A_64 = arith.constant 0 : i32
      %dma_start3A_65 = tpu.memref_slice %arg11[%add3A_27, %dma_start3A_64] : memref<10240x128xf32, #tpu.memory_space<vmem_shared>> -> memref<80x128xf32, #tpu.memory_space<vmem_shared>>
      tpu.enqueue_dma source(%arg9 : memref<80x128xf32, #tpu.memory_space<vmem>>) target(%dma_start3A_65 : memref<80x128xf32, #tpu.memory_space<vmem_shared>>) target_semaphore(%run_scoped3A : memref<!tpu.dma_semaphore, #tpu.memory_space<semaphore_mem>>)
      %dma_wait3A_66 = arith.constant 0 : i32
      %dma_wait3A_67 = tpu.memref_slice %arg11[%add3A_27, %dma_wait3A_66] : memref<10240x128xf32, #tpu.memory_space<vmem_shared>> -> memref<80x128xf32, #tpu.memory_space<vmem_shared>>
      %dma_wait3A_68 = arith.constant 0 : i32
      %dma_wait3A_69 = tpu.memref_slice %arg11[%add3A_27, %dma_wait3A_68] : memref<10240x128xf32, #tpu.memory_space<vmem_shared>> -> memref<80x128xf32, #tpu.memory_space<vmem_shared>>
      tpu.wait_dma2 semaphore(%run_scoped3A : memref<!tpu.dma_semaphore, #tpu.memory_space<semaphore_mem>>) src(%arg9 : memref<80x128xf32, #tpu.memory_space<vmem>>) dst(%dma_wait3A_69 : memref<80x128xf32, #tpu.memory_space<vmem_shared>>)
      tpu.yield
    }) : () -> ()
    %mul3A_28 = arith.constant 640 : i32
    %mul3A_29 = arith.muli %arg1, %mul3A_28 : i32
    %add3A_30 = arith.constant 400 : i32
    %add3A_31 = arith.addi %mul3A_29, %add3A_30 : i32
    "tpu.region"() ({
      %run_scoped3A = tpu.sem_alloc : memref<!tpu.dma_semaphore, #tpu.memory_space<semaphore_mem>>
      %dma_start3A_62 = arith.constant 0 : i32
      %dma_start3A_63 = tpu.memref_slice %arg11[%add3A_31, %dma_start3A_62] : memref<10240x128xf32, #tpu.memory_space<vmem_shared>> -> memref<80x128xf32, #tpu.memory_space<vmem_shared>>
      %dma_start3A_64 = arith.constant 0 : i32
      %dma_start3A_65 = tpu.memref_slice %arg11[%add3A_31, %dma_start3A_64] : memref<10240x128xf32, #tpu.memory_space<vmem_shared>> -> memref<80x128xf32, #tpu.memory_space<vmem_shared>>
      tpu.enqueue_dma source(%arg9 : memref<80x128xf32, #tpu.memory_space<vmem>>) target(%dma_start3A_65 : memref<80x128xf32, #tpu.memory_space<vmem_shared>>) target_semaphore(%run_scoped3A : memref<!tpu.dma_semaphore, #tpu.memory_space<semaphore_mem>>)
      %dma_wait3A_66 = arith.constant 0 : i32
      %dma_wait3A_67 = tpu.memref_slice %arg11[%add3A_31, %dma_wait3A_66] : memref<10240x128xf32, #tpu.memory_space<vmem_shared>> -> memref<80x128xf32, #tpu.memory_space<vmem_shared>>
      %dma_wait3A_68 = arith.constant 0 : i32
      %dma_wait3A_69 = tpu.memref_slice %arg11[%add3A_31, %dma_wait3A_68] : memref<10240x128xf32, #tpu.memory_space<vmem_shared>> -> memref<80x128xf32, #tpu.memory_space<vmem_shared>>
      tpu.wait_dma2 semaphore(%run_scoped3A : memref<!tpu.dma_semaphore, #tpu.memory_space<semaphore_mem>>) src(%arg9 : memref<80x128xf32, #tpu.memory_space<vmem>>) dst(%dma_wait3A_69 : memref<80x128xf32, #tpu.memory_space<vmem_shared>>)
      tpu.yield
    }) : () -> ()
    %mul3A_32 = arith.constant 640 : i32
    %mul3A_33 = arith.muli %arg1, %mul3A_32 : i32
    %add3A_34 = arith.constant 480 : i32
    %add3A_35 = arith.addi %mul3A_33, %add3A_34 : i32
    "tpu.region"() ({
      %run_scoped3A = tpu.sem_alloc : memref<!tpu.dma_semaphore, #tpu.memory_space<semaphore_mem>>
      %dma_start3A_62 = arith.constant 0 : i32
      %dma_start3A_63 = tpu.memref_slice %arg11[%add3A_35, %dma_start3A_62] : memref<10240x128xf32, #tpu.memory_space<vmem_shared>> -> memref<80x128xf32, #tpu.memory_space<vmem_shared>>
      %dma_start3A_64 = arith.constant 0 : i32
      %dma_start3A_65 = tpu.memref_slice %arg11[%add3A_35, %dma_start3A_64] : memref<10240x128xf32, #tpu.memory_space<vmem_shared>> -> memref<80x128xf32, #tpu.memory_space<vmem_shared>>
      tpu.enqueue_dma source(%arg9 : memref<80x128xf32, #tpu.memory_space<vmem>>) target(%dma_start3A_65 : memref<80x128xf32, #tpu.memory_space<vmem_shared>>) target_semaphore(%run_scoped3A : memref<!tpu.dma_semaphore, #tpu.memory_space<semaphore_mem>>)
      %dma_wait3A_66 = arith.constant 0 : i32
      %dma_wait3A_67 = tpu.memref_slice %arg11[%add3A_35, %dma_wait3A_66] : memref<10240x128xf32, #tpu.memory_space<vmem_shared>> -> memref<80x128xf32, #tpu.memory_space<vmem_shared>>
      %dma_wait3A_68 = arith.constant 0 : i32
      %dma_wait3A_69 = tpu.memref_slice %arg11[%add3A_35, %dma_wait3A_68] : memref<10240x128xf32, #tpu.memory_space<vmem_shared>> -> memref<80x128xf32, #tpu.memory_space<vmem_shared>>
      tpu.wait_dma2 semaphore(%run_scoped3A : memref<!tpu.dma_semaphore, #tpu.memory_space<semaphore_mem>>) src(%arg9 : memref<80x128xf32, #tpu.memory_space<vmem>>) dst(%dma_wait3A_69 : memref<80x128xf32, #tpu.memory_space<vmem_shared>>)
      tpu.yield
    }) : () -> ()
    %mul3A_36 = arith.constant 640 : i32
    %mul3A_37 = arith.muli %arg1, %mul3A_36 : i32
    %add3A_38 = arith.constant 560 : i32
    %add3A_39 = arith.addi %mul3A_37, %add3A_38 : i32
    "tpu.region"() ({
      %run_scoped3A = tpu.sem_alloc : memref<!tpu.dma_semaphore, #tpu.memory_space<semaphore_mem>>
      %dma_start3A_62 = arith.constant 0 : i32
      %dma_start3A_63 = tpu.memref_slice %arg11[%add3A_39, %dma_start3A_62] : memref<10240x128xf32, #tpu.memory_space<vmem_shared>> -> memref<80x128xf32, #tpu.memory_space<vmem_shared>>
      %dma_start3A_64 = arith.constant 0 : i32
      %dma_start3A_65 = tpu.memref_slice %arg11[%add3A_39, %dma_start3A_64] : memref<10240x128xf32, #tpu.memory_space<vmem_shared>> -> memref<80x128xf32, #tpu.memory_space<vmem_shared>>
      tpu.enqueue_dma source(%arg9 : memref<80x128xf32, #tpu.memory_space<vmem>>) target(%dma_start3A_65 : memref<80x128xf32, #tpu.memory_space<vmem_shared>>) target_semaphore(%run_scoped3A : memref<!tpu.dma_semaphore, #tpu.memory_space<semaphore_mem>>)
      %dma_wait3A_66 = arith.constant 0 : i32
      %dma_wait3A_67 = tpu.memref_slice %arg11[%add3A_39, %dma_wait3A_66] : memref<10240x128xf32, #tpu.memory_space<vmem_shared>> -> memref<80x128xf32, #tpu.memory_space<vmem_shared>>
      %dma_wait3A_68 = arith.constant 0 : i32
      %dma_wait3A_69 = tpu.memref_slice %arg11[%add3A_39, %dma_wait3A_68] : memref<10240x128xf32, #tpu.memory_space<vmem_shared>> -> memref<80x128xf32, #tpu.memory_space<vmem_shared>>
      tpu.wait_dma2 semaphore(%run_scoped3A : memref<!tpu.dma_semaphore, #tpu.memory_space<semaphore_mem>>) src(%arg9 : memref<80x128xf32, #tpu.memory_space<vmem>>) dst(%dma_wait3A_69 : memref<80x128xf32, #tpu.memory_space<vmem_shared>>)
      tpu.yield
    }) : () -> ()
    "tpu.region"() ({
      %run_scoped3A = tpu.sem_alloc : memref<!tpu.dma_semaphore, #tpu.memory_space<semaphore_mem>>
      %dma_start3A_62 = tpu.memref_slice %arg3[%multiple_of3A] : memref<320000xi32, #tpu.memory_space<hbm>> -> memref<10000xi32, #tpu.memory_space<hbm>>
      %dma_start3A_63 = tpu.memref_slice %arg3[%multiple_of3A] : memref<320000xi32, #tpu.memory_space<hbm>> -> memref<10000xi32, #tpu.memory_space<hbm>>
      tpu.enqueue_dma source(%dma_start3A_63 : memref<10000xi32, #tpu.memory_space<hbm>>) target(%arg6 : memref<10000xi32, #tpu.memory_space<vmem>>) target_semaphore(%run_scoped3A : memref<!tpu.dma_semaphore, #tpu.memory_space<semaphore_mem>>)
      %dma_wait3A_64 = tpu.memref_slice %arg3[%multiple_of3A] : memref<320000xi32, #tpu.memory_space<hbm>> -> memref<10000xi32, #tpu.memory_space<hbm>>
      %dma_wait3A_65 = tpu.memref_slice %arg3[%multiple_of3A] : memref<320000xi32, #tpu.memory_space<hbm>> -> memref<10000xi32, #tpu.memory_space<hbm>>
      tpu.wait_dma2 semaphore(%run_scoped3A : memref<!tpu.dma_semaphore, #tpu.memory_space<semaphore_mem>>) src(%dma_wait3A_65 : memref<10000xi32, #tpu.memory_space<hbm>>) dst(%arg6 : memref<10000xi32, #tpu.memory_space<vmem>>)
      tpu.yield
    }) : () -> ()
    %dma_start3A = tpu.memref_slice %arg4[%multiple_of3A] : memref<320000xi32, #tpu.memory_space<hbm>> -> memref<80xi32, #tpu.memory_space<hbm>>
    %dma_start3A_40 = tpu.memref_slice %arg4[%multiple_of3A] : memref<320000xi32, #tpu.memory_space<hbm>> -> memref<80xi32, #tpu.memory_space<hbm>>
    tpu.enqueue_dma source(%dma_start3A_40 : memref<80xi32, #tpu.memory_space<hbm>>) target(%arg7 : memref<80xi32, #tpu.memory_space<vmem>>) target_semaphore(%arg14 : memref<!tpu.dma_semaphore, #tpu.memory_space<semaphore_mem>>)
    %dma_start3A_41 = arith.constant 0 : i32
    %dma_start3A_42 = tpu.memref_slice %arg6[%dma_start3A_41] : memref<10000xi32, #tpu.memory_space<vmem>> -> memref<80xi32, #tpu.memory_space<vmem>>
    %dma_start3A_43 = arith.constant 0 : i32
    %dma_start3A_44 = arith.constant 0 : i32
    %dma_start3A_45 = tpu.memref_slice %arg2[%dma_start3A_43, %dma_start3A_44] : memref<10000x128xf32, #tpu.memory_space<hbm>> -> memref<10000x128xf32, #tpu.memory_space<hbm>>
    tpu.enqueue_indirect_dma source(%dma_start3A_45 : memref<10000x128xf32, #tpu.memory_space<hbm>>) target(%arg9 : memref<80x128xf32, #tpu.memory_space<vmem>>) offsets(%dma_start3A_42 : memref<80xi32, #tpu.memory_space<vmem>>) semaphore(%arg12 : memref<!tpu.dma_semaphore, #tpu.memory_space<semaphore_mem>>)
    %barrier3A = arith.constant 0 : index
    tpu.barrier barrier_id(%barrier3A)
    %scan3A_46 = arith.constant 0 : i32
    %scan3A_47 = arith.constant 62 : i32
    %scan3A_48 = arith.addi %scan3A_46, %scan3A_47 : i32
    %scan3A_49 = arith.constant 1 : i32
    scf.for %scan3A_62 = %scan3A_46 to %scan3A_48 step %scan3A_49  : i32 {
      %mul3A_63 = arith.constant 1 : i32
      %mul3A_64 = arith.muli %scan3A_62, %mul3A_63 : i32
      %add3A_65 = arith.constant 0 : i32
      %add3A_66 = arith.addi %add3A_65, %mul3A_64 : i32
      %mul3A_67 = arith.constant 2 : i32
      %mul3A_68 = arith.muli %add3A_66, %mul3A_67 : i32
      %add3A_69 = arith.constant 1 : i32
      %add3A_70 = arith.addi %mul3A_68, %add3A_69 : i32
      %mul3A_71 = arith.constant 80 : i32
      %mul3A_72 = arith.muli %add3A_70, %mul3A_71 : i32
      %multiple_of3A_73 = tpu.assume_multiple %mul3A_72, 8 : i32
      %add3A_74 = arith.constant 2 : i32
      %add3A_75 = arith.addi %mul3A_68, %add3A_74 : i32
      %mul3A_76 = arith.constant 80 : i32
      %mul3A_77 = arith.muli %add3A_75, %mul3A_76 : i32
      %multiple_of3A_78 = tpu.assume_multiple %mul3A_77, 8 : i32
      %add3A_79 = arith.addi %multiple_of3A, %multiple_of3A_73 : i32
      %dma_start3A_80 = tpu.memref_slice %arg4[%add3A_79] : memref<320000xi32, #tpu.memory_space<hbm>> -> memref<80xi32, #tpu.memory_space<hbm>>
      %dma_start3A_81 = tpu.memref_slice %arg4[%add3A_79] : memref<320000xi32, #tpu.memory_space<hbm>> -> memref<80xi32, #tpu.memory_space<hbm>>
      tpu.enqueue_dma source(%dma_start3A_81 : memref<80xi32, #tpu.memory_space<hbm>>) target(%arg8 : memref<80xi32, #tpu.memory_space<vmem>>) target_semaphore(%arg15 : memref<!tpu.dma_semaphore, #tpu.memory_space<semaphore_mem>>)
      %dma_start3A_82 = tpu.memref_slice %arg6[%multiple_of3A_73] : memref<10000xi32, #tpu.memory_space<vmem>> -> memref<80xi32, #tpu.memory_space<vmem>>
      %dma_start3A_83 = arith.constant 0 : i32
      %dma_start3A_84 = arith.constant 0 : i32
      %dma_start3A_85 = tpu.memref_slice %arg2[%dma_start3A_83, %dma_start3A_84] : memref<10000x128xf32, #tpu.memory_space<hbm>> -> memref<10000x128xf32, #tpu.memory_space<hbm>>
      tpu.enqueue_indirect_dma source(%dma_start3A_85 : memref<10000x128xf32, #tpu.memory_space<hbm>>) target(%arg10 : memref<80x128xf32, #tpu.memory_space<vmem>>) offsets(%dma_start3A_82 : memref<80xi32, #tpu.memory_space<vmem>>) semaphore(%arg13 : memref<!tpu.dma_semaphore, #tpu.memory_space<semaphore_mem>>)
      %dma_wait3A_86 = arith.constant 0 : i32
      %dma_wait3A_87 = tpu.memref_slice %arg6[%dma_wait3A_86] : memref<10000xi32, #tpu.memory_space<vmem>> -> memref<80xi32, #tpu.memory_space<vmem>>
      %dma_wait3A_88 = arith.constant 0 : i32
      %dma_wait3A_89 = arith.constant 0 : i32
      %dma_wait3A_90 = tpu.memref_slice %arg2[%dma_wait3A_88, %dma_wait3A_89] : memref<10000x128xf32, #tpu.memory_space<hbm>> -> memref<10000x128xf32, #tpu.memory_space<hbm>>
      tpu.wait_indirect_dma semaphore(%arg12 : memref<!tpu.dma_semaphore, #tpu.memory_space<semaphore_mem>>) src(%dma_wait3A_90 : memref<10000x128xf32, #tpu.memory_space<hbm>>) dst(%arg9 : memref<80x128xf32, #tpu.memory_space<vmem>>)
      %dma_wait3A_91 = tpu.memref_slice %arg4[%multiple_of3A] : memref<320000xi32, #tpu.memory_space<hbm>> -> memref<80xi32, #tpu.memory_space<hbm>>
      %dma_wait3A_92 = tpu.memref_slice %arg4[%multiple_of3A] : memref<320000xi32, #tpu.memory_space<hbm>> -> memref<80xi32, #tpu.memory_space<hbm>>
      tpu.wait_dma2 semaphore(%arg14 : memref<!tpu.dma_semaphore, #tpu.memory_space<semaphore_mem>>) src(%dma_wait3A_92 : memref<80xi32, #tpu.memory_space<hbm>>) dst(%arg7 : memref<80xi32, #tpu.memory_space<vmem>>)
      "tpu.region"() ({
        %run_scoped3A = tpu.sem_alloc : memref<!tpu.dma_semaphore, #tpu.memory_space<semaphore_mem>>
        %dma_start3A_107 = arith.constant 0 : i32
        %dma_start3A_108 = arith.constant 0 : i32
        %dma_start3A_109 = tpu.memref_slice %arg11[%dma_start3A_107, %dma_start3A_108] : memref<10240x128xf32, #tpu.memory_space<vmem_shared>> -> memref<10240x128xf32, #tpu.memory_space<vmem_shared>>
        tpu.enqueue_indirect_dma source(%arg9 : memref<80x128xf32, #tpu.memory_space<vmem>>) target(%dma_start3A_109 : memref<10240x128xf32, #tpu.memory_space<vmem_shared>>) offsets(%arg7 : memref<80xi32, #tpu.memory_space<vmem>>) semaphore(%run_scoped3A : memref<!tpu.dma_semaphore, #tpu.memory_space<semaphore_mem>>) {add = true}
        %dma_wait3A_110 = arith.constant 0 : i32
        %dma_wait3A_111 = arith.constant 0 : i32
        %dma_wait3A_112 = tpu.memref_slice %arg11[%dma_wait3A_110, %dma_wait3A_111] : memref<10240x128xf32, #tpu.memory_space<vmem_shared>> -> memref<10240x128xf32, #tpu.memory_space<vmem_shared>>
        tpu.wait_indirect_dma semaphore(%run_scoped3A : memref<!tpu.dma_semaphore, #tpu.memory_space<semaphore_mem>>) src(%arg9 : memref<80x128xf32, #tpu.memory_space<vmem>>) dst(%dma_wait3A_112 : memref<10240x128xf32, #tpu.memory_space<vmem_shared>>)
        tpu.yield
      }) : () -> ()
      %add3A_93 = arith.addi %multiple_of3A, %multiple_of3A_78 : i32
      %dma_start3A_94 = tpu.memref_slice %arg4[%add3A_93] : memref<320000xi32, #tpu.memory_space<hbm>> -> memref<80xi32, #tpu.memory_space<hbm>>
      %dma_start3A_95 = tpu.memref_slice %arg4[%add3A_93] : memref<320000xi32, #tpu.memory_space<hbm>> -> memref<80xi32, #tpu.memory_space<hbm>>
      tpu.enqueue_dma source(%dma_start3A_95 : memref<80xi32, #tpu.memory_space<hbm>>) target(%arg7 : memref<80xi32, #tpu.memory_space<vmem>>) target_semaphore(%arg14 : memref<!tpu.dma_semaphore, #tpu.memory_space<semaphore_mem>>)
      %dma_start3A_96 = tpu.memref_slice %arg6[%multiple_of3A_78] : memref<10000xi32, #tpu.memory_space<vmem>> -> memref<80xi32, #tpu.memory_space<vmem>>
      %dma_start3A_97 = arith.constant 0 : i32
      %dma_start3A_98 = arith.constant 0 : i32
      %dma_start3A_99 = tpu.memref_slice %arg2[%dma_start3A_97, %dma_start3A_98] : memref<10000x128xf32, #tpu.memory_space<hbm>> -> memref<10000x128xf32, #tpu.memory_space<hbm>>
      tpu.enqueue_indirect_dma source(%dma_start3A_99 : memref<10000x128xf32, #tpu.memory_space<hbm>>) target(%arg9 : memref<80x128xf32, #tpu.memory_space<vmem>>) offsets(%dma_start3A_96 : memref<80xi32, #tpu.memory_space<vmem>>) semaphore(%arg12 : memref<!tpu.dma_semaphore, #tpu.memory_space<semaphore_mem>>)
      %dma_wait3A_100 = arith.constant 0 : i32
      %dma_wait3A_101 = tpu.memref_slice %arg6[%dma_wait3A_100] : memref<10000xi32, #tpu.memory_space<vmem>> -> memref<80xi32, #tpu.memory_space<vmem>>
      %dma_wait3A_102 = arith.constant 0 : i32
      %dma_wait3A_103 = arith.constant 0 : i32
      %dma_wait3A_104 = tpu.memref_slice %arg2[%dma_wait3A_102, %dma_wait3A_103] : memref<10000x128xf32, #tpu.memory_space<hbm>> -> memref<10000x128xf32, #tpu.memory_space<hbm>>
      tpu.wait_indirect_dma semaphore(%arg13 : memref<!tpu.dma_semaphore, #tpu.memory_space<semaphore_mem>>) src(%dma_wait3A_104 : memref<10000x128xf32, #tpu.memory_space<hbm>>) dst(%arg10 : memref<80x128xf32, #tpu.memory_space<vmem>>)
      %dma_wait3A_105 = tpu.memref_slice %arg4[%multiple_of3A] : memref<320000xi32, #tpu.memory_space<hbm>> -> memref<80xi32, #tpu.memory_space<hbm>>
      %dma_wait3A_106 = tpu.memref_slice %arg4[%multiple_of3A] : memref<320000xi32, #tpu.memory_space<hbm>> -> memref<80xi32, #tpu.memory_space<hbm>>
      tpu.wait_dma2 semaphore(%arg15 : memref<!tpu.dma_semaphore, #tpu.memory_space<semaphore_mem>>) src(%dma_wait3A_106 : memref<80xi32, #tpu.memory_space<hbm>>) dst(%arg8 : memref<80xi32, #tpu.memory_space<vmem>>)
      "tpu.region"() ({
        %run_scoped3A = tpu.sem_alloc : memref<!tpu.dma_semaphore, #tpu.memory_space<semaphore_mem>>
        %dma_start3A_107 = arith.constant 0 : i32
        %dma_start3A_108 = arith.constant 0 : i32
        %dma_start3A_109 = tpu.memref_slice %arg11[%dma_start3A_107, %dma_start3A_108] : memref<10240x128xf32, #tpu.memory_space<vmem_shared>> -> memref<10240x128xf32, #tpu.memory_space<vmem_shared>>
        tpu.enqueue_indirect_dma source(%arg10 : memref<80x128xf32, #tpu.memory_space<vmem>>) target(%dma_start3A_109 : memref<10240x128xf32, #tpu.memory_space<vmem_shared>>) offsets(%arg8 : memref<80xi32, #tpu.memory_space<vmem>>) semaphore(%run_scoped3A : memref<!tpu.dma_semaphore, #tpu.memory_space<semaphore_mem>>) {add = true}
        %dma_wait3A_110 = arith.constant 0 : i32
        %dma_wait3A_111 = arith.constant 0 : i32
        %dma_wait3A_112 = tpu.memref_slice %arg11[%dma_wait3A_110, %dma_wait3A_111] : memref<10240x128xf32, #tpu.memory_space<vmem_shared>> -> memref<10240x128xf32, #tpu.memory_space<vmem_shared>>
        tpu.wait_indirect_dma semaphore(%run_scoped3A : memref<!tpu.dma_semaphore, #tpu.memory_space<semaphore_mem>>) src(%arg10 : memref<80x128xf32, #tpu.memory_space<vmem>>) dst(%dma_wait3A_112 : memref<10240x128xf32, #tpu.memory_space<vmem_shared>>)
        tpu.yield
      }) : () -> ()
    }
    %scan3A_50 = arith.constant 62 : i32
    %dma_wait3A = arith.constant 0 : i32
    %dma_wait3A_51 = tpu.memref_slice %arg6[%dma_wait3A] : memref<10000xi32, #tpu.memory_space<vmem>> -> memref<80xi32, #tpu.memory_space<vmem>>
    %dma_wait3A_52 = arith.constant 0 : i32
    %dma_wait3A_53 = arith.constant 0 : i32
    %dma_wait3A_54 = tpu.memref_slice %arg2[%dma_wait3A_52, %dma_wait3A_53] : memref<10000x128xf32, #tpu.memory_space<hbm>> -> memref<10000x128xf32, #tpu.memory_space<hbm>>
    tpu.wait_indirect_dma semaphore(%arg12 : memref<!tpu.dma_semaphore, #tpu.memory_space<semaphore_mem>>) src(%dma_wait3A_54 : memref<10000x128xf32, #tpu.memory_space<hbm>>) dst(%arg9 : memref<80x128xf32, #tpu.memory_space<vmem>>)
    %dma_wait3A_55 = tpu.memref_slice %arg4[%multiple_of3A] : memref<320000xi32, #tpu.memory_space<hbm>> -> memref<80xi32, #tpu.memory_space<hbm>>
    %dma_wait3A_56 = tpu.memref_slice %arg4[%multiple_of3A] : memref<320000xi32, #tpu.memory_space<hbm>> -> memref<80xi32, #tpu.memory_space<hbm>>
    tpu.wait_dma2 semaphore(%arg14 : memref<!tpu.dma_semaphore, #tpu.memory_space<semaphore_mem>>) src(%dma_wait3A_56 : memref<80xi32, #tpu.memory_space<hbm>>) dst(%arg7 : memref<80xi32, #tpu.memory_space<vmem>>)
    "tpu.region"() ({
      %run_scoped3A = tpu.sem_alloc : memref<!tpu.dma_semaphore, #tpu.memory_space<semaphore_mem>>
      %dma_start3A_62 = arith.constant 0 : i32
      %dma_start3A_63 = arith.constant 0 : i32
      %dma_start3A_64 = tpu.memref_slice %arg11[%dma_start3A_62, %dma_start3A_63] : memref<10240x128xf32, #tpu.memory_space<vmem_shared>> -> memref<10240x128xf32, #tpu.memory_space<vmem_shared>>
      tpu.enqueue_indirect_dma source(%arg9 : memref<80x128xf32, #tpu.memory_space<vmem>>) target(%dma_start3A_64 : memref<10240x128xf32, #tpu.memory_space<vmem_shared>>) offsets(%arg7 : memref<80xi32, #tpu.memory_space<vmem>>) semaphore(%run_scoped3A : memref<!tpu.dma_semaphore, #tpu.memory_space<semaphore_mem>>) {add = true}
      %dma_wait3A_65 = arith.constant 0 : i32
      %dma_wait3A_66 = arith.constant 0 : i32
      %dma_wait3A_67 = tpu.memref_slice %arg11[%dma_wait3A_65, %dma_wait3A_66] : memref<10240x128xf32, #tpu.memory_space<vmem_shared>> -> memref<10240x128xf32, #tpu.memory_space<vmem_shared>>
      tpu.wait_indirect_dma semaphore(%run_scoped3A : memref<!tpu.dma_semaphore, #tpu.memory_space<semaphore_mem>>) src(%arg9 : memref<80x128xf32, #tpu.memory_space<vmem>>) dst(%dma_wait3A_67 : memref<10240x128xf32, #tpu.memory_space<vmem_shared>>)
      tpu.yield
    }) : () -> ()
    %barrier3A_57 = arith.constant 0 : index
    tpu.barrier barrier_id(%barrier3A_57)
    %mul3A_58 = arith.constant 640 : i32
    %mul3A_59 = arith.muli %arg1, %mul3A_58 : i32
    %mul3A_60 = arith.constant 640 : i32
    %mul3A_61 = arith.muli %arg1, %mul3A_60 : i32
    "tpu.region"() ({
      %run_scoped3A = tpu.sem_alloc : memref<!tpu.dma_semaphore, #tpu.memory_space<semaphore_mem>>
      %dma_start3A_62 = arith.constant 0 : i32
      %dma_start3A_63 = tpu.memref_slice %arg5[%arg0, %mul3A_61, %dma_start3A_62] : memref<2x10240x128xf32, #tpu.memory_space<hbm>> -> memref<1x640x128xf32, #tpu.memory_space<hbm>>
      %dma_start3A_64 = tpu.memref_squeeze %dma_start3A_63 : memref<1x640x128xf32, #tpu.memory_space<hbm>> -> memref<640x128xf32, #tpu.memory_space<hbm>>
      %dma_start3A_65 = arith.constant 0 : i32
      %dma_start3A_66 = tpu.memref_slice %arg11[%mul3A_59, %dma_start3A_65] : memref<10240x128xf32, #tpu.memory_space<vmem_shared>> -> memref<640x128xf32, #tpu.memory_space<vmem_shared>>
      tpu.enqueue_dma source(%dma_start3A_66 : memref<640x128xf32, #tpu.memory_space<vmem_shared>>) target(%dma_start3A_64 : memref<640x128xf32, #tpu.memory_space<hbm>>) target_semaphore(%run_scoped3A : memref<!tpu.dma_semaphore, #tpu.memory_space<semaphore_mem>>)
      %dma_wait3A_67 = arith.constant 0 : i32
      %dma_wait3A_68 = tpu.memref_slice %arg5[%arg0, %mul3A_61, %dma_wait3A_67] : memref<2x10240x128xf32, #tpu.memory_space<hbm>> -> memref<1x640x128xf32, #tpu.memory_space<hbm>>
      %dma_wait3A_69 = tpu.memref_squeeze %dma_wait3A_68 : memref<1x640x128xf32, #tpu.memory_space<hbm>> -> memref<640x128xf32, #tpu.memory_space<hbm>>
      %dma_wait3A_70 = arith.constant 0 : i32
      %dma_wait3A_71 = tpu.memref_slice %arg11[%mul3A_59, %dma_wait3A_70] : memref<10240x128xf32, #tpu.memory_space<vmem_shared>> -> memref<640x128xf32, #tpu.memory_space<vmem_shared>>
      tpu.wait_dma2 semaphore(%run_scoped3A : memref<!tpu.dma_semaphore, #tpu.memory_space<semaphore_mem>>) src(%dma_wait3A_71 : memref<640x128xf32, #tpu.memory_space<vmem_shared>>) dst(%dma_wait3A_69 : memref<640x128xf32, #tpu.memory_space<hbm>>)
      tpu.yield
    }) : () -> ()
    return
  }
}

module attributes {stable_mosaic.version = 14 : i64} {
  func.func @_layer2_body(%arg0: i32, %arg1: memref<1x5000x128xf32, #tpu.memory_space<vmem>>, %arg2: memref<1x5000x128xf32, #tpu.memory_space<vmem>>, %arg3: memref<5000x128xf32, #tpu.memory_space<vmem>>, %arg4: memref<1x5000x1xf32, #tpu.memory_space<vmem>>, %arg5: memref<1x5000x1xf32, #tpu.memory_space<vmem>>, %arg6: memref<1x128xf32, #tpu.memory_space<vmem>>, %arg7: memref<128x128xf32, #tpu.memory_space<vmem>>, %arg8: memref<5000x128xf32, #tpu.memory_space<vmem>>) attributes {dimension_semantics = [#tpu.dimension_semantics<arbitrary>], iteration_bounds = array<i64: 2>, scalar_prefetch = 0 : i64, scratch_operands = 0 : i64, tpu.core_type = #tpu.core_type<tc>, window_params = [{transform_indices = @transform_0, window_bounds = array<i64: 1, 5000, 128>}, {transform_indices = @transform_1, window_bounds = array<i64: 1, 5000, 128>}, {transform_indices = @transform_2, window_bounds = array<i64: 5000, 128>}, {transform_indices = @transform_3, window_bounds = array<i64: 1, 5000, 1>}, {transform_indices = @transform_4, window_bounds = array<i64: 1, 5000, 1>}, {pipeline_mode = #tpu.pipeline_mode<synchronous>, transform_indices = @transform_5, window_bounds = array<i64: 1, 128>}, {pipeline_mode = #tpu.pipeline_mode<synchronous>, transform_indices = @transform_6, window_bounds = array<i64: 128, 128>}, {transform_indices = @transform_7, window_bounds = array<i64: 5000, 128>}]} {
    %get3A = arith.constant 0 : index
    %get3A_0 = arith.constant 0 : index
    %get3A_1 = arith.constant 0 : index
    %get3A_2 = vector.load %arg4[%get3A, %get3A_0, %get3A_1] : memref<1x5000x1xf32, #tpu.memory_space<vmem>>, vector<1x5000x1xf32>
    %get3A_3 = vector.shape_cast %get3A_2 : vector<1x5000x1xf32> to vector<5000x1xf32>
    %get3A_4 = arith.constant 0 : index
    %get3A_5 = arith.constant 0 : index
    %get3A_6 = arith.constant 0 : index
    %get3A_7 = vector.load %arg5[%get3A_4, %get3A_5, %get3A_6] : memref<1x5000x1xf32, #tpu.memory_space<vmem>>, vector<1x5000x1xf32>
    %get3A_8 = vector.shape_cast %get3A_7 : vector<1x5000x1xf32> to vector<5000x1xf32>
    %add3A = arith.addf %get3A_3, %get3A_8 : vector<5000x1xf32>
    %add3A_9 = arith.constant 1.000000e+00 : f32
    %add3A_10 = vector.broadcast %add3A_9 : f32 to vector<5000x1xf32>
    %add3A_11 = arith.addf %add3A, %add3A_10 : vector<5000x1xf32>
    %rsqrt3A = math.rsqrt %add3A_11 : vector<5000x1xf32>
    %get3A_12 = arith.constant 0 : index
    %get3A_13 = arith.constant 0 : index
    %get3A_14 = arith.constant 0 : index
    %get3A_15 = vector.load %arg1[%get3A_12, %get3A_13, %get3A_14] : memref<1x5000x128xf32, #tpu.memory_space<vmem>>, vector<1x5000x128xf32>
    %get3A_16 = vector.shape_cast %get3A_15 : vector<1x5000x128xf32> to vector<5000x128xf32>
    %get3A_17 = arith.constant 0 : index
    %get3A_18 = arith.constant 0 : index
    %get3A_19 = arith.constant 0 : index
    %get3A_20 = vector.load %arg2[%get3A_17, %get3A_18, %get3A_19] : memref<1x5000x128xf32, #tpu.memory_space<vmem>>, vector<1x5000x128xf32>
    %get3A_21 = vector.shape_cast %get3A_20 : vector<1x5000x128xf32> to vector<5000x128xf32>
    %add3A_22 = arith.addf %get3A_16, %get3A_21 : vector<5000x128xf32>
    %get3A_23 = arith.constant 0 : index
    %get3A_24 = arith.constant 0 : index
    %get3A_25 = vector.load %arg3[%get3A_23, %get3A_24] : memref<5000x128xf32, #tpu.memory_space<vmem>>, vector<5000x128xf32>
    %add3A_26 = arith.addf %add3A_22, %get3A_25 : vector<5000x128xf32>
    %mul3A = vector.broadcast %rsqrt3A : vector<5000x1xf32> to vector<5000x128xf32>
    %mul3A_27 = arith.mulf %mul3A, %add3A_26 : vector<5000x128xf32>
    %get3A_28 = arith.constant 0 : index
    %get3A_29 = arith.constant 0 : index
    %get3A_30 = vector.load %arg6[%get3A_28, %get3A_29] : memref<1x128xf32, #tpu.memory_space<vmem>>, vector<1x128xf32>
    %add3A_31 = vector.broadcast %get3A_30 : vector<1x128xf32> to vector<5000x128xf32>
    %add3A_32 = arith.addf %mul3A_27, %add3A_31 : vector<5000x128xf32>
    %max3A = arith.constant 0.000000e+00 : f32
    %max3A_33 = vector.broadcast %max3A : f32 to vector<5000x128xf32>
    %max3A_34 = arith.maximumf %add3A_32, %max3A_33 : vector<5000x128xf32>
    %get3A_35 = arith.constant 0 : index
    %get3A_36 = arith.constant 0 : index
    %get3A_37 = vector.load %arg7[%get3A_35, %get3A_36] : memref<128x128xf32, #tpu.memory_space<vmem>>, vector<128x128xf32>
    %dot_general3A = arith.constant dense<0.000000e+00> : vector<5000x128xf32>
    %dot_general3A_38 = tpu.matmul %max3A_34, %get3A_37, %dot_general3A {dimension_numbers = #tpu.dot_dimension_numbers<[1], [0], [0], [1], [0, 0, 1, 1], [], []>, transpose_lhs_hint = false} : vector<5000x128xf32>, vector<128x128xf32>, vector<5000x128xf32> -> vector<5000x128xf32>
    %mul3A_39 = vector.broadcast %rsqrt3A : vector<5000x1xf32> to vector<5000x128xf32>
    %mul3A_40 = arith.mulf %mul3A_39, %dot_general3A_38 : vector<5000x128xf32>
    %swap3A = arith.constant 0 : index
    %swap3A_41 = arith.constant 0 : index
    %swap3A_42 = vector.load %arg8[%swap3A, %swap3A_41] : memref<5000x128xf32, #tpu.memory_space<vmem>>, vector<5000x128xf32>
    tpu.vector_store %arg8[%swap3A, %swap3A_41], %mul3A_40 {strides = array<i32>} : memref<5000x128xf32, #tpu.memory_space<vmem>>, vector<5000x128xf32>,
    return
  }
  func.func @transform_0(%arg0: i32) -> (i32, i32, i32) {
    %c0_i32 = arith.constant 0 : i32
    %c0_i32_0 = arith.constant 0 : i32
    %c0_i32_1 = arith.constant 0 : i32
    return %c0_i32, %arg0, %c0_i32_0 : i32, i32, i32
  }
  func.func @transform_1(%arg0: i32) -> (i32, i32, i32) {
    %c1_i32 = arith.constant 1 : i32
    %c0_i32 = arith.constant 0 : i32
    %c0_i32_0 = arith.constant 0 : i32
    return %c1_i32, %arg0, %c0_i32 : i32, i32, i32
  }
  func.func @transform_2(%arg0: i32) -> (i32, i32) {
    %c0_i32 = arith.constant 0 : i32
    %c0_i32_0 = arith.constant 0 : i32
    return %arg0, %c0_i32 : i32, i32
  }
  func.func @transform_3(%arg0: i32) -> (i32, i32, i32) {
    %c0_i32 = arith.constant 0 : i32
    %c0_i32_0 = arith.constant 0 : i32
    %c0_i32_1 = arith.constant 0 : i32
    return %c0_i32, %arg0, %c0_i32_0 : i32, i32, i32
  }
  func.func @transform_4(%arg0: i32) -> (i32, i32, i32) {
    %c1_i32 = arith.constant 1 : i32
    %c0_i32 = arith.constant 0 : i32
    %c0_i32_0 = arith.constant 0 : i32
    return %c1_i32, %arg0, %c0_i32 : i32, i32, i32
  }
  func.func @transform_5(%arg0: i32) -> (i32, i32) {
    %c0_i32 = arith.constant 0 : i32
    %c0_i32_0 = arith.constant 0 : i32
    %c0_i32_1 = arith.constant 0 : i32
    return %c0_i32, %c0_i32_0 : i32, i32
  }
  func.func @transform_6(%arg0: i32) -> (i32, i32) {
    %c0_i32 = arith.constant 0 : i32
    %c0_i32_0 = arith.constant 0 : i32
    %c0_i32_1 = arith.constant 0 : i32
    return %c0_i32, %c0_i32_0 : i32, i32
  }
  func.func @transform_7(%arg0: i32) -> (i32, i32) {
    %c0_i32 = arith.constant 0 : i32
    %c0_i32_0 = arith.constant 0 : i32
    return %arg0, %c0_i32 : i32, i32
  }
}

module attributes {stable_mosaic.version = 14 : i64} {
  func.func @_mm_scale_body(%arg0: i32, %arg1: memref<5000x128xf32, #tpu.memory_space<vmem>>, %arg2: memref<128x128xf32, #tpu.memory_space<vmem>>, %arg3: memref<1x5000x1xf32, #tpu.memory_space<vmem>>, %arg4: memref<1x5000x1xf32, #tpu.memory_space<vmem>>, %arg5: memref<5000x128xf32, #tpu.memory_space<vmem>>) attributes {dimension_semantics = [#tpu.dimension_semantics<arbitrary>], iteration_bounds = array<i64: 2>, scalar_prefetch = 0 : i64, scratch_operands = 0 : i64, tpu.core_type = #tpu.core_type<tc>, window_params = [{transform_indices = @transform_0, window_bounds = array<i64: 5000, 128>}, {pipeline_mode = #tpu.pipeline_mode<synchronous>, transform_indices = @transform_1, window_bounds = array<i64: 128, 128>}, {transform_indices = @transform_2, window_bounds = array<i64: 1, 5000, 1>}, {transform_indices = @transform_3, window_bounds = array<i64: 1, 5000, 1>}, {transform_indices = @transform_4, window_bounds = array<i64: 5000, 128>}]} {
    %get3A = arith.constant 0 : index
    %get3A_0 = arith.constant 0 : index
    %get3A_1 = arith.constant 0 : index
    %get3A_2 = vector.load %arg3[%get3A, %get3A_0, %get3A_1] : memref<1x5000x1xf32, #tpu.memory_space<vmem>>, vector<1x5000x1xf32>
    %get3A_3 = vector.shape_cast %get3A_2 : vector<1x5000x1xf32> to vector<5000x1xf32>
    %get3A_4 = arith.constant 0 : index
    %get3A_5 = arith.constant 0 : index
    %get3A_6 = arith.constant 0 : index
    %get3A_7 = vector.load %arg4[%get3A_4, %get3A_5, %get3A_6] : memref<1x5000x1xf32, #tpu.memory_space<vmem>>, vector<1x5000x1xf32>
    %get3A_8 = vector.shape_cast %get3A_7 : vector<1x5000x1xf32> to vector<5000x1xf32>
    %add3A = arith.addf %get3A_3, %get3A_8 : vector<5000x1xf32>
    %add3A_9 = arith.constant 1.000000e+00 : f32
    %add3A_10 = vector.broadcast %add3A_9 : f32 to vector<5000x1xf32>
    %add3A_11 = arith.addf %add3A, %add3A_10 : vector<5000x1xf32>
    %rsqrt3A = math.rsqrt %add3A_11 : vector<5000x1xf32>
    %get3A_12 = arith.constant 0 : index
    %get3A_13 = arith.constant 0 : index
    %get3A_14 = vector.load %arg1[%get3A_12, %get3A_13] : memref<5000x128xf32, #tpu.memory_space<vmem>>, vector<5000x128xf32>
    %get3A_15 = arith.constant 0 : index
    %get3A_16 = arith.constant 0 : index
    %get3A_17 = vector.load %arg2[%get3A_15, %get3A_16] : memref<128x128xf32, #tpu.memory_space<vmem>>, vector<128x128xf32>
    %dot_general3A = arith.constant dense<0.000000e+00> : vector<5000x128xf32>
    %dot_general3A_18 = tpu.matmul %get3A_14, %get3A_17, %dot_general3A {dimension_numbers = #tpu.dot_dimension_numbers<[1], [0], [0], [1], [0, 0, 1, 1], [], []>, transpose_lhs_hint = false} : vector<5000x128xf32>, vector<128x128xf32>, vector<5000x128xf32> -> vector<5000x128xf32>
    %mul3A = vector.broadcast %rsqrt3A : vector<5000x1xf32> to vector<5000x128xf32>
    %mul3A_19 = arith.mulf %mul3A, %dot_general3A_18 : vector<5000x128xf32>
    %swap3A = arith.constant 0 : index
    %swap3A_20 = arith.constant 0 : index
    %swap3A_21 = vector.load %arg5[%swap3A, %swap3A_20] : memref<5000x128xf32, #tpu.memory_space<vmem>>, vector<5000x128xf32>
    tpu.vector_store %arg5[%swap3A, %swap3A_20], %mul3A_19 {strides = array<i32>} : memref<5000x128xf32, #tpu.memory_space<vmem>>, vector<5000x128xf32>,
    return
  }
  func.func @transform_0(%arg0: i32) -> (i32, i32) {
    %c0_i32 = arith.constant 0 : i32
    %c0_i32_0 = arith.constant 0 : i32
    return %arg0, %c0_i32 : i32, i32
  }
  func.func @transform_1(%arg0: i32) -> (i32, i32) {
    %c0_i32 = arith.constant 0 : i32
    %c0_i32_0 = arith.constant 0 : i32
    %c0_i32_1 = arith.constant 0 : i32
    return %c0_i32, %c0_i32_0 : i32, i32
  }
  func.func @transform_2(%arg0: i32) -> (i32, i32, i32) {
    %c0_i32 = arith.constant 0 : i32
    %c0_i32_0 = arith.constant 0 : i32
    %c0_i32_1 = arith.constant 0 : i32
    return %c0_i32, %arg0, %c0_i32_0 : i32, i32, i32
  }
  func.func @transform_3(%arg0: i32) -> (i32, i32, i32) {
    %c1_i32 = arith.constant 1 : i32
    %c0_i32 = arith.constant 0 : i32
    %c0_i32_0 = arith.constant 0 : i32
    return %c1_i32, %arg0, %c0_i32 : i32, i32, i32
  }
  func.func @transform_4(%arg0: i32) -> (i32, i32) {
    %c0_i32 = arith.constant 0 : i32
    %c0_i32_0 = arith.constant 0 : i32
    return %arg0, %c0_i32 : i32, i32
  }
}

module attributes {stable_mosaic.version = 14 : i64} {
  func.func @_final_body(%arg0: i32, %arg1: memref<1x5000x128xf32, #tpu.memory_space<vmem>>, %arg2: memref<1x5000x128xf32, #tpu.memory_space<vmem>>, %arg3: memref<5000x128xf32, #tpu.memory_space<vmem>>, %arg4: memref<1x5000x1xf32, #tpu.memory_space<vmem>>, %arg5: memref<1x5000x1xf32, #tpu.memory_space<vmem>>, %arg6: memref<1x128xf32, #tpu.memory_space<vmem>>, %arg7: memref<5000x128xf32, #tpu.memory_space<vmem>>) attributes {dimension_semantics = [#tpu.dimension_semantics<arbitrary>], iteration_bounds = array<i64: 2>, scalar_prefetch = 0 : i64, scratch_operands = 0 : i64, tpu.core_type = #tpu.core_type<tc>, window_params = [{transform_indices = @transform_0, window_bounds = array<i64: 1, 5000, 128>}, {transform_indices = @transform_1, window_bounds = array<i64: 1, 5000, 128>}, {transform_indices = @transform_2, window_bounds = array<i64: 5000, 128>}, {transform_indices = @transform_3, window_bounds = array<i64: 1, 5000, 1>}, {transform_indices = @transform_4, window_bounds = array<i64: 1, 5000, 1>}, {pipeline_mode = #tpu.pipeline_mode<synchronous>, transform_indices = @transform_5, window_bounds = array<i64: 1, 128>}, {transform_indices = @transform_6, window_bounds = array<i64: 5000, 128>}]} {
    %get3A = arith.constant 0 : index
    %get3A_0 = arith.constant 0 : index
    %get3A_1 = arith.constant 0 : index
    %get3A_2 = vector.load %arg4[%get3A, %get3A_0, %get3A_1] : memref<1x5000x1xf32, #tpu.memory_space<vmem>>, vector<1x5000x1xf32>
    %get3A_3 = vector.shape_cast %get3A_2 : vector<1x5000x1xf32> to vector<5000x1xf32>
    %get3A_4 = arith.constant 0 : index
    %get3A_5 = arith.constant 0 : index
    %get3A_6 = arith.constant 0 : index
    %get3A_7 = vector.load %arg5[%get3A_4, %get3A_5, %get3A_6] : memref<1x5000x1xf32, #tpu.memory_space<vmem>>, vector<1x5000x1xf32>
    %get3A_8 = vector.shape_cast %get3A_7 : vector<1x5000x1xf32> to vector<5000x1xf32>
    %add3A = arith.addf %get3A_3, %get3A_8 : vector<5000x1xf32>
    %add3A_9 = arith.constant 1.000000e+00 : f32
    %add3A_10 = vector.broadcast %add3A_9 : f32 to vector<5000x1xf32>
    %add3A_11 = arith.addf %add3A, %add3A_10 : vector<5000x1xf32>
    %rsqrt3A = math.rsqrt %add3A_11 : vector<5000x1xf32>
    %get3A_12 = arith.constant 0 : index
    %get3A_13 = arith.constant 0 : index
    %get3A_14 = arith.constant 0 : index
    %get3A_15 = vector.load %arg1[%get3A_12, %get3A_13, %get3A_14] : memref<1x5000x128xf32, #tpu.memory_space<vmem>>, vector<1x5000x128xf32>
    %get3A_16 = vector.shape_cast %get3A_15 : vector<1x5000x128xf32> to vector<5000x128xf32>
    %get3A_17 = arith.constant 0 : index
    %get3A_18 = arith.constant 0 : index
    %get3A_19 = arith.constant 0 : index
    %get3A_20 = vector.load %arg2[%get3A_17, %get3A_18, %get3A_19] : memref<1x5000x128xf32, #tpu.memory_space<vmem>>, vector<1x5000x128xf32>
    %get3A_21 = vector.shape_cast %get3A_20 : vector<1x5000x128xf32> to vector<5000x128xf32>
    %add3A_22 = arith.addf %get3A_16, %get3A_21 : vector<5000x128xf32>
    %get3A_23 = arith.constant 0 : index
    %get3A_24 = arith.constant 0 : index
    %get3A_25 = vector.load %arg3[%get3A_23, %get3A_24] : memref<5000x128xf32, #tpu.memory_space<vmem>>, vector<5000x128xf32>
    %add3A_26 = arith.addf %add3A_22, %get3A_25 : vector<5000x128xf32>
    %mul3A = vector.broadcast %rsqrt3A : vector<5000x1xf32> to vector<5000x128xf32>
    %mul3A_27 = arith.mulf %mul3A, %add3A_26 : vector<5000x128xf32>
    %get3A_28 = arith.constant 0 : index
    %get3A_29 = arith.constant 0 : index
    %get3A_30 = vector.load %arg6[%get3A_28, %get3A_29] : memref<1x128xf32, #tpu.memory_space<vmem>>, vector<1x128xf32>
    %add3A_31 = vector.broadcast %get3A_30 : vector<1x128xf32> to vector<5000x128xf32>
    %add3A_32 = arith.addf %mul3A_27, %add3A_31 : vector<5000x128xf32>
    %reduce_max3A = arith.constant dense<0xFF800000> : vector<5000xf32>
    %reduce_max3A_33 = vector.multi_reduction <maximumf>, %add3A_32, %reduce_max3A [1] : vector<5000x128xf32> to vector<5000xf32>
    %broadcast_in_dim3A = vector.shape_cast %reduce_max3A_33 : vector<5000xf32> to vector<5000x1xf32>
    %sub3A = vector.broadcast %broadcast_in_dim3A : vector<5000x1xf32> to vector<5000x128xf32>
    %sub3A_34 = arith.subf %add3A_32, %sub3A : vector<5000x128xf32>
    %exp3A = math.exp %sub3A_34 : vector<5000x128xf32>
    %reduce_sum3A = arith.constant dense<0.000000e+00> : vector<5000xf32>
    %reduce_sum3A_35 = vector.multi_reduction <add>, %exp3A, %reduce_sum3A [1] : vector<5000x128xf32> to vector<5000xf32>
    %broadcast_in_dim3A_36 = vector.shape_cast %reduce_sum3A_35 : vector<5000xf32> to vector<5000x1xf32>
    %log3A = math.log %broadcast_in_dim3A_36 : vector<5000x1xf32>
    %sub3A_37 = vector.broadcast %log3A : vector<5000x1xf32> to vector<5000x128xf32>
    %sub3A_38 = arith.subf %sub3A_34, %sub3A_37 : vector<5000x128xf32>
    %swap3A = arith.constant 0 : index
    %swap3A_39 = arith.constant 0 : index
    %swap3A_40 = vector.load %arg7[%swap3A, %swap3A_39] : memref<5000x128xf32, #tpu.memory_space<vmem>>, vector<5000x128xf32>
    tpu.vector_store %arg7[%swap3A, %swap3A_39], %sub3A_38 {strides = array<i32>} : memref<5000x128xf32, #tpu.memory_space<vmem>>, vector<5000x128xf32>,
    return
  }
  func.func @transform_0(%arg0: i32) -> (i32, i32, i32) {
    %c0_i32 = arith.constant 0 : i32
    %c0_i32_0 = arith.constant 0 : i32
    %c0_i32_1 = arith.constant 0 : i32
    return %c0_i32, %arg0, %c0_i32_0 : i32, i32, i32
  }
  func.func @transform_1(%arg0: i32) -> (i32, i32, i32) {
    %c1_i32 = arith.constant 1 : i32
    %c0_i32 = arith.constant 0 : i32
    %c0_i32_0 = arith.constant 0 : i32
    return %c1_i32, %arg0, %c0_i32 : i32, i32, i32
  }
  func.func @transform_2(%arg0: i32) -> (i32, i32) {
    %c0_i32 = arith.constant 0 : i32
    %c0_i32_0 = arith.constant 0 : i32
    return %arg0, %c0_i32 : i32, i32
  }
  func.func @transform_3(%arg0: i32) -> (i32, i32, i32) {
    %c0_i32 = arith.constant 0 : i32
    %c0_i32_0 = arith.constant 0 : i32
    %c0_i32_1 = arith.constant 0 : i32
    return %c0_i32, %arg0, %c0_i32_0 : i32, i32, i32
  }
  func.func @transform_4(%arg0: i32) -> (i32, i32, i32) {
    %c1_i32 = arith.constant 1 : i32
    %c0_i32 = arith.constant 0 : i32
    %c0_i32_0 = arith.constant 0 : i32
    return %c1_i32, %arg0, %c0_i32 : i32, i32, i32
  }
  func.func @transform_5(%arg0: i32) -> (i32, i32) {
    %c0_i32 = arith.constant 0 : i32
    %c0_i32_0 = arith.constant 0 : i32
    %c0_i32_1 = arith.constant 0 : i32
    return %c0_i32, %c0_i32_0 : i32, i32
  }
  func.func @transform_6(%arg0: i32) -> (i32, i32) {
    %c0_i32 = arith.constant 0 : i32
    %c0_i32_0 = arith.constant 0 : i32
    return %arg0, %c0_i32 : i32, i32
  }
}

</mosaic_0001>

<sc_bundles>
// kernel: kernel.11.cloned.1.call-start
scs
__scs_entry_jumppad:
0x0: {  	(pc) =	sbr.rel $0x88, $3  }
0x1: {  	(tag) =	ssettag $0x0;
	lr =	simm.s32 $0x1  }
0x2: {  	[smem:$0x3F9B] =	sst lr;
	_ =	strace $0xD0000000  }
0x3: {  	_ = 	snop  }
0x4: {  	_ = 	snop  }
0x5: {  	_ = 	snop  }
0x6: {  	_ = 	snop  }
0x7: {  	_ = 	snop  }
__scs_overlays_trampoline_lowered:
0x8: {  	[smem:$0x3FAA] =	sst s0  }
0x9: {  	[smem:$0x3FAB] =	sst s1  }
0xa: {  	[smem:$0x3FAC] =	sst s2  }
0xb: {  	[smem:$0x3FAD] =	sst s3  }
0xc: {  	[smem:$0x3FAE] =	sst s4  }
0xd: {  	[smem:$0x3FAF] =	sst s5  }
0xe: {  	[smem:$0x3FB0] =	sst s6  }
0xf: {  	[smem:$0x3FB1] =	sst s7  }
0x10: {  	[smem:$0x3FB2] =	sst s8  }
0x11: {  	[smem:$0x3FB3] =	sst s9;
	s0 =	simm.s32 @!p0 $0x0  }
0x12: {  	s1 =	sld [smem:$0x3F99];
	s0 =	simm.s32 @p0 $0x1  }
0x13: {  	[smem:$0x3FB4] =	sst s0;
	s0 =	simm.s32 @!p1 $0x0  }
0x14: {  	s2 =	sld [smem:$0x3F98];
	s0 =	simm.s32 @p1 $0x1  }
0x15: {  	[smem:$0x3FB5] =	sst s0;
	s0 =	simm.s32 @!p2 $0x0  }
0x16: {  	s3 =	sld [smem:$0x3FDB];
	s0 =	simm.s32 @p2 $0x1  }
0x17: {  	s4 =	simm.s32 $0x1BF5;
	[smem:$0x3FB7] =	sst s0  }
0x18: {  	s0 =	sld [smem:$0x3F9A];
	_ =	swait.ge [sflag:s4], $0x0  }
0x19: {  	s7 =	sld [smem:$0x3F9B]  }
0x1a: {  	s8 =	sadd.s32 $0xFFFFE003, lr  }
0x1b: {  	s9 =	sadd.s32 $0xFFFFFEF7, lr;
	s5 =	simm.s32 $0xFFFFFFFF;
	p2 =	slt.u32 s8, $0xFFFFF086  }
0x1c: {  	p1 =	slt.u32 s9, $0xF7A;
	s5 =	simm.s32 @!p2 $0x0  }
0x1d: {  	s5 =	simm.s32 @p1 $0x1;
	p0 =	seq.s32 s7, s2  }
0x1e: {  	s7 =	smul.u32 @!p0 $0xF7A, s2;
	p2 =	seq.s32 @!p0 s5, $0x0  }
0x1f: {  	s9 =	smul.u32 $0xF7A, s1;
	s8 =	simm.s32 @!p0 $0x1BF5;
	p2 =	por !p2, p0  }
0x20: {  	[sflag:s8] =	ssyncset.s32 @!p0 $0xFFFFF086;
	s6 =	sadd.s32 @!p0 s3, s7;
	s7 =	simm.s32 @!p0 $0x108  }
0x21: {  	s3 =	sadd.s32 s3, s9;
	s6 =	sadd.s32 @!p0 $0x88, s6;
	s7 =	simm.s32 @p2 $0x1082  }
0x22: {  	[simem:s7], [sflag:s8] =	dma.local @!p0 [hbm:s6], $0xF7A  }
0x23: {  	s9 =	sor.u32 $0xD0000000, s2;
	s6 =	simm.s32 $0x108;
	_ =	swait.ge @!p0 [sflag:s8], $0x0  }
0x24: {  	s3 =	sadd.s32 $0x88, s3;
	s6 =	simm.s32 @!p1 $0x1082;
	[sflag:s4] =	ssyncset.s32 $0xFFFFF086  }
0x25: {  	[simem:s6], [sflag:s4] =	dma.local [hbm:s3], $0xF7A  }
0x26: {  	[smem:$0x3F9B] =	sst s1;
	(tag) =	ssettag s2;
	_ =	strace s9  }
0x27: {  	s1 =	sld [smem:$0x3FAB]  }
0x28: {  	s2 =	sld [smem:$0x3FAC]  }
0x29: {  	s4 =	sld [smem:$0x3FAE]  }
0x2a: {  	p0 =	seq.s32 s5, $0x0;
	s5 =	sld [smem:$0x3FAF]  }
0x2b: {  	s6 =	sld [smem:$0x3FB0]  }
0x2c: {  	s7 =	sld [smem:$0x3FB1]  }
0x2d: {  	s3 =	simm.s32 $0x108;
	s8 =	sld [smem:$0x3FB2]  }
0x2e: {  	s3 =	simm.s32 @!p0 $0x1082;
	s9 =	sld [smem:$0x3FB3]  }
0x2f: {  	lr =	sadd.s32 s0, s3;
	s0 =	sld [smem:$0x3FAA]  }
0x30: {  	s3 =	sld [smem:$0x3FAD]  }
0x31: {  	[smem:$0x3FB6] =	sst s10  }
0x32: {  	s10 =	sld [smem:$0x3FB4];
	_ =	sdelay $0x3  }
0x33: {  	p0 =	seq.s32 s10, $0x1;
	s10 =	sld [smem:$0x3FB6];
	_ =	sdelay $0x3  }
0x34: {  	[smem:$0x3FB6] =	sst s10  }
0x35: {  	s10 =	sld [smem:$0x3FB5];
	_ =	sdelay $0x3  }
0x36: {  	p1 =	seq.s32 s10, $0x1;
	s10 =	sld [smem:$0x3FB6];
	_ =	sdelay $0x3  }
0x37: {  	[smem:$0x3FB6] =	sst s10  }
0x38: {  	s10 =	sld [smem:$0x3FB7]  }
0x39: {  	_ = 	snop;
	(pc) =	sbr.ind lr, $3  }
0x3a: {  	_ = 	snop  }
0x3b: {  	_ = 	snop  }
0x3c: {  	p2 =	seq.s32 s10, $0x1;
	s10 =	sld [smem:$0x3FB6]  }
0x3d: {  	_ =	shalt  }
0x3e: {  	_ =	shalt  }
0x3f: {  	_ =	shalt  }
0x40: {  	_ =	shalt  }
0x41: {  	_ =	shalt  }
0x42: {  	_ =	shalt  }
0x43: {  	_ =	shalt  }
0x44: {  	_ =	shalt  }
0x45: {  	_ =	shalt  }
0x46: {  	_ =	shalt  }
0x47: {  	_ =	shalt  }
0x48: {  	_ =	shalt  }
0x49: {  	_ =	shalt  }
0x4a: {  	_ =	shalt  }
0x4b: {  	_ =	shalt  }
0x4c: {  	_ =	shalt  }
0x4d: {  	_ =	shalt  }
0x4e: {  	_ =	shalt  }
0x4f: {  	_ =	shalt  }
0x50: {  	_ =	shalt  }
0x51: {  	_ =	shalt  }
0x52: {  	_ =	shalt  }
0x53: {  	_ =	shalt  }
0x54: {  	_ =	shalt  }
0x55: {  	_ =	shalt  }
0x56: {  	_ =	shalt  }
0x57: {  	_ =	shalt  }
0x58: {  	_ =	shalt  }
0x59: {  	_ =	shalt  }
0x5a: {  	_ =	shalt  }
0x5b: {  	_ =	shalt  }
0x5c: {  	_ =	shalt  }
0x5d: {  	_ =	shalt  }
0x5e: {  	_ =	shalt  }
0x5f: {  	_ =	shalt  }
0x60: {  	_ =	shalt  }
0x61: {  	_ =	shalt  }
0x62: {  	_ =	shalt  }
0x63: {  	_ =	shalt  }
0x64: {  	_ =	shalt  }
0x65: {  	_ =	shalt  }
0x66: {  	_ =	shalt  }
0x67: {  	_ =	shalt  }
0x68: {  	_ =	shalt  }
0x69: {  	_ =	shalt  }
0x6a: {  	_ =	shalt  }
0x6b: {  	_ =	shalt  }
0x6c: {  	_ =	shalt  }
0x6d: {  	_ =	shalt  }
0x6e: {  	_ =	shalt  }
0x6f: {  	_ =	shalt  }
0x70: {  	_ =	shalt  }
0x71: {  	_ =	shalt  }
0x72: {  	_ =	shalt  }
0x73: {  	_ =	shalt  }
0x74: {  	_ =	shalt  }
0x75: {  	_ =	shalt  }
0x76: {  	_ =	shalt  }
0x77: {  	_ =	shalt  }
0x78: {  	_ =	shalt  }
0x79: {  	_ =	shalt  }
0x7a: {  	_ =	shalt  }
0x7b: {  	_ =	shalt  }
0x7c: {  	_ =	shalt  }
0x7d: {  	_ =	shalt  }
0x7e: {  	_ =	shalt  }
0x7f: {  	_ =	shalt  }
0x80: {  	_ =	shalt  }
0x81: {  	_ =	shalt  }
0x82: {  	_ =	shalt  }
0x83: {  	_ =	shalt  }
0x84: {  	_ =	shalt  }
0x85: {  	_ =	shalt  }
0x86: {  	_ =	shalt  }
0x87: {  	_ =	shalt  }
.Lfunc_end0:
.L_simem_size_0:
called_computation.1_lowered:
.L_overlay_start_0:
0x88: {  	s2 =	sld [smem:$0x3FD9]  }
0x89: {  	s3 =	sld [smem:$0x3FFE];
	_ =	sdelay $0x1  }
0x8a: {  	s1 =	srdreg.scid  }
0x8b: {  	s0 =	sand.u32 $0x1, s1  }
0x8c: {  	s17 =	sshll.u32 s0, $0xA;
	s2 =	sadd.s32 s3, s2  }
0x8d: {  	s2 =	sadd.s32 s2, s17  }
0x8e: {  	[smem:$0x3FC2] =	sst s2  }
0x8f: {  	_ = 	snop  }
0x90: {  	s2 =	sld [smem:$0x3FD0];
	(tm) =	ssettm $0x1  }
0x91: {  	s18 =	sld [smem:$0x3FFB];
	_ =	sdelay $0x3  }
0x92: {  	_ =	strace s18  }
0x93: {  	s3 =	sld [smem:$0x3FFC];
	_ =	sdelay $0x3  }
0x94: {  	_ =	strace s3  }
0x95: {  	s3 =	sld [smem:$0x3FFD];
	_ =	sdelay $0x3  }
0x96: {  	_ =	strace s3  }
0x97: {  	_ =	strace $0x8FFFFFFF  }
0x98: {  	s19 =	sld [smem:$0x3FDB];
	_ =	sdelay $0x1  }
0x99: {  	s4 =	simm.s32 $_scs_section_size  }
0x9a: {  	s5 =	simm.s32 $_size__tile_overlayer_lowered;
	s6 =	simm.s32 $_tile_overlayer_lowered  }
0x9b: {  	s22 =	simm.s32 $0x1BFF;
	s21 =	sshll.u32 s6, $0x1;
	s3 =	sadd.s32 s4, s19  }
0x9c: {  	s7 =	simm.s32 $0x0;
	s20 =	sshll.u32 s5, $0x1;
	s5 =	sadd.s32 s21, s3  }
0x9d: {  	[timem:s7], [sflag:s22] =	dma.local [hbm:s5], s20  }
0x9e: {  	_ =	swait.ge [sflag:s22], s20  }
0x9f: {  	s4 =	ssub.s32 $0x0, s20;
	[sflag:s22] =	ssyncset.done $0x0  }
0xa0: {  	[sflag:s22] =	ssyncadd.s32 s4;
	_ =	sdelay $0x1  }
0xa1: {  	s23 =	simm.s32 $0x1B8B  }
0xa2: {  	_ =	swait.ge [sflag:s23], $0x1  }
0xa3: {  	[sflag:s23] =	ssyncset.done $0x0  }
0xa4: {  	s25 =	simm.s32 $0x1B8E;
	s24 =	sld [smem:$0x3FFE];
	[sflag:s23] =	ssyncadd.s32 $0xFFFFFFFF  }
0xa5: {  	s26 =	simm.s32 $execute0_lowered;
	[smem:$0x3FD2] =	sst s25  }
0xa6: {  	s5 =	sshll.u32 s26, $0x1;
	_ =	strace $0x80000049;
	[dreg:$0x1] =	wrdreg $0xFFFFFFFF  }
0xa7: {  	s28 =	simm.s32 $_size_execute0_lowered;
	s3 =	sadd.s32 s3, s5;
	[dreg:$0x0] =	wrdreg $0x0  }
0xa8: {  	s5 =	sshll.u32 s28, $0x1;
	[dreg:$0x2] =	wrdreg s3  }
0xa9: {  	[dreg:$0x3] =	wrdreg s5  }
0xaa: {  	[dreg:$0x4] =	wrdreg $0xC0  }
0xab: {  	_ =	task [dreg:s7], $0x5FFFF  }
0xac: {  	[dreg:$0x1] =	wrdreg $0xFFFFFFFF  }
0xad: {  	[dreg:$0x0] =	wrdreg $0x60  }
0xae: {  	[dreg:$0x2] =	wrdreg s2  }
0xaf: {  	[dreg:$0x3] =	wrdreg s24  }
0xb0: {  	[dreg:$0x4] =	wrdreg $0x78800  }
0xb1: {  	[dreg:$0x5] =	wrdreg $0x9  }
0xb2: {  	_ =	task.clear_ibuf [dreg:s7], $0x6FFFF;
	_ =	strace $0x90000049  }
0xb3: {  	s29 =	simm.s32 $0x9;
	_ =	strace $0x8000004B  }
0xb4: {  	_ =	swait.ge [sflag:s29], $0x1  }
0xb5: {  	[sflag:s29] =	ssyncadd.s32 $0xFFFFFFFF  }
0xb6: {  	_ =	strace $0x9000004B  }
0xb7: {  	_ =	sfence  }
0xb8: {  	s30 =	sld [smem:$0x0];
	_ =	sdelay $0x2  }
0xb9: {  	s31 =	sshll.u32 s1, $0xD;
	s1 =	sshrl.u32 s1, $0x2  }
0xba: {  	s3 =	sand.u32 $0x4000, s31;
	s1 =	sadd.s32 s1, s30  }
0xbb: {  	s0 =	sor.u32 s3, s0;
	s1 =	sshll.u32 s1, $0x11  }
0xbc: {  	s0 =	sor.u32 s1, s0  }
0xbd: {  	s0 =	sadd.s32 $0x8F2B, s0  }
0xbe: {  	[sflag:s0] =	ssyncadd.remote.s32 $0x1  }
0xbf: {  	_ =	sfence.sel $0xFFFF  }
0xc0: {  	[dreg:$0x0] =	wrdreg $0xFFFFFFFF;
	(pc) =	sbr.abs _section_cstart, $3  }
0xc1: {  	[dreg:$0x1] =	wrdreg $0xFFFFFFFF  }
0xc2: {  	_ =	task.clear_ibuf [dreg:s7], $0x2FFFF;
	_ =	strace $0x9FFFFFFF  }
0xc3: {  	(tm) =	ssettm $0x7FFFFFFF  }
tec
execute0_lowered:
.L_overlay_start_1:
0x0: {  	(tag) =	ssettag $0x1  }
0x1: {  	s2 =	rddreg [dreg:$0x0]  }
0x2: {  	s0 =	srdreg.scid;
	s6 =	rddreg [dreg:$0x1]  }
0x3: {  	s11 =	stileid.u32;
	s3 =	rddreg [dreg:$0x2]  }
0x4: {  	s4 =	simm.s32 $0x0;
	s20 =	simm.s32 $0x2880;
	s28 =	simm.s32 $0x3  }
0x5: {  	s29 =	simm.s32 $0x2;
	s30 =	simm.s32 $0x4;
	s7 =	smul.u32 $0x14000, s11  }
0x6: {  	s31 =	simm.s32 $0x0;
	s0 =	sand.u32 $0x1, s0;
	s9 =	smul.u32 $0x50000, s11  }
0x7: {  	[smem:$0x7FF] =	sst s4;
	s12 =	smul.u32 $0x2710, s11;
	s1 =	sshll.u32 s0, $0x4  }
0x8: {  	s5 =	smul.u32 $0x140000, s0;
	_ =	strace $0x8000004A;
	s22 =	ssub.s32 $0x2, s0  }
0x9: {  	s0 =	smul.u32 $0x27100, s0;
	s1 =	sor.u32 s11, s1;
	s10 =	sshrl.u32 s22, $0x1  }
0xa: {  	s9 =	sshrl.u32 s9, $0x2;
	s1 =	smul.u32 $0x2710, s1;
	s5 =	sadd.s32 s7, s5  }
0xb: {  	s17 =	ssub.s32 s22, s10;
	s0 =	sadd.s32 s12, s0;
	s22 =	simm.s32 $0x2780  }
0xc: {  	s8 =	sshrl.u32 s5, $0x3;
	s5 =	sadd.s32 $0xC600, s6;
	s16 =	sadd.s32 $0x50, s0  }
0xd: {  	s17 =	smax.u32 s17, $0x1;
	s19 =	sadd.s32 $0xA0, s0;
	s1 =	sshrl.u32 s1, $0x3  }
0xe: {  	s8 =	sadd.s32 s8, s6;
	s26 =	sshrl.u32 s16, $0x3;
	s21 =	sadd.s32 s1, s6  }
0xf: {  	s6 =	sadd.s32 s9, s3;
	s15 =	sadd.s32 s5, s1;
	s16 =	sadd.s32 $0x66400, s8  }
0x10: {  	s18 =	sadd.s32 s26, s5;
	s26 =	simm.s32 $0x1;
	s9 =	sadd.s32 $0x2800, s6  }
0x11: {  	s23 =	sadd.s32 $0x5000, s6;
	s24 =	sadd.s32 $0x7800, s6;
	[dreg:$0x4] =	wrdreg s9  }
0x12: {  	s25 =	sadd.s32 $0xA000, s6;
	s11 =	sadd.s32 $0xC800, s6;
	[dreg:$0x5] =	wrdreg s23  }
0x13: {  	s12 =	sadd.s32 $0xF000, s6;
	s13 =	sadd.s32 $0x11800, s6;
	[dreg:$0x6] =	wrdreg s24  }
0x14: {  	s14 =	sadd.s32 $0x2800, s21;
	s21 =	simm.s32 $0x5;
	[dreg:$0x7] =	wrdreg s25  }
0x15: {  	v0 =	vimm.f32 $0.0e+00;
	s23 =	simm.s32 $0x2800;
	s24 =	simm.s32 $0x50;
	s25 =	simm.s32 $0x5080  }
.LBB2_1:
0x16: {  	s1 =	simm.s32 $0x2980  }
0x17: {  	[tilespmem:s1+$0xFFFFFF00] =	vst v0  }
0x18: {  	[tilespmem:s1+$0xF0] =	vst v0  }
0x19: {  	[tilespmem:s1+$0xE0] =	vst v0  }
0x1a: {  	[tilespmem:s1+$0xD0] =	vst v0  }
0x1b: {  	[tilespmem:s1+$0xC0] =	vst v0  }
0x1c: {  	[tilespmem:s1+$0xB0] =	vst v0  }
0x1d: {  	[tilespmem:s1+$0xA0] =	vst v0  }
0x1e: {  	[tilespmem:s1+$0x90] =	vst v0  }
0x1f: {  	[tilespmem:s1+$0x80] =	vst v0  }
0x20: {  	[tilespmem:s1+$0x70] =	vst v0  }
0x21: {  	[tilespmem:s1+$0x60] =	vst v0  }
0x22: {  	[tilespmem:s1+$0x50] =	vst v0  }
0x23: {  	[tilespmem:s1+$0x40] =	vst v0  }
0x24: {  	[tilespmem:s1+$0x30] =	vst v0  }
0x25: {  	[tilespmem:s1+$0x20] =	vst v0  }
0x26: {  	[tilespmem:s1+$0x10] =	vst v0  }
0x27: {  	[tilespmem:s1+$0x0] =	vst v0  }
0x28: {  	[tilespmem:s1+$0xFFFFFFF0] =	vst v0  }
0x29: {  	[tilespmem:s1+$0xFFFFFFE0] =	vst v0  }
0x2a: {  	[tilespmem:s1+$0xFFFFFFD0] =	vst v0  }
0x2b: {  	[tilespmem:s1+$0xFFFFFFC0] =	vst v0  }
0x2c: {  	[tilespmem:s1+$0xFFFFFFB0] =	vst v0  }
0x2d: {  	[tilespmem:s1+$0xFFFFFFA0] =	vst v0  }
0x2e: {  	[tilespmem:s1+$0xFFFFFF90] =	vst v0  }
0x2f: {  	[tilespmem:s1+$0xFFFFFF80] =	vst v0  }
0x30: {  	[tilespmem:s1+$0xFFFFFF70] =	vst v0  }
0x31: {  	[tilespmem:s1+$0xFFFFFF60] =	vst v0  }
0x32: {  	[tilespmem:s1+$0xFFFFFF50] =	vst v0  }
0x33: {  	[tilespmem:s1+$0xFFFFFF40] =	vst v0  }
0x34: {  	[tilespmem:s1+$0xFFFFFF30] =	vst v0  }
0x35: {  	s0 =	simm.s32 $0x0;
	[tilespmem:s1+$0xFFFFFF20] =	vst v0  }
.LBB2_2:
0x36: {  	s0 =	sadd.s32 $0x4, s0;
	[tilespmem:s1+$0xFFFFFF10] =	vst v0;
	s1 =	sadd.s32 $0x200, s1  }
0x37: {  	[tilespmem:s1+$0xFFFFFF00] =	vst v0;
	p0 =	slt.u32 s0, $0x4C  }
0x38: {  	[tilespmem:s1+$0xF0] =	vst v0  }
0x39: {  	[tilespmem:s1+$0xE0] =	vst v0  }
0x3a: {  	[tilespmem:s1+$0xD0] =	vst v0  }
0x3b: {  	[tilespmem:s1+$0xC0] =	vst v0  }
0x3c: {  	[tilespmem:s1+$0xB0] =	vst v0  }
0x3d: {  	[tilespmem:s1+$0xA0] =	vst v0  }
0x3e: {  	[tilespmem:s1+$0x90] =	vst v0  }
0x3f: {  	[tilespmem:s1+$0x80] =	vst v0  }
0x40: {  	[tilespmem:s1+$0x70] =	vst v0  }
0x41: {  	[tilespmem:s1+$0x60] =	vst v0  }
0x42: {  	[tilespmem:s1+$0x50] =	vst v0  }
0x43: {  	[tilespmem:s1+$0x40] =	vst v0  }
0x44: {  	[tilespmem:s1+$0x30] =	vst v0  }
0x45: {  	[tilespmem:s1+$0x20] =	vst v0  }
0x46: {  	[tilespmem:s1+$0x10] =	vst v0  }
0x47: {  	[tilespmem:s1+$0x0] =	vst v0  }
0x48: {  	[tilespmem:s1+$0xFFFFFFF0] =	vst v0  }
0x49: {  	[tilespmem:s1+$0xFFFFFFE0] =	vst v0  }
0x4a: {  	[tilespmem:s1+$0xFFFFFFD0] =	vst v0  }
0x4b: {  	[tilespmem:s1+$0xFFFFFFC0] =	vst v0  }
0x4c: {  	[tilespmem:s1+$0xFFFFFFB0] =	vst v0  }
0x4d: {  	[tilespmem:s1+$0xFFFFFFA0] =	vst v0  }
0x4e: {  	[tilespmem:s1+$0xFFFFFF90] =	vst v0  }
0x4f: {  	[tilespmem:s1+$0xFFFFFF80] =	vst v0  }
0x50: {  	[tilespmem:s1+$0xFFFFFF70] =	vst v0  }
.Ltmp0:
0x51: {  	[tilespmem:s1+$0xFFFFFF60] =	vst v0;
	(pc) =	sbr.rel @p0 .LBB2_2-.Ltmp0, $4  }
0x52: {  	[tilespmem:s1+$0xFFFFFF50] =	vst v0  }
0x53: {  	[tilespmem:s1+$0xFFFFFF40] =	vst v0  }
0x54: {  	[tilespmem:s1+$0xFFFFFF30] =	vst v0  }
0x55: {  	[tilespmem:s1+$0xFFFFFF20] =	vst v0  }
0x56: {  	[tilespmem:s1+$0xFFFFFF10] =	vst v0  }
0x57: {  	[spmem:s6] =	stream.linear.scatter [tilespmem:s20], [sflag:$0x5], $0x2800, $0x38;
	[tilespmem:$0x1B880] =	vst v63  }
0x58: {  	_ =	swait.ge [sflag:s21], $0x2800  }
0x59: {  	[sflag:s21] =	ssyncset.done $0x0  }
0x5a: {  	s0 =	rddreg [dreg:$0x4];
	[sflag:s21] =	ssyncadd.s32 $0xFFFFD800  }
0x5b: {  	[spmem:s0] =	stream.linear.scatter [tilespmem:s20], [sflag:$0x5], $0x2800, $0x38;
	[tilespmem:$0x1B880] =	vst v63  }
0x5c: {  	_ =	swait.ge [sflag:s21], $0x2800  }
0x5d: {  	[sflag:s21] =	ssyncset.done $0x0  }
0x5e: {  	s8 =	rddreg [dreg:$0x5];
	[sflag:s21] =	ssyncadd.s32 $0xFFFFD800  }
0x5f: {  	[spmem:s8] =	stream.linear.scatter [tilespmem:s20], [sflag:$0x5], $0x2800, $0x38;
	[tilespmem:$0x1B880] =	vst v63  }
0x60: {  	_ =	swait.ge [sflag:s21], $0x2800  }
0x61: {  	[sflag:s21] =	ssyncset.done $0x0  }
0x62: {  	s9 =	rddreg [dreg:$0x6];
	[sflag:s21] =	ssyncadd.s32 $0xFFFFD800  }
0x63: {  	[spmem:s9] =	stream.linear.scatter [tilespmem:s20], [sflag:$0x5], $0x2800, $0x38;
	[tilespmem:$0x1B880] =	vst v63  }
0x64: {  	_ =	swait.ge [sflag:s21], $0x2800  }
0x65: {  	[sflag:s21] =	ssyncset.done $0x0  }
0x66: {  	s10 =	rddreg [dreg:$0x7];
	[sflag:s21] =	ssyncadd.s32 $0xFFFFD800  }
0x67: {  	[spmem:s10] =	stream.linear.scatter [tilespmem:s20], [sflag:$0x5], $0x2800, $0x38;
	[tilespmem:$0x1B880] =	vst v63  }
0x68: {  	_ =	swait.ge [sflag:s21], $0x2800  }
0x69: {  	[sflag:s21] =	ssyncset.done $0x0  }
0x6a: {  	[sflag:s21] =	ssyncadd.s32 $0xFFFFD800  }
0x6b: {  	[spmem:s11] =	stream.linear.scatter [tilespmem:s20], [sflag:$0x5], $0x2800, $0x38;
	[tilespmem:$0x1B880] =	vst v63  }
0x6c: {  	_ =	swait.ge [sflag:s21], $0x2800  }
0x6d: {  	[sflag:s21] =	ssyncset.done $0x0  }
0x6e: {  	[sflag:s21] =	ssyncadd.s32 $0xFFFFD800  }
0x6f: {  	[spmem:s12] =	stream.linear.scatter [tilespmem:s20], [sflag:$0x5], $0x2800, $0x38;
	[tilespmem:$0x1B880] =	vst v63  }
0x70: {  	_ =	swait.ge [sflag:s21], $0x2800  }
0x71: {  	[sflag:s21] =	ssyncset.done $0x0  }
0x72: {  	[sflag:s21] =	ssyncadd.s32 $0xFFFFD800  }
0x73: {  	[spmem:s13] =	stream.linear.scatter [tilespmem:s20], [sflag:$0x5], $0x2800, $0x38;
	[tilespmem:$0x1B880] =	vst v63  }
0x74: {  	_ =	swait.ge [sflag:s21], $0x2800  }
0x75: {  	[sflag:s21] =	ssyncset.done $0x0  }
0x76: {  	s1 =	simm.s32 $0x0;
	[sflag:s21] =	ssyncadd.s32 $0xFFFFD800  }
0x77: {  	[tilespmem:s1], [sflag:$0x5] =	stream.linear.gather [hbm4b:s14+s1], $0x2710, $0x38;
	[tilespmem:$0x1B880] =	vst v63  }
0x78: {  	_ =	swait.ge [sflag:s21], $0x2710  }
0x79: {  	[sflag:s21] =	ssyncset.done $0x0  }
0x7a: {  	[sflag:s21] =	ssyncadd.s32 $0xFFFFD8F0  }
0x7b: {  	[tilespmem:s22], [sflag:$0x3] =	stream.linear.gather [hbm4b:s15+s1], $0x50, $0x38;
	[tilespmem:$0x1B880] =	vst v63  }
0x7c: {  	s7 =	simm.s32 $0x50  }
0x7d: {  	[tilespmem:s20], [sflag:$0x1] =	stream.indirect.gather [hbm4b:s2+s7], $0x80, s1, s7, $0xb8;
	[tilespmem:$0x1B880] =	vst v63  }
0x7e: {  	s8 =	sadd.s32 $0x0, s18;
	[bflag:$0x0] =	sbarrier.arrive $0xFFFF  }
0x7f: {  	[tilespmem:s23], [sflag:$0x4] =	stream.linear.gather [hbm4b:s8+s4], $0x50, $0x38;
	[tilespmem:$0x1B880] =	vst v63  }
0x80: {  	_ = 	snop  }
0x81: {  	[tilespmem:s25], [sflag:$0x2] =	stream.indirect.gather [hbm4b:s2+s24], $0x80, s7, s24, $0xb8;
	[tilespmem:$0x1B880] =	vst v63  }
0x82: {  	_ =	swait.ge [sflag:s26], $0x2800  }
0x83: {  	[sflag:s26] =	ssyncset.done $0x0  }
0x84: {  	[sflag:s26] =	ssyncadd.s32 $0xFFFFD800  }
0x85: {  	_ =	swait.ge [sflag:s28], $0x50  }
0x86: {  	[sflag:s28] =	ssyncset.done $0x0  }
0x87: {  	[sflag:s28] =	ssyncadd.s32 $0xFFFFFFB0  }
0x88: {  	[spmem:s3] =	stream.indirect.scatter.add.f32 [tilespmem:s20], [sflag:$0x5], $0x80, s22, s24, $0xb8;
	[tilespmem:$0x1B880] =	vst v63  }
0x89: {  	_ =	swait.ge [sflag:s21], $0x2800  }
0x8a: {  	s9 =	sshrl.u32 s19, $0x3;
	[sflag:s21] =	ssyncset.done $0x0  }
0x8b: {  	s0 =	sadd.s32 s5, s9;
	[sflag:s21] =	ssyncadd.s32 $0xFFFFD800  }
0x8c: {  	[tilespmem:s22], [sflag:$0x3] =	stream.linear.gather [hbm4b:s0+s4], $0x50, $0x38;
	[tilespmem:$0x1B880] =	vst v63  }
0x8d: {  	s10 =	simm.s32 $0xA0  }
0x8e: {  	[tilespmem:s20], [sflag:$0x1] =	stream.indirect.gather [hbm4b:s2+s24], $0x80, s10, s24, $0xb8;
	[tilespmem:$0x1B880] =	vst v63  }
0x8f: {  	_ =	swait.ge [sflag:s29], $0x2800  }
0x90: {  	[sflag:s29] =	ssyncset.done $0x0  }
0x91: {  	[sflag:s29] =	ssyncadd.s32 $0xFFFFD800  }
0x92: {  	_ =	swait.ge [sflag:s30], $0x50  }
0x93: {  	[sflag:s30] =	ssyncset.done $0x0  }
0x94: {  	[sflag:s30] =	ssyncadd.s32 $0xFFFFFFB0  }
0x95: {  	[spmem:s3] =	stream.indirect.scatter.add.f32 [tilespmem:s25], [sflag:$0x5], $0x80, s23, s24, $0xb8;
	[tilespmem:$0x1B880] =	vst v63  }
0x96: {  	s1 =	simm.s32 $0xF0;
	s8 =	simm.s32 $0x28;
	_ =	swait.ge [sflag:s21], $0x2800  }
0x97: {  	s7 =	simm.s32 $0x14;
	s0 =	sadd.s32 $0xA0, s19;
	[sflag:s21] =	ssyncset.done $0x0  }
.LBB2_4:
0x98: {  	s9 =	sadd.s32 s7, s18  }
0x99: {  	[sflag:s21] =	ssyncadd.s32 $0xFFFFD800;
	s7 =	smov.u32 s8;
	s10 =	sadd.s32 $0x14, s8  }
0x9a: {  	[tilespmem:s23], [sflag:$0x4] =	stream.linear.gather [hbm4b:s9+s4], $0x50, $0x38;
	[tilespmem:$0x1B880] =	vst v63  }
0x9b: {  	p0 =	sne.s32 s8, $0x4C4  }
0x9c: {  	[tilespmem:s25], [sflag:$0x2] =	stream.indirect.gather [hbm4b:s2+s24], $0x80, s1, s24, $0xb8;
	[tilespmem:$0x1B880] =	vst v63  }
0x9d: {  	_ =	swait.ge [sflag:s26], $0x2800  }
0x9e: {  	[sflag:s26] =	ssyncset.done $0x0  }
0x9f: {  	[sflag:s26] =	ssyncadd.s32 $0xFFFFD800  }
0xa0: {  	_ =	swait.ge [sflag:s28], $0x50  }
0xa1: {  	[sflag:s28] =	ssyncset.done $0x0  }
0xa2: {  	[sflag:s28] =	ssyncadd.s32 $0xFFFFFFB0  }
0xa3: {  	[spmem:s3] =	stream.indirect.scatter.add.f32 [tilespmem:s20], [sflag:$0x5], $0x80, s22, s24, $0xb8;
	[tilespmem:$0x1B880] =	vst v63  }
0xa4: {  	_ =	swait.ge [sflag:s21], $0x2800  }
0xa5: {  	s8 =	sshrl.u32 s0, $0x3;
	[sflag:s21] =	ssyncset.done $0x0  }
0xa6: {  	s8 =	sadd.s32 s5, s8;
	[sflag:s21] =	ssyncadd.s32 $0xFFFFD800  }
0xa7: {  	[tilespmem:s22], [sflag:$0x3] =	stream.linear.gather [hbm4b:s8+s4], $0x50, $0x38;
	[tilespmem:$0x1B880] =	vst v63  }
0xa8: {  	s8 =	sadd.s32 $0x50, s1  }
0xa9: {  	[tilespmem:s20], [sflag:$0x1] =	stream.indirect.gather [hbm4b:s2+s24], $0x80, s8, s24, $0xb8;
	[tilespmem:$0x1B880] =	vst v63  }
0xaa: {  	_ =	swait.ge [sflag:s29], $0x2800  }
0xab: {  	[sflag:s29] =	ssyncset.done $0x0  }
0xac: {  	[sflag:s29] =	ssyncadd.s32 $0xFFFFD800  }
0xad: {  	_ =	swait.ge [sflag:s30], $0x50  }
.Ltmp1:
0xae: {  	[sflag:s30] =	ssyncset.done $0x0;
	(pc) =	sbr.rel @p0 .LBB2_4-.Ltmp1, $4  }
0xaf: {  	[sflag:s30] =	ssyncadd.s32 $0xFFFFFFB0  }
0xb0: {  	[spmem:s3] =	stream.indirect.scatter.add.f32 [tilespmem:s25], [sflag:$0x5], $0x80, s23, s24, $0xb8;
	[tilespmem:$0x1B880] =	vst v63  }
0xb1: {  	s0 =	sadd.s32 $0xA0, s0;
	_ =	swait.ge [sflag:s21], $0x2800  }
0xb2: {  	s1 =	sadd.s32 $0xA0, s1;
	s8 =	smov.u32 s10;
	[sflag:s21] =	ssyncset.done $0x0  }
0xb3: {  	s7 =	sadd.s32 s7, s18;
	[sflag:s21] =	ssyncadd.s32 $0xFFFFD800  }
0xb4: {  	[tilespmem:s23], [sflag:$0x4] =	stream.linear.gather [hbm4b:s7+s4], $0x50, $0x38;
	[tilespmem:$0x1B880] =	vst v63  }
0xb5: {  	_ = 	snop  }
0xb6: {  	[tilespmem:s25], [sflag:$0x2] =	stream.indirect.gather [hbm4b:s2+s24], $0x80, s1, s24, $0xb8;
	[tilespmem:$0x1B880] =	vst v63  }
0xb7: {  	_ =	swait.ge [sflag:s26], $0x2800  }
0xb8: {  	[sflag:s26] =	ssyncset.done $0x0  }
0xb9: {  	[sflag:s26] =	ssyncadd.s32 $0xFFFFD800  }
0xba: {  	_ =	swait.ge [sflag:s28], $0x50  }
0xbb: {  	[sflag:s28] =	ssyncset.done $0x0  }
0xbc: {  	[sflag:s28] =	ssyncadd.s32 $0xFFFFFFB0  }
0xbd: {  	[spmem:s3] =	stream.indirect.scatter.add.f32 [tilespmem:s20], [sflag:$0x5], $0x80, s22, s24, $0xb8;
	[tilespmem:$0x1B880] =	vst v63  }
0xbe: {  	_ =	swait.ge [sflag:s21], $0x2800  }
0xbf: {  	s0 =	sshrl.u32 s0, $0x3;
	[sflag:s21] =	ssyncset.done $0x0  }
0xc0: {  	s0 =	sadd.s32 s5, s0;
	[sflag:s21] =	ssyncadd.s32 $0xFFFFD800  }
0xc1: {  	[tilespmem:s22], [sflag:$0x3] =	stream.linear.gather [hbm4b:s0+s4], $0x50, $0x38;
	[tilespmem:$0x1B880] =	vst v63  }
0xc2: {  	s8 =	sadd.s32 $0x50, s1  }
0xc3: {  	[tilespmem:s20], [sflag:$0x1] =	stream.indirect.gather [hbm4b:s2+s24], $0x80, s8, s24, $0xb8;
	[tilespmem:$0x1B880] =	vst v63  }
0xc4: {  	_ =	swait.ge [sflag:s29], $0x2800  }
0xc5: {  	[sflag:s29] =	ssyncset.done $0x0  }
0xc6: {  	[sflag:s29] =	ssyncadd.s32 $0xFFFFD800  }
0xc7: {  	_ =	swait.ge [sflag:s30], $0x50  }
0xc8: {  	[sflag:s30] =	ssyncset.done $0x0  }
0xc9: {  	[sflag:s30] =	ssyncadd.s32 $0xFFFFFFB0  }
0xca: {  	[spmem:s3] =	stream.indirect.scatter.add.f32 [tilespmem:s25], [sflag:$0x5], $0x80, s23, s24, $0xb8;
	[tilespmem:$0x1B880] =	vst v63  }
0xcb: {  	_ =	swait.ge [sflag:s21], $0x2800  }
0xcc: {  	[sflag:s21] =	ssyncset.done $0x0  }
0xcd: {  	[sflag:s21] =	ssyncadd.s32 $0xFFFFD800  }
0xce: {  	_ =	swait.ge [sflag:s26], $0x2800  }
0xcf: {  	[sflag:s26] =	ssyncset.done $0x0  }
0xd0: {  	[sflag:s26] =	ssyncadd.s32 $0xFFFFD800  }
0xd1: {  	_ =	swait.ge [sflag:s28], $0x50  }
0xd2: {  	[sflag:s28] =	ssyncset.done $0x0  }
0xd3: {  	[sflag:s28] =	ssyncadd.s32 $0xFFFFFFB0  }
0xd4: {  	[spmem:s3] =	stream.indirect.scatter.add.f32 [tilespmem:s20], [sflag:$0x5], $0x80, s22, s24, $0xb8;
	[tilespmem:$0x1B880] =	vst v63  }
0xd5: {  	s9 =	stileid.u32;
	_ =	swait.ge [sflag:s21], $0x2800  }
0xd6: {  	s10 =	sshrl.u32 s6, $0x3;
	s31 =	sadd.s32 $0x1, s31;
	[sflag:s21] =	ssyncset.done $0x0  }
0xd7: {  	p0 =	sne.s32 s31, s17;
	s0 =	sshll.u32 s9, $0x6;
	[sflag:s21] =	ssyncadd.s32 $0xFFFFD800  }
.Ltmp2:
0xd8: {  	s0 =	sor.u32 $0x1C05, s0;
	[bflag:$0x0] =	sbarrier.arrive $0xFFFF;
	(pc) =	sbr.rel @p0 .LBB2_1-.Ltmp2, $4  }
0xd9: {  	[hbm:s16], [sflag:s0] =	dma.local [spmem:s10], $0x2800  }
0xda: {  	_ =	swait.ge [sflag:s21], $0x2800  }
0xdb: {  	[sflag:s21] =	ssyncset.done $0x0  }
0xdc: {  	[sflag:s21] =	ssyncadd.s32 $0xFFFFD800  }
0xdd: {  	_ =	sfence.sel $0x180000  }
0xde: {  	[bflag:$0x0] =	sbarrier.arrive $0xFFFF  }
0xdf: {  	_ =	strace $0x9000004A  }
0xe0: {  	s0 =	stileid.u32;
	[bflag:$0x2] =	sbarrier.arrive $0xFFFF  }
0xe1: {  	p0 =	sne.s32 s0, $0x0;
	s0 =	rddreg [dreg:$0x3]  }
0xe2: {  	s0 =	sadd.s32 @!p0 $0x100000, s0  }
0xe3: {  	[sflag:s0] =	ssyncadd.tile.s32 @!p0 $0x1;
	_ =	shalt  }
.Lfunc_end2:
_tile_overlayer_lowered:
.L_overlay_start_2:
0xe4: {  	(tag) =	ssettag $0x2  }
0xe5: {  	s0 =	rddreg [dreg:$0x0];
	s2 =	stileid.u32  }
0xe6: {  	s1 =	rddreg [dreg:$0x1];
	p0 =	sne.s32 s2, $0x0  }
0xe7: {  	s3 =	rddreg [dreg:$0x2];
	[bflag:$0x3] =	sbarrier.arrive $0xFFFF;
	s2 =	simm.s32 @!p0 $0x1C05  }
0xe8: {  	[timem:s3], [sflag:s2] =	dma.local @!p0 [hbm:s0], s1  }
0xe9: {  	s0 =	simm.s32 @!p0 $0x5  }
0xea: {  	_ =	swait.ge @!p0 [sflag:s0], s1  }
0xeb: {  	s1 =	ssub.s32 @!p0 $0x0, s1;
	[sflag:s0] =	ssyncset.done @!p0 $0x0  }
0xec: {  	[sflag:s0] =	ssyncadd.s32 @!p0 s1  }
0xed: {  	[bflag:$0x3] =	sbarrier.arrive $0xFFFF  }
0xee: {  	_ =	shalt  }

// kernel: kernel.14.cloned.1.call-start
scs
__scs_entry_jumppad:
0x0: {  	(pc) =	sbr.rel $0x88, $3  }
0x1: {  	(tag) =	ssettag $0x0;
	lr =	simm.s32 $0x1  }
0x2: {  	[smem:$0x3F9B] =	sst lr;
	_ =	strace $0xD0000000  }
0x3: {  	_ = 	snop  }
0x4: {  	_ = 	snop  }
0x5: {  	_ = 	snop  }
0x6: {  	_ = 	snop  }
0x7: {  	_ = 	snop  }
__scs_overlays_trampoline_lowered:
0x8: {  	[smem:$0x3FAA] =	sst s0  }
0x9: {  	[smem:$0x3FAB] =	sst s1  }
0xa: {  	[smem:$0x3FAC] =	sst s2  }
0xb: {  	[smem:$0x3FAD] =	sst s3  }
0xc: {  	[smem:$0x3FAE] =	sst s4  }
0xd: {  	[smem:$0x3FAF] =	sst s5  }
0xe: {  	[smem:$0x3FB0] =	sst s6  }
0xf: {  	[smem:$0x3FB1] =	sst s7  }
0x10: {  	[smem:$0x3FB2] =	sst s8  }
0x11: {  	[smem:$0x3FB3] =	sst s9;
	s0 =	simm.s32 @!p0 $0x0  }
0x12: {  	s1 =	sld [smem:$0x3F99];
	s0 =	simm.s32 @p0 $0x1  }
0x13: {  	[smem:$0x3FB4] =	sst s0;
	s0 =	simm.s32 @!p1 $0x0  }
0x14: {  	s2 =	sld [smem:$0x3F98];
	s0 =	simm.s32 @p1 $0x1  }
0x15: {  	[smem:$0x3FB5] =	sst s0;
	s0 =	simm.s32 @!p2 $0x0  }
0x16: {  	s3 =	sld [smem:$0x3FDB];
	s0 =	simm.s32 @p2 $0x1  }
0x17: {  	s4 =	simm.s32 $0x1BF5;
	[smem:$0x3FB7] =	sst s0  }
0x18: {  	s0 =	sld [smem:$0x3F9A];
	_ =	swait.ge [sflag:s4], $0x0  }
0x19: {  	s7 =	sld [smem:$0x3F9B]  }
0x1a: {  	s8 =	sadd.s32 $0xFFFFE003, lr  }
0x1b: {  	s9 =	sadd.s32 $0xFFFFFEF7, lr;
	s5 =	simm.s32 $0xFFFFFFFF;
	p2 =	slt.u32 s8, $0xFFFFF086  }
0x1c: {  	p1 =	slt.u32 s9, $0xF7A;
	s5 =	simm.s32 @!p2 $0x0  }
0x1d: {  	s5 =	simm.s32 @p1 $0x1;
	p0 =	seq.s32 s7, s2  }
0x1e: {  	s7 =	smul.u32 @!p0 $0xF7A, s2;
	p2 =	seq.s32 @!p0 s5, $0x0  }
0x1f: {  	s9 =	smul.u32 $0xF7A, s1;
	s8 =	simm.s32 @!p0 $0x1BF5;
	p2 =	por !p2, p0  }
0x20: {  	[sflag:s8] =	ssyncset.s32 @!p0 $0xFFFFF086;
	s6 =	sadd.s32 @!p0 s3, s7;
	s7 =	simm.s32 @!p0 $0x108  }
0x21: {  	s3 =	sadd.s32 s3, s9;
	s6 =	sadd.s32 @!p0 $0x88, s6;
	s7 =	simm.s32 @p2 $0x1082  }
0x22: {  	[simem:s7], [sflag:s8] =	dma.local @!p0 [hbm:s6], $0xF7A  }
0x23: {  	s9 =	sor.u32 $0xD0000000, s2;
	s6 =	simm.s32 $0x108;
	_ =	swait.ge @!p0 [sflag:s8], $0x0  }
0x24: {  	s3 =	sadd.s32 $0x88, s3;
	s6 =	simm.s32 @!p1 $0x1082;
	[sflag:s4] =	ssyncset.s32 $0xFFFFF086  }
0x25: {  	[simem:s6], [sflag:s4] =	dma.local [hbm:s3], $0xF7A  }
0x26: {  	[smem:$0x3F9B] =	sst s1;
	(tag) =	ssettag s2;
	_ =	strace s9  }
0x27: {  	s1 =	sld [smem:$0x3FAB]  }
0x28: {  	s2 =	sld [smem:$0x3FAC]  }
0x29: {  	s4 =	sld [smem:$0x3FAE]  }
0x2a: {  	p0 =	seq.s32 s5, $0x0;
	s5 =	sld [smem:$0x3FAF]  }
0x2b: {  	s6 =	sld [smem:$0x3FB0]  }
0x2c: {  	s7 =	sld [smem:$0x3FB1]  }
0x2d: {  	s3 =	simm.s32 $0x108;
	s8 =	sld [smem:$0x3FB2]  }
0x2e: {  	s3 =	simm.s32 @!p0 $0x1082;
	s9 =	sld [smem:$0x3FB3]  }
0x2f: {  	lr =	sadd.s32 s0, s3;
	s0 =	sld [smem:$0x3FAA]  }
0x30: {  	s3 =	sld [smem:$0x3FAD]  }
0x31: {  	[smem:$0x3FB6] =	sst s10  }
0x32: {  	s10 =	sld [smem:$0x3FB4];
	_ =	sdelay $0x3  }
0x33: {  	p0 =	seq.s32 s10, $0x1;
	s10 =	sld [smem:$0x3FB6];
	_ =	sdelay $0x3  }
0x34: {  	[smem:$0x3FB6] =	sst s10  }
0x35: {  	s10 =	sld [smem:$0x3FB5];
	_ =	sdelay $0x3  }
0x36: {  	p1 =	seq.s32 s10, $0x1;
	s10 =	sld [smem:$0x3FB6];
	_ =	sdelay $0x3  }
0x37: {  	[smem:$0x3FB6] =	sst s10  }
0x38: {  	s10 =	sld [smem:$0x3FB7]  }
0x39: {  	_ = 	snop;
	(pc) =	sbr.ind lr, $3  }
0x3a: {  	_ = 	snop  }
0x3b: {  	_ = 	snop  }
0x3c: {  	p2 =	seq.s32 s10, $0x1;
	s10 =	sld [smem:$0x3FB6]  }
0x3d: {  	_ =	shalt  }
0x3e: {  	_ =	shalt  }
0x3f: {  	_ =	shalt  }
0x40: {  	_ =	shalt  }
0x41: {  	_ =	shalt  }
0x42: {  	_ =	shalt  }
0x43: {  	_ =	shalt  }
0x44: {  	_ =	shalt  }
0x45: {  	_ =	shalt  }
0x46: {  	_ =	shalt  }
0x47: {  	_ =	shalt  }
0x48: {  	_ =	shalt  }
0x49: {  	_ =	shalt  }
0x4a: {  	_ =	shalt  }
0x4b: {  	_ =	shalt  }
0x4c: {  	_ =	shalt  }
0x4d: {  	_ =	shalt  }
0x4e: {  	_ =	shalt  }
0x4f: {  	_ =	shalt  }
0x50: {  	_ =	shalt  }
0x51: {  	_ =	shalt  }
0x52: {  	_ =	shalt  }
0x53: {  	_ =	shalt  }
0x54: {  	_ =	shalt  }
0x55: {  	_ =	shalt  }
0x56: {  	_ =	shalt  }
0x57: {  	_ =	shalt  }
0x58: {  	_ =	shalt  }
0x59: {  	_ =	shalt  }
0x5a: {  	_ =	shalt  }
0x5b: {  	_ =	shalt  }
0x5c: {  	_ =	shalt  }
0x5d: {  	_ =	shalt  }
0x5e: {  	_ =	shalt  }
0x5f: {  	_ =	shalt  }
0x60: {  	_ =	shalt  }
0x61: {  	_ =	shalt  }
0x62: {  	_ =	shalt  }
0x63: {  	_ =	shalt  }
0x64: {  	_ =	shalt  }
0x65: {  	_ =	shalt  }
0x66: {  	_ =	shalt  }
0x67: {  	_ =	shalt  }
0x68: {  	_ =	shalt  }
0x69: {  	_ =	shalt  }
0x6a: {  	_ =	shalt  }
0x6b: {  	_ =	shalt  }
0x6c: {  	_ =	shalt  }
0x6d: {  	_ =	shalt  }
0x6e: {  	_ =	shalt  }
0x6f: {  	_ =	shalt  }
0x70: {  	_ =	shalt  }
0x71: {  	_ =	shalt  }
0x72: {  	_ =	shalt  }
0x73: {  	_ =	shalt  }
0x74: {  	_ =	shalt  }
0x75: {  	_ =	shalt  }
0x76: {  	_ =	shalt  }
0x77: {  	_ =	shalt  }
0x78: {  	_ =	shalt  }
0x79: {  	_ =	shalt  }
0x7a: {  	_ =	shalt  }
0x7b: {  	_ =	shalt  }
0x7c: {  	_ =	shalt  }
0x7d: {  	_ =	shalt  }
0x7e: {  	_ =	shalt  }
0x7f: {  	_ =	shalt  }
0x80: {  	_ =	shalt  }
0x81: {  	_ =	shalt  }
0x82: {  	_ =	shalt  }
0x83: {  	_ =	shalt  }
0x84: {  	_ =	shalt  }
0x85: {  	_ =	shalt  }
0x86: {  	_ =	shalt  }
0x87: {  	_ =	shalt  }
.Lfunc_end0:
.L_simem_size_0:
called_computation.2_lowered:
.L_overlay_start_0:
0x88: {  	s2 =	sld [smem:$0x3FD9]  }
0x89: {  	s3 =	sld [smem:$0x3FFE];
	_ =	sdelay $0x1  }
0x8a: {  	s1 =	srdreg.scid  }
0x8b: {  	s0 =	sand.u32 $0x1, s1  }
0x8c: {  	s17 =	sshll.u32 s0, $0xA;
	s2 =	sadd.s32 s3, s2  }
0x8d: {  	s2 =	sadd.s32 s2, s17  }
0x8e: {  	[smem:$0x3FC2] =	sst s2  }
0x8f: {  	_ = 	snop  }
0x90: {  	s2 =	sld [smem:$0x3FD0];
	(tm) =	ssettm $0x1  }
0x91: {  	s18 =	sld [smem:$0x3FFB];
	_ =	sdelay $0x3  }
0x92: {  	_ =	strace s18  }
0x93: {  	s3 =	sld [smem:$0x3FFC];
	_ =	sdelay $0x3  }
0x94: {  	_ =	strace s3  }
0x95: {  	s3 =	sld [smem:$0x3FFD];
	_ =	sdelay $0x3  }
0x96: {  	_ =	strace s3  }
0x97: {  	_ =	strace $0x8FFFFFFF  }
0x98: {  	s19 =	sld [smem:$0x3FDB];
	_ =	sdelay $0x1  }
0x99: {  	s4 =	simm.s32 $_scs_section_size  }
0x9a: {  	s5 =	simm.s32 $_size__tile_overlayer_lowered;
	s6 =	simm.s32 $_tile_overlayer_lowered  }
0x9b: {  	s22 =	simm.s32 $0x1BFF;
	s21 =	sshll.u32 s6, $0x1;
	s3 =	sadd.s32 s4, s19  }
0x9c: {  	s7 =	simm.s32 $0x0;
	s20 =	sshll.u32 s5, $0x1;
	s5 =	sadd.s32 s21, s3  }
0x9d: {  	[timem:s7], [sflag:s22] =	dma.local [hbm:s5], s20  }
0x9e: {  	_ =	swait.ge [sflag:s22], s20  }
0x9f: {  	s4 =	ssub.s32 $0x0, s20;
	[sflag:s22] =	ssyncset.done $0x0  }
0xa0: {  	[sflag:s22] =	ssyncadd.s32 s4;
	_ =	sdelay $0x1  }
0xa1: {  	s23 =	simm.s32 $0x1B8B  }
0xa2: {  	_ =	swait.ge [sflag:s23], $0x1  }
0xa3: {  	[sflag:s23] =	ssyncset.done $0x0  }
0xa4: {  	s25 =	simm.s32 $0x1B8E;
	s24 =	sld [smem:$0x3FFE];
	[sflag:s23] =	ssyncadd.s32 $0xFFFFFFFF  }
0xa5: {  	s26 =	simm.s32 $execute0_lowered;
	[smem:$0x3FD2] =	sst s25  }
0xa6: {  	s5 =	sshll.u32 s26, $0x1;
	_ =	strace $0x8000004C;
	[dreg:$0x1] =	wrdreg $0xFFFFFFFF  }
0xa7: {  	s28 =	simm.s32 $_size_execute0_lowered;
	s3 =	sadd.s32 s3, s5;
	[dreg:$0x0] =	wrdreg $0x0  }
0xa8: {  	s5 =	sshll.u32 s28, $0x1;
	[dreg:$0x2] =	wrdreg s3  }
0xa9: {  	[dreg:$0x3] =	wrdreg s5  }
0xaa: {  	[dreg:$0x4] =	wrdreg $0xC0  }
0xab: {  	_ =	task [dreg:s7], $0x5FFFF  }
0xac: {  	[dreg:$0x1] =	wrdreg $0xFFFFFFFF  }
0xad: {  	[dreg:$0x0] =	wrdreg $0x60  }
0xae: {  	[dreg:$0x2] =	wrdreg s2  }
0xaf: {  	[dreg:$0x3] =	wrdreg s24  }
0xb0: {  	[dreg:$0x4] =	wrdreg $0x78800  }
0xb1: {  	[dreg:$0x5] =	wrdreg $0x9  }
0xb2: {  	_ =	task.clear_ibuf [dreg:s7], $0x6FFFF;
	_ =	strace $0x9000004C  }
0xb3: {  	s29 =	simm.s32 $0x9;
	_ =	strace $0x8000004E  }
0xb4: {  	_ =	swait.ge [sflag:s29], $0x1  }
0xb5: {  	[sflag:s29] =	ssyncadd.s32 $0xFFFFFFFF  }
0xb6: {  	_ =	strace $0x9000004E  }
0xb7: {  	_ =	sfence  }
0xb8: {  	s30 =	sld [smem:$0x0];
	_ =	sdelay $0x2  }
0xb9: {  	s31 =	sshll.u32 s1, $0xD;
	s1 =	sshrl.u32 s1, $0x2  }
0xba: {  	s3 =	sand.u32 $0x4000, s31;
	s1 =	sadd.s32 s1, s30  }
0xbb: {  	s0 =	sor.u32 s3, s0;
	s1 =	sshll.u32 s1, $0x11  }
0xbc: {  	s0 =	sor.u32 s1, s0  }
0xbd: {  	s0 =	sadd.s32 $0x8F2B, s0  }
0xbe: {  	[sflag:s0] =	ssyncadd.remote.s32 $0x1  }
0xbf: {  	_ =	sfence.sel $0xFFFF  }
0xc0: {  	[dreg:$0x0] =	wrdreg $0xFFFFFFFF;
	(pc) =	sbr.abs _section_cstart, $3  }
0xc1: {  	[dreg:$0x1] =	wrdreg $0xFFFFFFFF  }
0xc2: {  	_ =	task.clear_ibuf [dreg:s7], $0x2FFFF;
	_ =	strace $0x9FFFFFFF  }
0xc3: {  	(tm) =	ssettm $0x7FFFFFFF  }
tec
execute0_lowered:
.L_overlay_start_1:
0x0: {  	(tag) =	ssettag $0x1  }
0x1: {  	s2 =	rddreg [dreg:$0x0]  }
0x2: {  	s0 =	srdreg.scid;
	s6 =	rddreg [dreg:$0x1]  }
0x3: {  	s11 =	stileid.u32;
	s3 =	rddreg [dreg:$0x2]  }
0x4: {  	s4 =	simm.s32 $0x0;
	s20 =	simm.s32 $0x2880;
	s28 =	simm.s32 $0x3  }
0x5: {  	s29 =	simm.s32 $0x2;
	s30 =	simm.s32 $0x4;
	s7 =	smul.u32 $0x14000, s11  }
0x6: {  	s31 =	simm.s32 $0x0;
	s0 =	sand.u32 $0x1, s0;
	s9 =	smul.u32 $0x50000, s11  }
0x7: {  	[smem:$0x7FF] =	sst s4;
	s12 =	smul.u32 $0x2710, s11;
	s1 =	sshll.u32 s0, $0x4  }
0x8: {  	s5 =	smul.u32 $0x140000, s0;
	_ =	strace $0x8000004D;
	s22 =	ssub.s32 $0x2, s0  }
0x9: {  	s0 =	smul.u32 $0x27100, s0;
	s1 =	sor.u32 s11, s1;
	s10 =	sshrl.u32 s22, $0x1  }
0xa: {  	s9 =	sshrl.u32 s9, $0x2;
	s1 =	smul.u32 $0x2710, s1;
	s5 =	sadd.s32 s7, s5  }
0xb: {  	s17 =	ssub.s32 s22, s10;
	s0 =	sadd.s32 s12, s0;
	s22 =	simm.s32 $0x2780  }
0xc: {  	s8 =	sshrl.u32 s5, $0x3;
	s5 =	sadd.s32 $0xC600, s6;
	s16 =	sadd.s32 $0x50, s0  }
0xd: {  	s17 =	smax.u32 s17, $0x1;
	s19 =	sadd.s32 $0xA0, s0;
	s1 =	sshrl.u32 s1, $0x3  }
0xe: {  	s8 =	sadd.s32 s8, s6;
	s26 =	sshrl.u32 s16, $0x3;
	s21 =	sadd.s32 s1, s6  }
0xf: {  	s6 =	sadd.s32 s9, s3;
	s15 =	sadd.s32 s5, s1;
	s16 =	sadd.s32 $0x66400, s8  }
0x10: {  	s18 =	sadd.s32 s26, s5;
	s26 =	simm.s32 $0x1;
	s9 =	sadd.s32 $0x2800, s6  }
0x11: {  	s23 =	sadd.s32 $0x5000, s6;
	s24 =	sadd.s32 $0x7800, s6;
	[dreg:$0x4] =	wrdreg s9  }
0x12: {  	s25 =	sadd.s32 $0xA000, s6;
	s11 =	sadd.s32 $0xC800, s6;
	[dreg:$0x5] =	wrdreg s23  }
0x13: {  	s12 =	sadd.s32 $0xF000, s6;
	s13 =	sadd.s32 $0x11800, s6;
	[dreg:$0x6] =	wrdreg s24  }
0x14: {  	s14 =	sadd.s32 $0x2800, s21;
	s21 =	simm.s32 $0x5;
	[dreg:$0x7] =	wrdreg s25  }
0x15: {  	v0 =	vimm.f32 $0.0e+00;
	s23 =	simm.s32 $0x2800;
	s24 =	simm.s32 $0x50;
	s25 =	simm.s32 $0x5080  }
.LBB2_1:
0x16: {  	s1 =	simm.s32 $0x2980  }
0x17: {  	[tilespmem:s1+$0xFFFFFF00] =	vst v0  }
0x18: {  	[tilespmem:s1+$0xF0] =	vst v0  }
0x19: {  	[tilespmem:s1+$0xE0] =	vst v0  }
0x1a: {  	[tilespmem:s1+$0xD0] =	vst v0  }
0x1b: {  	[tilespmem:s1+$0xC0] =	vst v0  }
0x1c: {  	[tilespmem:s1+$0xB0] =	vst v0  }
0x1d: {  	[tilespmem:s1+$0xA0] =	vst v0  }
0x1e: {  	[tilespmem:s1+$0x90] =	vst v0  }
0x1f: {  	[tilespmem:s1+$0x80] =	vst v0  }
0x20: {  	[tilespmem:s1+$0x70] =	vst v0  }
0x21: {  	[tilespmem:s1+$0x60] =	vst v0  }
0x22: {  	[tilespmem:s1+$0x50] =	vst v0  }
0x23: {  	[tilespmem:s1+$0x40] =	vst v0  }
0x24: {  	[tilespmem:s1+$0x30] =	vst v0  }
0x25: {  	[tilespmem:s1+$0x20] =	vst v0  }
0x26: {  	[tilespmem:s1+$0x10] =	vst v0  }
0x27: {  	[tilespmem:s1+$0x0] =	vst v0  }
0x28: {  	[tilespmem:s1+$0xFFFFFFF0] =	vst v0  }
0x29: {  	[tilespmem:s1+$0xFFFFFFE0] =	vst v0  }
0x2a: {  	[tilespmem:s1+$0xFFFFFFD0] =	vst v0  }
0x2b: {  	[tilespmem:s1+$0xFFFFFFC0] =	vst v0  }
0x2c: {  	[tilespmem:s1+$0xFFFFFFB0] =	vst v0  }
0x2d: {  	[tilespmem:s1+$0xFFFFFFA0] =	vst v0  }
0x2e: {  	[tilespmem:s1+$0xFFFFFF90] =	vst v0  }
0x2f: {  	[tilespmem:s1+$0xFFFFFF80] =	vst v0  }
0x30: {  	[tilespmem:s1+$0xFFFFFF70] =	vst v0  }
0x31: {  	[tilespmem:s1+$0xFFFFFF60] =	vst v0  }
0x32: {  	[tilespmem:s1+$0xFFFFFF50] =	vst v0  }
0x33: {  	[tilespmem:s1+$0xFFFFFF40] =	vst v0  }
0x34: {  	[tilespmem:s1+$0xFFFFFF30] =	vst v0  }
0x35: {  	s0 =	simm.s32 $0x0;
	[tilespmem:s1+$0xFFFFFF20] =	vst v0  }
.LBB2_2:
0x36: {  	s0 =	sadd.s32 $0x4, s0;
	[tilespmem:s1+$0xFFFFFF10] =	vst v0;
	s1 =	sadd.s32 $0x200, s1  }
0x37: {  	[tilespmem:s1+$0xFFFFFF00] =	vst v0;
	p0 =	slt.u32 s0, $0x4C  }
0x38: {  	[tilespmem:s1+$0xF0] =	vst v0  }
0x39: {  	[tilespmem:s1+$0xE0] =	vst v0  }
0x3a: {  	[tilespmem:s1+$0xD0] =	vst v0  }
0x3b: {  	[tilespmem:s1+$0xC0] =	vst v0  }
0x3c: {  	[tilespmem:s1+$0xB0] =	vst v0  }
0x3d: {  	[tilespmem:s1+$0xA0] =	vst v0  }
0x3e: {  	[tilespmem:s1+$0x90] =	vst v0  }
0x3f: {  	[tilespmem:s1+$0x80] =	vst v0  }
0x40: {  	[tilespmem:s1+$0x70] =	vst v0  }
0x41: {  	[tilespmem:s1+$0x60] =	vst v0  }
0x42: {  	[tilespmem:s1+$0x50] =	vst v0  }
0x43: {  	[tilespmem:s1+$0x40] =	vst v0  }
0x44: {  	[tilespmem:s1+$0x30] =	vst v0  }
0x45: {  	[tilespmem:s1+$0x20] =	vst v0  }
0x46: {  	[tilespmem:s1+$0x10] =	vst v0  }
0x47: {  	[tilespmem:s1+$0x0] =	vst v0  }
0x48: {  	[tilespmem:s1+$0xFFFFFFF0] =	vst v0  }
0x49: {  	[tilespmem:s1+$0xFFFFFFE0] =	vst v0  }
0x4a: {  	[tilespmem:s1+$0xFFFFFFD0] =	vst v0  }
0x4b: {  	[tilespmem:s1+$0xFFFFFFC0] =	vst v0  }
0x4c: {  	[tilespmem:s1+$0xFFFFFFB0] =	vst v0  }
0x4d: {  	[tilespmem:s1+$0xFFFFFFA0] =	vst v0  }
0x4e: {  	[tilespmem:s1+$0xFFFFFF90] =	vst v0  }
0x4f: {  	[tilespmem:s1+$0xFFFFFF80] =	vst v0  }
0x50: {  	[tilespmem:s1+$0xFFFFFF70] =	vst v0  }
.Ltmp0:
0x51: {  	[tilespmem:s1+$0xFFFFFF60] =	vst v0;
	(pc) =	sbr.rel @p0 .LBB2_2-.Ltmp0, $4  }
0x52: {  	[tilespmem:s1+$0xFFFFFF50] =	vst v0  }
0x53: {  	[tilespmem:s1+$0xFFFFFF40] =	vst v0  }
0x54: {  	[tilespmem:s1+$0xFFFFFF30] =	vst v0  }
0x55: {  	[tilespmem:s1+$0xFFFFFF20] =	vst v0  }
0x56: {  	[tilespmem:s1+$0xFFFFFF10] =	vst v0  }
0x57: {  	[spmem:s6] =	stream.linear.scatter [tilespmem:s20], [sflag:$0x5], $0x2800, $0x38;
	[tilespmem:$0x1B880] =	vst v63  }
0x58: {  	_ =	swait.ge [sflag:s21], $0x2800  }
0x59: {  	[sflag:s21] =	ssyncset.done $0x0  }
0x5a: {  	s0 =	rddreg [dreg:$0x4];
	[sflag:s21] =	ssyncadd.s32 $0xFFFFD800  }
0x5b: {  	[spmem:s0] =	stream.linear.scatter [tilespmem:s20], [sflag:$0x5], $0x2800, $0x38;
	[tilespmem:$0x1B880] =	vst v63  }
0x5c: {  	_ =	swait.ge [sflag:s21], $0x2800  }
0x5d: {  	[sflag:s21] =	ssyncset.done $0x0  }
0x5e: {  	s8 =	rddreg [dreg:$0x5];
	[sflag:s21] =	ssyncadd.s32 $0xFFFFD800  }
0x5f: {  	[spmem:s8] =	stream.linear.scatter [tilespmem:s20], [sflag:$0x5], $0x2800, $0x38;
	[tilespmem:$0x1B880] =	vst v63  }
0x60: {  	_ =	swait.ge [sflag:s21], $0x2800  }
0x61: {  	[sflag:s21] =	ssyncset.done $0x0  }
0x62: {  	s9 =	rddreg [dreg:$0x6];
	[sflag:s21] =	ssyncadd.s32 $0xFFFFD800  }
0x63: {  	[spmem:s9] =	stream.linear.scatter [tilespmem:s20], [sflag:$0x5], $0x2800, $0x38;
	[tilespmem:$0x1B880] =	vst v63  }
0x64: {  	_ =	swait.ge [sflag:s21], $0x2800  }
0x65: {  	[sflag:s21] =	ssyncset.done $0x0  }
0x66: {  	s10 =	rddreg [dreg:$0x7];
	[sflag:s21] =	ssyncadd.s32 $0xFFFFD800  }
0x67: {  	[spmem:s10] =	stream.linear.scatter [tilespmem:s20], [sflag:$0x5], $0x2800, $0x38;
	[tilespmem:$0x1B880] =	vst v63  }
0x68: {  	_ =	swait.ge [sflag:s21], $0x2800  }
0x69: {  	[sflag:s21] =	ssyncset.done $0x0  }
0x6a: {  	[sflag:s21] =	ssyncadd.s32 $0xFFFFD800  }
0x6b: {  	[spmem:s11] =	stream.linear.scatter [tilespmem:s20], [sflag:$0x5], $0x2800, $0x38;
	[tilespmem:$0x1B880] =	vst v63  }
0x6c: {  	_ =	swait.ge [sflag:s21], $0x2800  }
0x6d: {  	[sflag:s21] =	ssyncset.done $0x0  }
0x6e: {  	[sflag:s21] =	ssyncadd.s32 $0xFFFFD800  }
0x6f: {  	[spmem:s12] =	stream.linear.scatter [tilespmem:s20], [sflag:$0x5], $0x2800, $0x38;
	[tilespmem:$0x1B880] =	vst v63  }
0x70: {  	_ =	swait.ge [sflag:s21], $0x2800  }
0x71: {  	[sflag:s21] =	ssyncset.done $0x0  }
0x72: {  	[sflag:s21] =	ssyncadd.s32 $0xFFFFD800  }
0x73: {  	[spmem:s13] =	stream.linear.scatter [tilespmem:s20], [sflag:$0x5], $0x2800, $0x38;
	[tilespmem:$0x1B880] =	vst v63  }
0x74: {  	_ =	swait.ge [sflag:s21], $0x2800  }
0x75: {  	[sflag:s21] =	ssyncset.done $0x0  }
0x76: {  	s1 =	simm.s32 $0x0;
	[sflag:s21] =	ssyncadd.s32 $0xFFFFD800  }
0x77: {  	[tilespmem:s1], [sflag:$0x5] =	stream.linear.gather [hbm4b:s14+s1], $0x2710, $0x38;
	[tilespmem:$0x1B880] =	vst v63  }
0x78: {  	_ =	swait.ge [sflag:s21], $0x2710  }
0x79: {  	[sflag:s21] =	ssyncset.done $0x0  }
0x7a: {  	[sflag:s21] =	ssyncadd.s32 $0xFFFFD8F0  }
0x7b: {  	[tilespmem:s22], [sflag:$0x3] =	stream.linear.gather [hbm4b:s15+s1], $0x50, $0x38;
	[tilespmem:$0x1B880] =	vst v63  }
0x7c: {  	s7 =	simm.s32 $0x50  }
0x7d: {  	[tilespmem:s20], [sflag:$0x1] =	stream.indirect.gather [hbm4b:s2+s7], $0x80, s1, s7, $0xb8;
	[tilespmem:$0x1B880] =	vst v63  }
0x7e: {  	s8 =	sadd.s32 $0x0, s18;
	[bflag:$0x0] =	sbarrier.arrive $0xFFFF  }
0x7f: {  	[tilespmem:s23], [sflag:$0x4] =	stream.linear.gather [hbm4b:s8+s4], $0x50, $0x38;
	[tilespmem:$0x1B880] =	vst v63  }
0x80: {  	_ = 	snop  }
0x81: {  	[tilespmem:s25], [sflag:$0x2] =	stream.indirect.gather [hbm4b:s2+s24], $0x80, s7, s24, $0xb8;
	[tilespmem:$0x1B880] =	vst v63  }
0x82: {  	_ =	swait.ge [sflag:s26], $0x2800  }
0x83: {  	[sflag:s26] =	ssyncset.done $0x0  }
0x84: {  	[sflag:s26] =	ssyncadd.s32 $0xFFFFD800  }
0x85: {  	_ =	swait.ge [sflag:s28], $0x50  }
0x86: {  	[sflag:s28] =	ssyncset.done $0x0  }
0x87: {  	[sflag:s28] =	ssyncadd.s32 $0xFFFFFFB0  }
0x88: {  	[spmem:s3] =	stream.indirect.scatter.add.f32 [tilespmem:s20], [sflag:$0x5], $0x80, s22, s24, $0xb8;
	[tilespmem:$0x1B880] =	vst v63  }
0x89: {  	_ =	swait.ge [sflag:s21], $0x2800  }
0x8a: {  	s9 =	sshrl.u32 s19, $0x3;
	[sflag:s21] =	ssyncset.done $0x0  }
0x8b: {  	s0 =	sadd.s32 s5, s9;
	[sflag:s21] =	ssyncadd.s32 $0xFFFFD800  }
0x8c: {  	[tilespmem:s22], [sflag:$0x3] =	stream.linear.gather [hbm4b:s0+s4], $0x50, $0x38;
	[tilespmem:$0x1B880] =	vst v63  }
0x8d: {  	s10 =	simm.s32 $0xA0  }
0x8e: {  	[tilespmem:s20], [sflag:$0x1] =	stream.indirect.gather [hbm4b:s2+s24], $0x80, s10, s24, $0xb8;
	[tilespmem:$0x1B880] =	vst v63  }
0x8f: {  	_ =	swait.ge [sflag:s29], $0x2800  }
0x90: {  	[sflag:s29] =	ssyncset.done $0x0  }
0x91: {  	[sflag:s29] =	ssyncadd.s32 $0xFFFFD800  }
0x92: {  	_ =	swait.ge [sflag:s30], $0x50  }
0x93: {  	[sflag:s30] =	ssyncset.done $0x0  }
0x94: {  	[sflag:s30] =	ssyncadd.s32 $0xFFFFFFB0  }
0x95: {  	[spmem:s3] =	stream.indirect.scatter.add.f32 [tilespmem:s25], [sflag:$0x5], $0x80, s23, s24, $0xb8;
	[tilespmem:$0x1B880] =	vst v63  }
0x96: {  	s1 =	simm.s32 $0xF0;
	s8 =	simm.s32 $0x28;
	_ =	swait.ge [sflag:s21], $0x2800  }
0x97: {  	s7 =	simm.s32 $0x14;
	s0 =	sadd.s32 $0xA0, s19;
	[sflag:s21] =	ssyncset.done $0x0  }
.LBB2_4:
0x98: {  	s9 =	sadd.s32 s7, s18  }
0x99: {  	[sflag:s21] =	ssyncadd.s32 $0xFFFFD800;
	s7 =	smov.u32 s8;
	s10 =	sadd.s32 $0x14, s8  }
0x9a: {  	[tilespmem:s23], [sflag:$0x4] =	stream.linear.gather [hbm4b:s9+s4], $0x50, $0x38;
	[tilespmem:$0x1B880] =	vst v63  }
0x9b: {  	p0 =	sne.s32 s8, $0x4C4  }
0x9c: {  	[tilespmem:s25], [sflag:$0x2] =	stream.indirect.gather [hbm4b:s2+s24], $0x80, s1, s24, $0xb8;
	[tilespmem:$0x1B880] =	vst v63  }
0x9d: {  	_ =	swait.ge [sflag:s26], $0x2800  }
0x9e: {  	[sflag:s26] =	ssyncset.done $0x0  }
0x9f: {  	[sflag:s26] =	ssyncadd.s32 $0xFFFFD800  }
0xa0: {  	_ =	swait.ge [sflag:s28], $0x50  }
0xa1: {  	[sflag:s28] =	ssyncset.done $0x0  }
0xa2: {  	[sflag:s28] =	ssyncadd.s32 $0xFFFFFFB0  }
0xa3: {  	[spmem:s3] =	stream.indirect.scatter.add.f32 [tilespmem:s20], [sflag:$0x5], $0x80, s22, s24, $0xb8;
	[tilespmem:$0x1B880] =	vst v63  }
0xa4: {  	_ =	swait.ge [sflag:s21], $0x2800  }
0xa5: {  	s8 =	sshrl.u32 s0, $0x3;
	[sflag:s21] =	ssyncset.done $0x0  }
0xa6: {  	s8 =	sadd.s32 s5, s8;
	[sflag:s21] =	ssyncadd.s32 $0xFFFFD800  }
0xa7: {  	[tilespmem:s22], [sflag:$0x3] =	stream.linear.gather [hbm4b:s8+s4], $0x50, $0x38;
	[tilespmem:$0x1B880] =	vst v63  }
0xa8: {  	s8 =	sadd.s32 $0x50, s1  }
0xa9: {  	[tilespmem:s20], [sflag:$0x1] =	stream.indirect.gather [hbm4b:s2+s24], $0x80, s8, s24, $0xb8;
	[tilespmem:$0x1B880] =	vst v63  }
0xaa: {  	_ =	swait.ge [sflag:s29], $0x2800  }
0xab: {  	[sflag:s29] =	ssyncset.done $0x0  }
0xac: {  	[sflag:s29] =	ssyncadd.s32 $0xFFFFD800  }
0xad: {  	_ =	swait.ge [sflag:s30], $0x50  }
.Ltmp1:
0xae: {  	[sflag:s30] =	ssyncset.done $0x0;
	(pc) =	sbr.rel @p0 .LBB2_4-.Ltmp1, $4  }
0xaf: {  	[sflag:s30] =	ssyncadd.s32 $0xFFFFFFB0  }
0xb0: {  	[spmem:s3] =	stream.indirect.scatter.add.f32 [tilespmem:s25], [sflag:$0x5], $0x80, s23, s24, $0xb8;
	[tilespmem:$0x1B880] =	vst v63  }
0xb1: {  	s0 =	sadd.s32 $0xA0, s0;
	_ =	swait.ge [sflag:s21], $0x2800  }
0xb2: {  	s1 =	sadd.s32 $0xA0, s1;
	s8 =	smov.u32 s10;
	[sflag:s21] =	ssyncset.done $0x0  }
0xb3: {  	s7 =	sadd.s32 s7, s18;
	[sflag:s21] =	ssyncadd.s32 $0xFFFFD800  }
0xb4: {  	[tilespmem:s23], [sflag:$0x4] =	stream.linear.gather [hbm4b:s7+s4], $0x50, $0x38;
	[tilespmem:$0x1B880] =	vst v63  }
0xb5: {  	_ = 	snop  }
0xb6: {  	[tilespmem:s25], [sflag:$0x2] =	stream.indirect.gather [hbm4b:s2+s24], $0x80, s1, s24, $0xb8;
	[tilespmem:$0x1B880] =	vst v63  }
0xb7: {  	_ =	swait.ge [sflag:s26], $0x2800  }
0xb8: {  	[sflag:s26] =	ssyncset.done $0x0  }
0xb9: {  	[sflag:s26] =	ssyncadd.s32 $0xFFFFD800  }
0xba: {  	_ =	swait.ge [sflag:s28], $0x50  }
0xbb: {  	[sflag:s28] =	ssyncset.done $0x0  }
0xbc: {  	[sflag:s28] =	ssyncadd.s32 $0xFFFFFFB0  }
0xbd: {  	[spmem:s3] =	stream.indirect.scatter.add.f32 [tilespmem:s20], [sflag:$0x5], $0x80, s22, s24, $0xb8;
	[tilespmem:$0x1B880] =	vst v63  }
0xbe: {  	_ =	swait.ge [sflag:s21], $0x2800  }
0xbf: {  	s0 =	sshrl.u32 s0, $0x3;
	[sflag:s21] =	ssyncset.done $0x0  }
0xc0: {  	s0 =	sadd.s32 s5, s0;
	[sflag:s21] =	ssyncadd.s32 $0xFFFFD800  }
0xc1: {  	[tilespmem:s22], [sflag:$0x3] =	stream.linear.gather [hbm4b:s0+s4], $0x50, $0x38;
	[tilespmem:$0x1B880] =	vst v63  }
0xc2: {  	s8 =	sadd.s32 $0x50, s1  }
0xc3: {  	[tilespmem:s20], [sflag:$0x1] =	stream.indirect.gather [hbm4b:s2+s24], $0x80, s8, s24, $0xb8;
	[tilespmem:$0x1B880] =	vst v63  }
0xc4: {  	_ =	swait.ge [sflag:s29], $0x2800  }
0xc5: {  	[sflag:s29] =	ssyncset.done $0x0  }
0xc6: {  	[sflag:s29] =	ssyncadd.s32 $0xFFFFD800  }
0xc7: {  	_ =	swait.ge [sflag:s30], $0x50  }
0xc8: {  	[sflag:s30] =	ssyncset.done $0x0  }
0xc9: {  	[sflag:s30] =	ssyncadd.s32 $0xFFFFFFB0  }
0xca: {  	[spmem:s3] =	stream.indirect.scatter.add.f32 [tilespmem:s25], [sflag:$0x5], $0x80, s23, s24, $0xb8;
	[tilespmem:$0x1B880] =	vst v63  }
0xcb: {  	_ =	swait.ge [sflag:s21], $0x2800  }
0xcc: {  	[sflag:s21] =	ssyncset.done $0x0  }
0xcd: {  	[sflag:s21] =	ssyncadd.s32 $0xFFFFD800  }
0xce: {  	_ =	swait.ge [sflag:s26], $0x2800  }
0xcf: {  	[sflag:s26] =	ssyncset.done $0x0  }
0xd0: {  	[sflag:s26] =	ssyncadd.s32 $0xFFFFD800  }
0xd1: {  	_ =	swait.ge [sflag:s28], $0x50  }
0xd2: {  	[sflag:s28] =	ssyncset.done $0x0  }
0xd3: {  	[sflag:s28] =	ssyncadd.s32 $0xFFFFFFB0  }
0xd4: {  	[spmem:s3] =	stream.indirect.scatter.add.f32 [tilespmem:s20], [sflag:$0x5], $0x80, s22, s24, $0xb8;
	[tilespmem:$0x1B880] =	vst v63  }
0xd5: {  	s9 =	stileid.u32;
	_ =	swait.ge [sflag:s21], $0x2800  }
0xd6: {  	s10 =	sshrl.u32 s6, $0x3;
	s31 =	sadd.s32 $0x1, s31;
	[sflag:s21] =	ssyncset.done $0x0  }
0xd7: {  	p0 =	sne.s32 s31, s17;
	s0 =	sshll.u32 s9, $0x6;
	[sflag:s21] =	ssyncadd.s32 $0xFFFFD800  }
.Ltmp2:
0xd8: {  	s0 =	sor.u32 $0x1C05, s0;
	[bflag:$0x0] =	sbarrier.arrive $0xFFFF;
	(pc) =	sbr.rel @p0 .LBB2_1-.Ltmp2, $4  }
0xd9: {  	[hbm:s16], [sflag:s0] =	dma.local [spmem:s10], $0x2800  }
0xda: {  	_ =	swait.ge [sflag:s21], $0x2800  }
0xdb: {  	[sflag:s21] =	ssyncset.done $0x0  }
0xdc: {  	[sflag:s21] =	ssyncadd.s32 $0xFFFFD800  }
0xdd: {  	_ =	sfence.sel $0x180000  }
0xde: {  	[bflag:$0x0] =	sbarrier.arrive $0xFFFF  }
0xdf: {  	_ =	strace $0x9000004D  }
0xe0: {  	s0 =	stileid.u32;
	[bflag:$0x2] =	sbarrier.arrive $0xFFFF  }
0xe1: {  	p0 =	sne.s32 s0, $0x0;
	s0 =	rddreg [dreg:$0x3]  }
0xe2: {  	s0 =	sadd.s32 @!p0 $0x100000, s0  }
0xe3: {  	[sflag:s0] =	ssyncadd.tile.s32 @!p0 $0x1;
	_ =	shalt  }
.Lfunc_end2:
_tile_overlayer_lowered:
.L_overlay_start_2:
0xe4: {  	(tag) =	ssettag $0x2  }
0xe5: {  	s0 =	rddreg [dreg:$0x0];
	s2 =	stileid.u32  }
0xe6: {  	s1 =	rddreg [dreg:$0x1];
	p0 =	sne.s32 s2, $0x0  }
0xe7: {  	s3 =	rddreg [dreg:$0x2];
	[bflag:$0x3] =	sbarrier.arrive $0xFFFF;
	s2 =	simm.s32 @!p0 $0x1C05  }
0xe8: {  	[timem:s3], [sflag:s2] =	dma.local @!p0 [hbm:s0], s1  }
0xe9: {  	s0 =	simm.s32 @!p0 $0x5  }
0xea: {  	_ =	swait.ge @!p0 [sflag:s0], s1  }
0xeb: {  	s1 =	ssub.s32 @!p0 $0x0, s1;
	[sflag:s0] =	ssyncset.done @!p0 $0x0  }
0xec: {  	[sflag:s0] =	ssyncadd.s32 @!p0 s1  }
0xed: {  	[bflag:$0x3] =	sbarrier.arrive $0xFFFF  }
0xee: {  	_ =	shalt  }

// kernel: kernel.8.cloned.1.call-start
scs
__scs_entry_jumppad:
0x0: {  	(pc) =	sbr.rel $0x88, $3  }
0x1: {  	(tag) =	ssettag $0x0;
	lr =	simm.s32 $0x1  }
0x2: {  	[smem:$0x3F9B] =	sst lr;
	_ =	strace $0xD0000000  }
0x3: {  	_ = 	snop  }
0x4: {  	_ = 	snop  }
0x5: {  	_ = 	snop  }
0x6: {  	_ = 	snop  }
0x7: {  	_ = 	snop  }
__scs_overlays_trampoline_lowered:
0x8: {  	[smem:$0x3FAA] =	sst s0  }
0x9: {  	[smem:$0x3FAB] =	sst s1  }
0xa: {  	[smem:$0x3FAC] =	sst s2  }
0xb: {  	[smem:$0x3FAD] =	sst s3  }
0xc: {  	[smem:$0x3FAE] =	sst s4  }
0xd: {  	[smem:$0x3FAF] =	sst s5  }
0xe: {  	[smem:$0x3FB0] =	sst s6  }
0xf: {  	[smem:$0x3FB1] =	sst s7  }
0x10: {  	[smem:$0x3FB2] =	sst s8  }
0x11: {  	[smem:$0x3FB3] =	sst s9;
	s0 =	simm.s32 @!p0 $0x0  }
0x12: {  	s1 =	sld [smem:$0x3F99];
	s0 =	simm.s32 @p0 $0x1  }
0x13: {  	[smem:$0x3FB4] =	sst s0;
	s0 =	simm.s32 @!p1 $0x0  }
0x14: {  	s2 =	sld [smem:$0x3F98];
	s0 =	simm.s32 @p1 $0x1  }
0x15: {  	[smem:$0x3FB5] =	sst s0;
	s0 =	simm.s32 @!p2 $0x0  }
0x16: {  	s3 =	sld [smem:$0x3FDB];
	s0 =	simm.s32 @p2 $0x1  }
0x17: {  	s4 =	simm.s32 $0x1BF5;
	[smem:$0x3FB7] =	sst s0  }
0x18: {  	s0 =	sld [smem:$0x3F9A];
	_ =	swait.ge [sflag:s4], $0x0  }
0x19: {  	s7 =	sld [smem:$0x3F9B]  }
0x1a: {  	s8 =	sadd.s32 $0xFFFFE003, lr  }
0x1b: {  	s9 =	sadd.s32 $0xFFFFFEF7, lr;
	s5 =	simm.s32 $0xFFFFFFFF;
	p2 =	slt.u32 s8, $0xFFFFF086  }
0x1c: {  	p1 =	slt.u32 s9, $0xF7A;
	s5 =	simm.s32 @!p2 $0x0  }
0x1d: {  	s5 =	simm.s32 @p1 $0x1;
	p0 =	seq.s32 s7, s2  }
0x1e: {  	s7 =	smul.u32 @!p0 $0xF7A, s2;
	p2 =	seq.s32 @!p0 s5, $0x0  }
0x1f: {  	s9 =	smul.u32 $0xF7A, s1;
	s8 =	simm.s32 @!p0 $0x1BF5;
	p2 =	por !p2, p0  }
0x20: {  	[sflag:s8] =	ssyncset.s32 @!p0 $0xFFFFF086;
	s6 =	sadd.s32 @!p0 s3, s7;
	s7 =	simm.s32 @!p0 $0x108  }
0x21: {  	s3 =	sadd.s32 s3, s9;
	s6 =	sadd.s32 @!p0 $0x88, s6;
	s7 =	simm.s32 @p2 $0x1082  }
0x22: {  	[simem:s7], [sflag:s8] =	dma.local @!p0 [hbm:s6], $0xF7A  }
0x23: {  	s9 =	sor.u32 $0xD0000000, s2;
	s6 =	simm.s32 $0x108;
	_ =	swait.ge @!p0 [sflag:s8], $0x0  }
0x24: {  	s3 =	sadd.s32 $0x88, s3;
	s6 =	simm.s32 @!p1 $0x1082;
	[sflag:s4] =	ssyncset.s32 $0xFFFFF086  }
0x25: {  	[simem:s6], [sflag:s4] =	dma.local [hbm:s3], $0xF7A  }
0x26: {  	[smem:$0x3F9B] =	sst s1;
	(tag) =	ssettag s2;
	_ =	strace s9  }
0x27: {  	s1 =	sld [smem:$0x3FAB]  }
0x28: {  	s2 =	sld [smem:$0x3FAC]  }
0x29: {  	s4 =	sld [smem:$0x3FAE]  }
0x2a: {  	p0 =	seq.s32 s5, $0x0;
	s5 =	sld [smem:$0x3FAF]  }
0x2b: {  	s6 =	sld [smem:$0x3FB0]  }
0x2c: {  	s7 =	sld [smem:$0x3FB1]  }
0x2d: {  	s3 =	simm.s32 $0x108;
	s8 =	sld [smem:$0x3FB2]  }
0x2e: {  	s3 =	simm.s32 @!p0 $0x1082;
	s9 =	sld [smem:$0x3FB3]  }
0x2f: {  	lr =	sadd.s32 s0, s3;
	s0 =	sld [smem:$0x3FAA]  }
0x30: {  	s3 =	sld [smem:$0x3FAD]  }
0x31: {  	[smem:$0x3FB6] =	sst s10  }
0x32: {  	s10 =	sld [smem:$0x3FB4];
	_ =	sdelay $0x3  }
0x33: {  	p0 =	seq.s32 s10, $0x1;
	s10 =	sld [smem:$0x3FB6];
	_ =	sdelay $0x3  }
0x34: {  	[smem:$0x3FB6] =	sst s10  }
0x35: {  	s10 =	sld [smem:$0x3FB5];
	_ =	sdelay $0x3  }
0x36: {  	p1 =	seq.s32 s10, $0x1;
	s10 =	sld [smem:$0x3FB6];
	_ =	sdelay $0x3  }
0x37: {  	[smem:$0x3FB6] =	sst s10  }
0x38: {  	s10 =	sld [smem:$0x3FB7]  }
0x39: {  	_ = 	snop;
	(pc) =	sbr.ind lr, $3  }
0x3a: {  	_ = 	snop  }
0x3b: {  	_ = 	snop  }
0x3c: {  	p2 =	seq.s32 s10, $0x1;
	s10 =	sld [smem:$0x3FB6]  }
0x3d: {  	_ =	shalt  }
0x3e: {  	_ =	shalt  }
0x3f: {  	_ =	shalt  }
0x40: {  	_ =	shalt  }
0x41: {  	_ =	shalt  }
0x42: {  	_ =	shalt  }
0x43: {  	_ =	shalt  }
0x44: {  	_ =	shalt  }
0x45: {  	_ =	shalt  }
0x46: {  	_ =	shalt  }
0x47: {  	_ =	shalt  }
0x48: {  	_ =	shalt  }
0x49: {  	_ =	shalt  }
0x4a: {  	_ =	shalt  }
0x4b: {  	_ =	shalt  }
0x4c: {  	_ =	shalt  }
0x4d: {  	_ =	shalt  }
0x4e: {  	_ =	shalt  }
0x4f: {  	_ =	shalt  }
0x50: {  	_ =	shalt  }
0x51: {  	_ =	shalt  }
0x52: {  	_ =	shalt  }
0x53: {  	_ =	shalt  }
0x54: {  	_ =	shalt  }
0x55: {  	_ =	shalt  }
0x56: {  	_ =	shalt  }
0x57: {  	_ =	shalt  }
0x58: {  	_ =	shalt  }
0x59: {  	_ =	shalt  }
0x5a: {  	_ =	shalt  }
0x5b: {  	_ =	shalt  }
0x5c: {  	_ =	shalt  }
0x5d: {  	_ =	shalt  }
0x5e: {  	_ =	shalt  }
0x5f: {  	_ =	shalt  }
0x60: {  	_ =	shalt  }
0x61: {  	_ =	shalt  }
0x62: {  	_ =	shalt  }
0x63: {  	_ =	shalt  }
0x64: {  	_ =	shalt  }
0x65: {  	_ =	shalt  }
0x66: {  	_ =	shalt  }
0x67: {  	_ =	shalt  }
0x68: {  	_ =	shalt  }
0x69: {  	_ =	shalt  }
0x6a: {  	_ =	shalt  }
0x6b: {  	_ =	shalt  }
0x6c: {  	_ =	shalt  }
0x6d: {  	_ =	shalt  }
0x6e: {  	_ =	shalt  }
0x6f: {  	_ =	shalt  }
0x70: {  	_ =	shalt  }
0x71: {  	_ =	shalt  }
0x72: {  	_ =	shalt  }
0x73: {  	_ =	shalt  }
0x74: {  	_ =	shalt  }
0x75: {  	_ =	shalt  }
0x76: {  	_ =	shalt  }
0x77: {  	_ =	shalt  }
0x78: {  	_ =	shalt  }
0x79: {  	_ =	shalt  }
0x7a: {  	_ =	shalt  }
0x7b: {  	_ =	shalt  }
0x7c: {  	_ =	shalt  }
0x7d: {  	_ =	shalt  }
0x7e: {  	_ =	shalt  }
0x7f: {  	_ =	shalt  }
0x80: {  	_ =	shalt  }
0x81: {  	_ =	shalt  }
0x82: {  	_ =	shalt  }
0x83: {  	_ =	shalt  }
0x84: {  	_ =	shalt  }
0x85: {  	_ =	shalt  }
0x86: {  	_ =	shalt  }
0x87: {  	_ =	shalt  }
.Lfunc_end0:
.L_simem_size_0:
called_computation_lowered:
.L_overlay_start_0:
0x88: {  	s2 =	sld [smem:$0x3FD9]  }
0x89: {  	s3 =	sld [smem:$0x3FFE];
	_ =	sdelay $0x1  }
0x8a: {  	s1 =	srdreg.scid  }
0x8b: {  	s0 =	sand.u32 $0x1, s1  }
0x8c: {  	s17 =	sshll.u32 s0, $0xA;
	s2 =	sadd.s32 s3, s2  }
0x8d: {  	s2 =	sadd.s32 s2, s17  }
0x8e: {  	[smem:$0x3FC2] =	sst s2  }
0x8f: {  	_ = 	snop  }
0x90: {  	s2 =	sld [smem:$0x3FD0];
	(tm) =	ssettm $0x1  }
0x91: {  	s18 =	sld [smem:$0x3FFB];
	_ =	sdelay $0x3  }
0x92: {  	_ =	strace s18  }
0x93: {  	s3 =	sld [smem:$0x3FFC];
	_ =	sdelay $0x3  }
0x94: {  	_ =	strace s3  }
0x95: {  	s3 =	sld [smem:$0x3FFD];
	_ =	sdelay $0x3  }
0x96: {  	_ =	strace s3  }
0x97: {  	_ =	strace $0x8FFFFFFF  }
0x98: {  	s19 =	sld [smem:$0x3FDB];
	_ =	sdelay $0x1  }
0x99: {  	s4 =	simm.s32 $_scs_section_size  }
0x9a: {  	s5 =	simm.s32 $_size__tile_overlayer_lowered;
	s6 =	simm.s32 $_tile_overlayer_lowered  }
0x9b: {  	s22 =	simm.s32 $0x1BFF;
	s21 =	sshll.u32 s6, $0x1;
	s3 =	sadd.s32 s4, s19  }
0x9c: {  	s7 =	simm.s32 $0x0;
	s20 =	sshll.u32 s5, $0x1;
	s5 =	sadd.s32 s21, s3  }
0x9d: {  	[timem:s7], [sflag:s22] =	dma.local [hbm:s5], s20  }
0x9e: {  	_ =	swait.ge [sflag:s22], s20  }
0x9f: {  	s4 =	ssub.s32 $0x0, s20;
	[sflag:s22] =	ssyncset.done $0x0  }
0xa0: {  	[sflag:s22] =	ssyncadd.s32 s4;
	_ =	sdelay $0x1  }
0xa1: {  	s23 =	simm.s32 $0x1B8B  }
0xa2: {  	_ =	swait.ge [sflag:s23], $0x1  }
0xa3: {  	[sflag:s23] =	ssyncset.done $0x0  }
0xa4: {  	s25 =	simm.s32 $0x1B8E;
	s24 =	sld [smem:$0x3FFE];
	[sflag:s23] =	ssyncadd.s32 $0xFFFFFFFF  }
0xa5: {  	s26 =	simm.s32 $execute0_lowered;
	[smem:$0x3FD2] =	sst s25  }
0xa6: {  	s5 =	sshll.u32 s26, $0x1;
	_ =	strace $0x80000046;
	[dreg:$0x1] =	wrdreg $0xFFFFFFFF  }
0xa7: {  	s28 =	simm.s32 $_size_execute0_lowered;
	s3 =	sadd.s32 s3, s5;
	[dreg:$0x0] =	wrdreg $0x0  }
0xa8: {  	s5 =	sshll.u32 s28, $0x1;
	[dreg:$0x2] =	wrdreg s3  }
0xa9: {  	[dreg:$0x3] =	wrdreg s5  }
0xaa: {  	[dreg:$0x4] =	wrdreg $0xC0  }
0xab: {  	_ =	task [dreg:s7], $0x5FFFF  }
0xac: {  	[dreg:$0x1] =	wrdreg $0xFFFFFFFF  }
0xad: {  	[dreg:$0x0] =	wrdreg $0x60  }
0xae: {  	[dreg:$0x2] =	wrdreg s24  }
0xaf: {  	[dreg:$0x3] =	wrdreg s2  }
0xb0: {  	[dreg:$0x4] =	wrdreg $0x7A000  }
0xb1: {  	[dreg:$0x5] =	wrdreg $0x9  }
0xb2: {  	_ =	task.clear_ibuf [dreg:s7], $0x6FFFF;
	_ =	strace $0x90000046  }
0xb3: {  	s29 =	simm.s32 $0x9;
	_ =	strace $0x80000048  }
0xb4: {  	_ =	swait.ge [sflag:s29], $0x1  }
0xb5: {  	[sflag:s29] =	ssyncadd.s32 $0xFFFFFFFF  }
0xb6: {  	_ =	strace $0x90000048  }
0xb7: {  	_ =	sfence  }
0xb8: {  	s30 =	sld [smem:$0x0];
	_ =	sdelay $0x2  }
0xb9: {  	s31 =	sshll.u32 s1, $0xD;
	s1 =	sshrl.u32 s1, $0x2  }
0xba: {  	s3 =	sand.u32 $0x4000, s31;
	s1 =	sadd.s32 s1, s30  }
0xbb: {  	s0 =	sor.u32 s3, s0;
	s1 =	sshll.u32 s1, $0x11  }
0xbc: {  	s0 =	sor.u32 s1, s0  }
0xbd: {  	s0 =	sadd.s32 $0x8F2B, s0  }
0xbe: {  	[sflag:s0] =	ssyncadd.remote.s32 $0x1  }
0xbf: {  	_ =	sfence.sel $0xFFFF  }
0xc0: {  	[dreg:$0x0] =	wrdreg $0xFFFFFFFF;
	(pc) =	sbr.abs _section_cstart, $3  }
0xc1: {  	[dreg:$0x1] =	wrdreg $0xFFFFFFFF  }
0xc2: {  	_ =	task.clear_ibuf [dreg:s7], $0x2FFFF;
	_ =	strace $0x9FFFFFFF  }
0xc3: {  	(tm) =	ssettm $0x7FFFFFFF  }
tec
execute0_lowered:
.L_overlay_start_1:
0x0: {  	(tag) =	ssettag $0x1  }
0x1: {  	s0 =	rddreg [dreg:$0x0]  }
0x2: {  	s2 =	rddreg [dreg:$0x1]  }
0x3: {  	s1 =	srdreg.scid;
	s3 =	rddreg [dreg:$0x2];
	s8 =	simm.s32 $0x0  }
0x4: {  	s7 =	stileid.u32;
	s1 =	sand.u32 $0x1, s1;
	[smem:$0x7FF] =	sst s8  }
0x5: {  	s6 =	sshrl.u32 s7, $0x3;
	s25 =	smul.u32 $0x500, s7;
	s26 =	sshll.u32 s7, $0x7  }
0x6: {  	s4 =	sshll.u32 s1, $0x4;
	_ =	strace $0x80000047;
	s6 =	smul.u32 $0x50000, s6  }
0x7: {  	s5 =	ssub.s32 $0x2, s1;
	s4 =	sor.u32 s7, s4;
	s7 =	smul.u32 $0x5000, s7  }
0x8: {  	s1 =	sshll.u32 s1, $0x7;
	s4 =	smul.u32 $0x4E2, s4;
	s6 =	sshrl.u32 s6, $0x2  }
0x9: {  	s24 =	sshrl.u32 s5, $0x1;
	s28 =	sadd.s32 s6, s3;
	s29 =	sshrl.u32 s7, $0x2  }
0xa: {  	s0 =	sadd.s32 s4, s0;
	s4 =	ssub.s32 s5, s24;
	s30 =	sadd.s32 s29, s3  }
0xb: {  	s5 =	sand.u32 $0x380, s26;
	s0 =	sadd.s32 $0xC600, s0;
	[dreg:$0x15] =	wrdreg s30  }
0xc: {  	s31 =	smax.u32 s4, $0x1;
	[dreg:$0x13] =	wrdreg s0;
	s0 =	sor.u32 s1, s25  }
0xd: {  	s1 =	sadd.s32 s5, s28;
	[dreg:$0x17] =	wrdreg s31;
	s0 =	sshrl.u32 s0, $0x3  }
0xe: {  	s3 =	simm.s32 $0x2;
	[dreg:$0x14] =	wrdreg s1;
	s0 =	sadd.s32 s2, s0  }
0xf: {  	v0 =	vimm.f32 $0.0e+00;
	v1 =	vimm.f32 $1.000000000e+00;
	s1 =	simm.s32 $0x0;
	s2 =	simm.s32 $0x80;
	[dreg:$0x16] =	wrdreg s0  }
.LBB2_1:
0x10: {  	s0 =	rddreg [dreg:$0x13];
	s31 =	simm.s32 $0x2800  }
0x11: {  	[tilespmem:s31], [sflag:$0x1] =	stream.linear.gather [hbm4b:s0+s8], $0x2710, $0x38;
	[tilespmem:$0xA200] =	vst v63  }
0x12: {  	s0 =	simm.s32 $0x40  }
0x13: {  	[tilespmem:s0+$0xFFFFFFC0] =	vst v0  }
0x14: {  	[tilespmem:s0+$0x30] =	vst v0  }
0x15: {  	[tilespmem:s0+$0x20] =	vst v0  }
0x16: {  	[tilespmem:s0+$0x10] =	vst v0  }
0x17: {  	[tilespmem:s0+$0x0] =	vst v0  }
0x18: {  	[tilespmem:s0+$0xFFFFFFF0] =	vst v0  }
0x19: {  	[dreg:$0x18] =	wrdreg s1;
	s1 =	simm.s32 $0x0;
	[tilespmem:s0+$0xFFFFFFE0] =	vst v0  }
.LBB2_2:
0x1a: {  	s1 =	sadd.s32 $0x8, s1;
	[tilespmem:s0+$0xFFFFFFD0] =	vst v0;
	s0 =	sadd.s32 $0x80, s0  }
0x1b: {  	[tilespmem:s0+$0xFFFFFFC0] =	vst v0;
	p0 =	slt.u32 s1, $0x278  }
0x1c: {  	[tilespmem:s0+$0x30] =	vst v0  }
.Ltmp0:
0x1d: {  	[tilespmem:s0+$0x20] =	vst v0;
	(pc) =	sbr.rel @p0 .LBB2_2-.Ltmp0, $4  }
0x1e: {  	[tilespmem:s0+$0x10] =	vst v0  }
0x1f: {  	[tilespmem:s0+$0x0] =	vst v0  }
0x20: {  	[tilespmem:s0+$0xFFFFFFF0] =	vst v0  }
0x21: {  	[tilespmem:s0+$0xFFFFFFE0] =	vst v0  }
0x22: {  	[tilespmem:s0+$0xFFFFFFD0] =	vst v0;
	s31 =	simm.s32 $0x1  }
0x23: {  	_ =	swait.ge [sflag:s31], $0x2710  }
0x24: {  	[sflag:s31] =	ssyncset.done $0x0  }
0x25: {  	s0 =	simm.s32 $0xFFFFFFF8;
	s1 =	simm.s32 $0x2840;
	[sflag:s31] =	ssyncadd.s32 $0xFFFFD8F0  }
.LBB2_4:
0x26: {  	v2 =	vld [tilespmem:s1+$0xFFFFFFC0];
	_ =	sdelay $0x7  }
0x27: {  	[tilespmem:v2+s8+$0x0] =	vst.idx.add.f32.msk $0xffff, v1  }
0x28: {  	v2 =	vld [tilespmem:s1+$0xFFFFFFD0];
	_ =	sdelay $0x7  }
0x29: {  	[tilespmem:v2+s8+$0x0] =	vst.idx.add.f32.msk $0xffff, v1  }
0x2a: {  	v2 =	vld [tilespmem:s1+$0xFFFFFFE0];
	_ =	sdelay $0x7  }
0x2b: {  	[tilespmem:v2+s8+$0x0] =	vst.idx.add.f32.msk $0xffff, v1  }
0x2c: {  	v2 =	vld [tilespmem:s1+$0xFFFFFFF0];
	_ =	sdelay $0x7  }
0x2d: {  	[tilespmem:v2+s8+$0x0] =	vst.idx.add.f32.msk $0xffff, v1  }
0x2e: {  	v2 =	vld [tilespmem:s1+$0x0];
	_ =	sdelay $0x7  }
0x2f: {  	[tilespmem:v2+s8+$0x0] =	vst.idx.add.f32.msk $0xffff, v1  }
0x30: {  	v2 =	vld [tilespmem:s1+$0x10];
	_ =	sdelay $0x7  }
0x31: {  	[tilespmem:v2+s8+$0x0] =	vst.idx.add.f32.msk $0xffff, v1  }
0x32: {  	v2 =	vld [tilespmem:s1+$0x20];
	_ =	sdelay $0x7  }
0x33: {  	[tilespmem:v2+s8+$0x0] =	vst.idx.add.f32.msk $0xffff, v1  }
0x34: {  	v2 =	vld [tilespmem:s1+$0x30];
	_ =	sdelay $0x1  }
0x35: {  	s0 =	sadd.s32 $0x8, s0  }
0x36: {  	p0 =	slt.u32 s0, $0x268  }
.Ltmp1:
0x37: {  	_ = 	snop;
	(pc) =	sbr.rel @p0 .LBB2_4-.Ltmp1, $2  }
0x38: {  	_ =	sdelay $0x2  }
0x39: {  	s1 =	sadd.s32 $0x80, s1;
	[tilespmem:v2+s8+$0x0] =	vst.idx.add.f32.msk $0xffff, v1  }
0x3a: {  	v2 =	vld [tilespmem:$0x4F00];
	_ =	sdelay $0x6  }
0x3b: {  	s14 =	simm.s32 $0x0  }
0x3c: {  	s0 =	rddreg [dreg:$0x14];
	s1 =	simm.s32 $0x400;
	[tilespmem:v2+s14+$0x0] =	vst.idx.add.f32.msk $0xffff, v1  }
0x3d: {  	[spmem:s0] =	stream.strided.scatter [tilespmem:s14], [sflag:$0x2], $0x2800, s1, s2, $0x38;
	[tilespmem:$0xA200] =	vst v63  }
0x3e: {  	_ =	swait.ge [sflag:s3], $0x2800  }
0x3f: {  	[sflag:s3] =	ssyncset.done $0x0  }
0x40: {  	[sflag:s3] =	ssyncadd.s32 $0xFFFFD800  }
0x41: {  	s6 =	simm.s32 $0x1400;
	[bflag:$0x0] =	sbarrier.arrive $0xFFFF  }
0x42: {  	s7 =	simm.s32 $0x14000;
	s4 =	simm.s32 $0x4F80;
	s5 =	rddreg [dreg:$0x15]  }
0x43: {  	[tilespmem:s4], [sflag:$0x2] =	stream.strided.gather [spmem:s5], $0x2800, s7, s6, $0x38;
	[tilespmem:$0xA200] =	vst v63  }
0x44: {  	s8 =	sand.u32 $0x1C00, s14;
	_ =	swait.ge [sflag:s3], $0x2800  }
0x45: {  	s13 =	sand.u32 $0x40, s14;
	s0 =	sadd.s32 $0x4F80, s8;
	[sflag:s3] =	ssyncset.done $0x0  }
0x46: {  	s11 =	sor.u32 s13, s0;
	[sflag:s3] =	ssyncadd.s32 $0xFFFFD800  }
0x47: {  	v2 =	vld [tilespmem:s11+$0x0]  }
0x48: {  	v3 =	vld [tilespmem:s11+$0x80];
	_ =	sdelay $0x1  }
0x49: {  	v4 =	vld [tilespmem:s11+$0x100];
	_ =	sdelay $0x1  }
0x4a: {  	v5 =	vld [tilespmem:s11+$0x180]  }
0x4b: {  	v2 =	vadd.f32 v3, v2  }
0x4c: {  	v3 =	vld [tilespmem:s11+$0x200]  }
0x4d: {  	v2 =	vadd.f32 v4, v2  }
0x4e: {  	v4 =	vld [tilespmem:s11+$0x280]  }
0x4f: {  	v2 =	vadd.f32 v5, v2  }
0x50: {  	v5 =	vld [tilespmem:s11+$0x300]  }
0x51: {  	v2 =	vadd.f32 v3, v2  }
0x52: {  	s1 =	sor.u32 $0x6380, s8;
	v3 =	vld [tilespmem:s11+$0x380]  }
0x53: {  	s5 =	sor.u32 s13, s1;
	v2 =	vadd.f32 v4, v2  }
0x54: {  	s4 =	sadd.s32 $0x6400, s8;
	v4 =	vld [tilespmem:s5+$0x0]  }
0x55: {  	s6 =	sor.u32 s13, s4;
	v2 =	vadd.f32 v5, v2  }
0x56: {  	s5 =	sadd.s32 $0x6480, s8;
	v5 =	vld [tilespmem:s6+$0x0]  }
0x57: {  	s12 =	sor.u32 s13, s5;
	v2 =	vadd.f32 v3, v2  }
0x58: {  	s10 =	sadd.s32 $0x6500, s8;
	v3 =	vld [tilespmem:s12+$0x0]  }
0x59: {  	s7 =	sor.u32 s13, s10;
	v2 =	vadd.f32 v4, v2  }
0x5a: {  	s6 =	sadd.s32 $0x6580, s8;
	v4 =	vld [tilespmem:s7+$0x0]  }
0x5b: {  	s15 =	sor.u32 s13, s6;
	v2 =	vadd.f32 v5, v2  }
0x5c: {  	s9 =	sadd.s32 $0x6600, s8;
	v5 =	vld [tilespmem:s15+$0x0]  }
0x5d: {  	s16 =	sor.u32 s13, s9;
	v2 =	vadd.f32 v3, v2  }
0x5e: {  	s11 =	sadd.s32 $0x6680, s8;
	v3 =	vld [tilespmem:s16+$0x0]  }
0x5f: {  	s17 =	sor.u32 s13, s11;
	v2 =	vadd.f32 v4, v2  }
0x60: {  	s12 =	sadd.s32 $0x6700, s8;
	v4 =	vld [tilespmem:s17+$0x0]  }
0x61: {  	s2 =	sor.u32 s13, s12;
	v2 =	vadd.f32 v5, v2  }
0x62: {  	v5 =	vld [tilespmem:s2+$0x0]  }
0x63: {  	v2 =	vadd.f32 v3, v2;
	_ =	sdelay $0x1  }
0x64: {  	v2 =	vadd.f32 v4, v2;
	_ =	sdelay $0x1  }
0x65: {  	v2 =	vadd.f32 v5, v2  }
0x66: {  	s18 =	simm.s32 $0x7780;
	s19 =	sor.u32 $0x10, s13  }
0x67: {  	s20 =	sor.u32 s19, s0;
	[tilespmem:s18+$0x0] =	vst v2  }
0x68: {  	v2 =	vld [tilespmem:s20+$0x0]  }
0x69: {  	v3 =	vld [tilespmem:s20+$0x80];
	_ =	sdelay $0x1  }
0x6a: {  	v4 =	vld [tilespmem:s20+$0x100];
	_ =	sdelay $0x1  }
0x6b: {  	v5 =	vld [tilespmem:s20+$0x180]  }
0x6c: {  	v2 =	vadd.f32 v3, v2  }
0x6d: {  	v3 =	vld [tilespmem:s20+$0x200]  }
0x6e: {  	v2 =	vadd.f32 v4, v2  }
0x6f: {  	v4 =	vld [tilespmem:s20+$0x280]  }
0x70: {  	v2 =	vadd.f32 v5, v2  }
0x71: {  	v5 =	vld [tilespmem:s20+$0x300]  }
0x72: {  	v2 =	vadd.f32 v3, v2  }
0x73: {  	v3 =	vld [tilespmem:s20+$0x380]  }
0x74: {  	s21 =	sor.u32 s19, s1;
	v2 =	vadd.f32 v4, v2  }
0x75: {  	v4 =	vld [tilespmem:s21+$0x0]  }
0x76: {  	s22 =	sor.u32 s19, s4;
	v2 =	vadd.f32 v5, v2  }
0x77: {  	v5 =	vld [tilespmem:s22+$0x0]  }
0x78: {  	s23 =	sor.u32 s19, s5;
	v2 =	vadd.f32 v3, v2  }
0x79: {  	v3 =	vld [tilespmem:s23+$0x0]  }
0x7a: {  	s24 =	sor.u32 s19, s10;
	v2 =	vadd.f32 v4, v2  }
0x7b: {  	v4 =	vld [tilespmem:s24+$0x0]  }
0x7c: {  	s25 =	sor.u32 s19, s6;
	v2 =	vadd.f32 v5, v2  }
0x7d: {  	v5 =	vld [tilespmem:s25+$0x0]  }
0x7e: {  	s26 =	sor.u32 s19, s9;
	v2 =	vadd.f32 v3, v2  }
0x7f: {  	v3 =	vld [tilespmem:s26+$0x0]  }
0x80: {  	s28 =	sor.u32 s19, s11;
	v2 =	vadd.f32 v4, v2  }
0x81: {  	v4 =	vld [tilespmem:s28+$0x0]  }
0x82: {  	s29 =	sor.u32 s19, s12;
	v2 =	vadd.f32 v5, v2  }
0x83: {  	v5 =	vld [tilespmem:s29+$0x0]  }
0x84: {  	v2 =	vadd.f32 v3, v2;
	_ =	sdelay $0x1  }
0x85: {  	v2 =	vadd.f32 v4, v2  }
0x86: {  	s30 =	sand.u32 $0x380, s14  }
0x87: {  	s2 =	sadd.s32 $0x7780, s30;
	v2 =	vadd.f32 v5, v2  }
0x88: {  	s8 =	sor.u32 $0x20, s13;
	s7 =	sor.u32 s19, s2  }
0x89: {  	s31 =	sor.u32 s8, s0;
	[tilespmem:s7+$0x0] =	vst v2  }
0x8a: {  	v2 =	vld [tilespmem:s31+$0x0]  }
0x8b: {  	v3 =	vld [tilespmem:s31+$0x80];
	_ =	sdelay $0x1  }
0x8c: {  	v4 =	vld [tilespmem:s31+$0x100];
	_ =	sdelay $0x1  }
0x8d: {  	v5 =	vld [tilespmem:s31+$0x180]  }
0x8e: {  	v2 =	vadd.f32 v3, v2  }
0x8f: {  	v3 =	vld [tilespmem:s31+$0x200]  }
0x90: {  	v2 =	vadd.f32 v4, v2  }
0x91: {  	v4 =	vld [tilespmem:s31+$0x280]  }
0x92: {  	v2 =	vadd.f32 v5, v2  }
0x93: {  	v5 =	vld [tilespmem:s31+$0x300]  }
0x94: {  	v2 =	vadd.f32 v3, v2  }
0x95: {  	v3 =	vld [tilespmem:s31+$0x380]  }
0x96: {  	s3 =	sor.u32 s8, s1;
	v2 =	vadd.f32 v4, v2  }
0x97: {  	v4 =	vld [tilespmem:s3+$0x0]  }
0x98: {  	s15 =	sor.u32 s8, s4;
	v2 =	vadd.f32 v5, v2  }
0x99: {  	v5 =	vld [tilespmem:s15+$0x0]  }
0x9a: {  	s16 =	sor.u32 s8, s5;
	v2 =	vadd.f32 v3, v2  }
0x9b: {  	v3 =	vld [tilespmem:s16+$0x0]  }
0x9c: {  	s17 =	sor.u32 s8, s10;
	v2 =	vadd.f32 v4, v2  }
0x9d: {  	v4 =	vld [tilespmem:s17+$0x0]  }
0x9e: {  	s18 =	sor.u32 s8, s6;
	v2 =	vadd.f32 v5, v2  }
0x9f: {  	v5 =	vld [tilespmem:s18+$0x0]  }
0xa0: {  	s19 =	sor.u32 s8, s9;
	v2 =	vadd.f32 v3, v2  }
0xa1: {  	v3 =	vld [tilespmem:s19+$0x0]  }
0xa2: {  	s20 =	sor.u32 s8, s11;
	v2 =	vadd.f32 v4, v2  }
0xa3: {  	v4 =	vld [tilespmem:s20+$0x0]  }
0xa4: {  	s21 =	sor.u32 s8, s12;
	v2 =	vadd.f32 v5, v2  }
0xa5: {  	v5 =	vld [tilespmem:s21+$0x0]  }
0xa6: {  	v2 =	vadd.f32 v3, v2;
	_ =	sdelay $0x1  }
0xa7: {  	v2 =	vadd.f32 v4, v2;
	_ =	sdelay $0x1  }
0xa8: {  	v2 =	vadd.f32 v5, v2  }
0xa9: {  	s13 =	sor.u32 $0x30, s13;
	s22 =	sor.u32 s8, s2  }
0xaa: {  	s0 =	sor.u32 s13, s0;
	[tilespmem:s22+$0x0] =	vst v2  }
0xab: {  	v2 =	vld [tilespmem:s0+$0x0]  }
0xac: {  	v3 =	vld [tilespmem:s0+$0x80];
	_ =	sdelay $0x1  }
0xad: {  	v4 =	vld [tilespmem:s0+$0x100];
	_ =	sdelay $0x1  }
0xae: {  	v5 =	vld [tilespmem:s0+$0x180]  }
0xaf: {  	v2 =	vadd.f32 v3, v2  }
0xb0: {  	v3 =	vld [tilespmem:s0+$0x200]  }
0xb1: {  	v2 =	vadd.f32 v4, v2  }
0xb2: {  	v4 =	vld [tilespmem:s0+$0x280]  }
0xb3: {  	v2 =	vadd.f32 v5, v2  }
0xb4: {  	v5 =	vld [tilespmem:s0+$0x300]  }
0xb5: {  	v2 =	vadd.f32 v3, v2  }
0xb6: {  	v3 =	vld [tilespmem:s0+$0x380]  }
0xb7: {  	s23 =	sor.u32 s13, s1;
	v2 =	vadd.f32 v4, v2  }
0xb8: {  	v4 =	vld [tilespmem:s23+$0x0]  }
0xb9: {  	s24 =	sor.u32 s13, s4;
	v2 =	vadd.f32 v5, v2  }
0xba: {  	v5 =	vld [tilespmem:s24+$0x0]  }
0xbb: {  	s25 =	sor.u32 s13, s5;
	v2 =	vadd.f32 v3, v2  }
0xbc: {  	v3 =	vld [tilespmem:s25+$0x0]  }
0xbd: {  	s26 =	sor.u32 s13, s10;
	v2 =	vadd.f32 v4, v2  }
0xbe: {  	v4 =	vld [tilespmem:s26+$0x0]  }
0xbf: {  	s28 =	sor.u32 s13, s6;
	v2 =	vadd.f32 v5, v2  }
0xc0: {  	v5 =	vld [tilespmem:s28+$0x0]  }
0xc1: {  	s29 =	sor.u32 s13, s9;
	v2 =	vadd.f32 v3, v2  }
0xc2: {  	v6 =	vld [tilespmem:s29+$0x0]  }
0xc3: {  	v2 =	vadd.f32 v4, v2;
	_ =	sdelay $0x1  }
0xc4: {  	s30 =	sor.u32 s13, s11;
	v4 =	vadd.f32 v5, v2  }
0xc5: {  	s10 =	sor.u32 s13, s2;
	s31 =	sor.u32 s13, s12;
	v3 =	vld [tilespmem:s30+$0x0]  }
0xc6: {  	s20 =	simm.s32 $0x0;
	s21 =	simm.s32 $0x77C0;
	s22 =	simm.s32 $0x0;
	v2 =	vld [tilespmem:s31+$0x0];
	v4 =	vadd.f32 v6, v4  }
.LBB2_6:
0xc7: {  	_ =	sdelay $0x2  }
0xc8: {  	v3 =	vadd.f32 v3, v4  }
0xc9: {  	s2 =	sadd.s32 $0x200, s14  }
0xca: {  	s22 =	sadd.s32 $0x40, s22;
	s0 =	sand.u32 $0x1C00, s2;
	v2 =	vadd.f32 v2, v3  }
0xcb: {  	s1 =	sand.u32 $0x40, s22;
	s23 =	sadd.s32 $0x4F80, s0  }
0xcc: {  	s8 =	sor.u32 s1, s23;
	[tilespmem:s10+$0x0] =	vst v2  }
0xcd: {  	v2 =	vld [tilespmem:s8+$0x0]  }
0xce: {  	v3 =	vld [tilespmem:s8+$0x80];
	_ =	sdelay $0x1  }
0xcf: {  	v4 =	vld [tilespmem:s8+$0x100];
	_ =	sdelay $0x1  }
0xd0: {  	v5 =	vld [tilespmem:s8+$0x180]  }
0xd1: {  	v2 =	vadd.f32 v3, v2  }
0xd2: {  	v3 =	vld [tilespmem:s8+$0x200]  }
0xd3: {  	v2 =	vadd.f32 v4, v2  }
0xd4: {  	v4 =	vld [tilespmem:s8+$0x280]  }
0xd5: {  	v2 =	vadd.f32 v5, v2  }
0xd6: {  	v5 =	vld [tilespmem:s8+$0x300]  }
0xd7: {  	v2 =	vadd.f32 v3, v2  }
0xd8: {  	s11 =	sor.u32 $0x6380, s0;
	v3 =	vld [tilespmem:s8+$0x380]  }
0xd9: {  	s31 =	sor.u32 s1, s11;
	v2 =	vadd.f32 v4, v2  }
0xda: {  	s13 =	sadd.s32 $0x6400, s0;
	v4 =	vld [tilespmem:s31+$0x0]  }
0xdb: {  	s30 =	sor.u32 s1, s13;
	v2 =	vadd.f32 v5, v2  }
0xdc: {  	s14 =	sadd.s32 $0x6480, s0;
	v5 =	vld [tilespmem:s30+$0x0]  }
0xdd: {  	s24 =	sor.u32 s1, s14;
	v2 =	vadd.f32 v3, v2  }
0xde: {  	s15 =	sadd.s32 $0x6500, s0;
	v3 =	vld [tilespmem:s24+$0x0]  }
0xdf: {  	s26 =	sor.u32 s1, s15;
	v2 =	vadd.f32 v4, v2  }
0xe0: {  	s16 =	sadd.s32 $0x6580, s0;
	v4 =	vld [tilespmem:s26+$0x0]  }
0xe1: {  	s28 =	sor.u32 s1, s16;
	v2 =	vadd.f32 v5, v2  }
0xe2: {  	s17 =	sadd.s32 $0x6600, s0;
	v5 =	vld [tilespmem:s28+$0x0]  }
0xe3: {  	s29 =	sor.u32 s1, s17;
	v2 =	vadd.f32 v3, v2  }
0xe4: {  	s3 =	sadd.s32 $0x6680, s0;
	v3 =	vld [tilespmem:s29+$0x0]  }
0xe5: {  	s19 =	sor.u32 s1, s3;
	v2 =	vadd.f32 v4, v2  }
0xe6: {  	s0 =	sadd.s32 $0x6700, s0;
	v4 =	vld [tilespmem:s19+$0x0]  }
0xe7: {  	s25 =	sor.u32 s1, s0;
	v2 =	vadd.f32 v5, v2  }
0xe8: {  	v5 =	vld [tilespmem:s25+$0x0]  }
0xe9: {  	v2 =	vadd.f32 v3, v2;
	_ =	sdelay $0x1  }
0xea: {  	v2 =	vadd.f32 v4, v2;
	_ =	sdelay $0x1  }
0xeb: {  	v2 =	vadd.f32 v5, v2  }
0xec: {  	s10 =	sor.u32 $0x10, s1  }
0xed: {  	s29 =	sor.u32 s10, s23;
	[tilespmem:s21+$0x0] =	vst v2  }
0xee: {  	v2 =	vld [tilespmem:s29+$0x0]  }
0xef: {  	v3 =	vld [tilespmem:s29+$0x80];
	_ =	sdelay $0x1  }
0xf0: {  	v4 =	vld [tilespmem:s29+$0x100];
	_ =	sdelay $0x1  }
0xf1: {  	v5 =	vld [tilespmem:s29+$0x180]  }
0xf2: {  	v2 =	vadd.f32 v3, v2  }
0xf3: {  	v3 =	vld [tilespmem:s29+$0x200]  }
0xf4: {  	v2 =	vadd.f32 v4, v2  }
0xf5: {  	v4 =	vld [tilespmem:s29+$0x280]  }
0xf6: {  	v2 =	vadd.f32 v5, v2  }
0xf7: {  	v5 =	vld [tilespmem:s29+$0x300]  }
0xf8: {  	v2 =	vadd.f32 v3, v2  }
0xf9: {  	v3 =	vld [tilespmem:s29+$0x380]  }
0xfa: {  	s5 =	sor.u32 s10, s11;
	v2 =	vadd.f32 v4, v2  }
0xfb: {  	v4 =	vld [tilespmem:s5+$0x0]  }
0xfc: {  	s6 =	sor.u32 s10, s13;
	v2 =	vadd.f32 v5, v2  }
0xfd: {  	v5 =	vld [tilespmem:s6+$0x0]  }
0xfe: {  	s18 =	sor.u32 s10, s14;
	v2 =	vadd.f32 v3, v2  }
0xff: {  	s7 =	sor.u32 s10, s17;
	v3 =	vld [tilespmem:s18+$0x0]  }
0x100: {  	s12 =	sor.u32 s10, s15;
	[dreg:$0x12] =	wrdreg s7;
	s7 =	sor.u32 s10, s3;
	v2 =	vadd.f32 v4, v2  }
0x101: {  	s4 =	sor.u32 $0x20, s1;
	[dreg:$0x11] =	wrdreg s7;
	s7 =	sor.u32 s10, s0;
	v4 =	vld [tilespmem:s12+$0x0]  }
0x102: {  	s9 =	sor.u32 s10, s16;
	[dreg:$0x10] =	wrdreg s7;
	s7 =	sor.u32 s4, s11;
	v2 =	vadd.f32 v5, v2  }
0x103: {  	[dreg:$0xf] =	wrdreg s7;
	v5 =	vld [tilespmem:s9+$0x0]  }
0x104: {  	s7 =	sor.u32 s4, s13;
	s30 =	rddreg [dreg:$0x12];
	v2 =	vadd.f32 v3, v2  }
0x105: {  	s1 =	sor.u32 $0x30, s1;
	[dreg:$0xe] =	wrdreg s7;
	v3 =	vld [tilespmem:s30+$0x0]  }
0x106: {  	s7 =	sor.u32 s4, s14;
	s14 =	sor.u32 s1, s14;
	s31 =	rddreg [dreg:$0x11];
	v2 =	vadd.f32 v4, v2  }
0x107: {  	[dreg:$0x4] =	wrdreg s14;
	v4 =	vld [tilespmem:s31+$0x0]  }
0x108: {  	s14 =	smov.u32 s2;
	s2 =	rddreg [dreg:$0x10];
	v2 =	vadd.f32 v5, v2  }
0x109: {  	[dreg:$0xd] =	wrdreg s7;
	s7 =	sor.u32 s4, s15;
	v5 =	vld [tilespmem:s2+$0x0]  }
0x10a: {  	s15 =	sor.u32 s1, s15;
	[dreg:$0xc] =	wrdreg s7;
	v2 =	vadd.f32 v3, v2  }
0x10b: {  	s7 =	sor.u32 s4, s16;
	[dreg:$0x5] =	wrdreg s15  }
0x10c: {  	s15 =	sor.u32 s1, s3;
	[dreg:$0xb] =	wrdreg s7;
	s7 =	sor.u32 s4, s17;
	v2 =	vadd.f32 v4, v2  }
0x10d: {  	[dreg:$0xa] =	wrdreg s7;
	s7 =	sor.u32 s4, s3;
	s3 =	sand.u32 $0x380, s22  }
0x10e: {  	s5 =	sadd.s32 $0x7780, s3;
	v2 =	vadd.f32 v5, v2  }
0x10f: {  	[dreg:$0x9] =	wrdreg s7;
	s7 =	sor.u32 s4, s0;
	s6 =	sor.u32 s10, s5  }
0x110: {  	[dreg:$0x8] =	wrdreg s7;
	s7 =	sor.u32 s4, s23;
	[tilespmem:s6+$0x0] =	vst v2  }
0x111: {  	v2 =	vld [tilespmem:s7+$0x0]  }
0x112: {  	v3 =	vld [tilespmem:s7+$0x80];
	_ =	sdelay $0x1  }
0x113: {  	v4 =	vld [tilespmem:s7+$0x100];
	_ =	sdelay $0x1  }
0x114: {  	v5 =	vld [tilespmem:s7+$0x180]  }
0x115: {  	v2 =	vadd.f32 v3, v2  }
0x116: {  	v3 =	vld [tilespmem:s7+$0x200]  }
0x117: {  	v2 =	vadd.f32 v4, v2  }
0x118: {  	v4 =	vld [tilespmem:s7+$0x280]  }
0x119: {  	v2 =	vadd.f32 v5, v2  }
0x11a: {  	v5 =	vld [tilespmem:s7+$0x300]  }
0x11b: {  	v2 =	vadd.f32 v3, v2  }
0x11c: {  	v3 =	vld [tilespmem:s7+$0x380]  }
0x11d: {  	s8 =	rddreg [dreg:$0xf];
	v2 =	vadd.f32 v4, v2  }
0x11e: {  	v4 =	vld [tilespmem:s8+$0x0]  }
0x11f: {  	s9 =	rddreg [dreg:$0xe];
	v2 =	vadd.f32 v5, v2  }
0x120: {  	v5 =	vld [tilespmem:s9+$0x0]  }
0x121: {  	s13 =	sor.u32 s1, s13;
	s12 =	rddreg [dreg:$0xd];
	v2 =	vadd.f32 v3, v2  }
0x122: {  	[dreg:$0x6] =	wrdreg s13;
	v3 =	vld [tilespmem:s12+$0x0]  }
0x123: {  	s13 =	sor.u32 s1, s17;
	s17 =	rddreg [dreg:$0xc];
	v2 =	vadd.f32 v4, v2  }
0x124: {  	v4 =	vld [tilespmem:s17+$0x0]  }
0x125: {  	s18 =	rddreg [dreg:$0xb];
	v2 =	vadd.f32 v5, v2  }
0x126: {  	v5 =	vld [tilespmem:s18+$0x0]  }
0x127: {  	s19 =	rddreg [dreg:$0xa];
	v2 =	vadd.f32 v3, v2  }
0x128: {  	v3 =	vld [tilespmem:s19+$0x0]  }
0x129: {  	s24 =	rddreg [dreg:$0x9];
	v2 =	vadd.f32 v4, v2  }
0x12a: {  	v4 =	vld [tilespmem:s24+$0x0]  }
0x12b: {  	s25 =	rddreg [dreg:$0x8];
	v2 =	vadd.f32 v5, v2  }
0x12c: {  	v5 =	vld [tilespmem:s25+$0x0]  }
0x12d: {  	v2 =	vadd.f32 v3, v2;
	_ =	sdelay $0x1  }
0x12e: {  	v2 =	vadd.f32 v4, v2;
	_ =	sdelay $0x1  }
0x12f: {  	s11 =	sor.u32 s1, s11;
	v2 =	vadd.f32 v5, v2  }
0x130: {  	[dreg:$0x7] =	wrdreg s11;
	s11 =	sor.u32 s1, s0;
	s0 =	sor.u32 s4, s5  }
0x131: {  	s26 =	sor.u32 s1, s23;
	[tilespmem:s0+$0x0] =	vst v2  }
0x132: {  	v2 =	vld [tilespmem:s26+$0x0]  }
0x133: {  	v3 =	vld [tilespmem:s26+$0x80];
	_ =	sdelay $0x1  }
0x134: {  	v4 =	vld [tilespmem:s26+$0x100];
	_ =	sdelay $0x1  }
0x135: {  	v5 =	vld [tilespmem:s26+$0x180]  }
0x136: {  	v2 =	vadd.f32 v3, v2  }
0x137: {  	v6 =	vld [tilespmem:s26+$0x200]  }
0x138: {  	v2 =	vadd.f32 v4, v2  }
0x139: {  	v7 =	vld [tilespmem:s26+$0x280]  }
0x13a: {  	v2 =	vadd.f32 v5, v2  }
0x13b: {  	v8 =	vld [tilespmem:s26+$0x300]  }
0x13c: {  	v2 =	vadd.f32 v6, v2  }
0x13d: {  	v9 =	vld [tilespmem:s26+$0x380]  }
0x13e: {  	s28 =	rddreg [dreg:$0x7];
	v7 =	vadd.f32 v7, v2  }
0x13f: {  	v4 =	vld [tilespmem:s28+$0x0]  }
0x140: {  	s29 =	rddreg [dreg:$0x6];
	v7 =	vadd.f32 v8, v7  }
0x141: {  	v10 =	vld [tilespmem:s29+$0x0]  }
0x142: {  	s30 =	rddreg [dreg:$0x4];
	v7 =	vadd.f32 v9, v7  }
0x143: {  	v5 =	vld [tilespmem:s30+$0x0]  }
0x144: {  	s31 =	rddreg [dreg:$0x5];
	v4 =	vadd.f32 v4, v7  }
0x145: {  	v11 =	vld [tilespmem:s31+$0x0]  }
0x146: {  	s16 =	sor.u32 s1, s16;
	v4 =	vadd.f32 v10, v4  }
0x147: {  	v6 =	vld [tilespmem:s16+$0x0]  }
0x148: {  	s20 =	sadd.s32 $0x4, s20;
	v4 =	vadd.f32 v5, v4  }
0x149: {  	p0 =	slt.u32 s20, $0x24;
	v12 =	vld [tilespmem:s13+$0x0]  }
.Ltmp2:
0x14a: {  	v4 =	vadd.f32 v11, v4;
	(pc) =	sbr.rel @p0 .LBB2_6-.Ltmp2, $4  }
0x14b: {  	_ = 	snop  }
0x14c: {  	v4 =	vadd.f32 v6, v4  }
0x14d: {  	v3 =	vld [tilespmem:s15+$0x0]  }
0x14e: {  	s21 =	sadd.s32 $0x40, s21;
	s10 =	sor.u32 s1, s5;
	v2 =	vld [tilespmem:s11+$0x0];
	v4 =	vadd.f32 v12, v4  }
0x14f: {  	_ =	sdelay $0x2  }
0x150: {  	v3 =	vadd.f32 v3, v4;
	_ =	sdelay $0x1  }
0x151: {  	v2 =	vadd.f32 v2, v3  }
0x152: {  	s0 =	rddreg [dreg:$0x16]  }
0x153: {  	s2 =	simm.s32 $0x80;
	s1 =	simm.s32 $0x100;
	s3 =	simm.s32 $0x7780;
	[tilespmem:s10+$0x0] =	vst v2  }
0x154: {  	[hbm4b:s0+s2] =	stream.strided.scatter [tilespmem:s3], [sflag:$0x2], $0x280, s1, s2, $0x38;
	[tilespmem:$0xA200] =	vst v63  }
0x155: {  	s3 =	simm.s32 $0x2  }
0x156: {  	_ =	swait.ge [sflag:s3], $0x280  }
0x157: {  	s30 =	rddreg [dreg:$0x18]  }
0x158: {  	s31 =	rddreg [dreg:$0x17];
	s1 =	sadd.s32 $0x1, s30  }
0x159: {  	p0 =	sne.s32 s1, s31  }
.Ltmp3:
0x15a: {  	_ = 	snop;
	(pc) =	sbr.rel @p0 .LBB2_1-.Ltmp3, $3  }
0x15b: {  	_ =	sdelay $0x1  }
0x15c: {  	[sflag:s3] =	ssyncset.done $0x0  }
0x15d: {  	s8 =	simm.s32 $0x0;
	[sflag:s3] =	ssyncadd.s32 $0xFFFFFD80  }
0x15e: {  	_ =	sfence.sel $0x180000  }
0x15f: {  	[bflag:$0x0] =	sbarrier.arrive $0xFFFF  }
0x160: {  	_ =	strace $0x90000047  }
0x161: {  	s0 =	stileid.u32;
	[bflag:$0x2] =	sbarrier.arrive $0xFFFF  }
0x162: {  	p0 =	sne.s32 s0, $0x0;
	s0 =	rddreg [dreg:$0x3]  }
0x163: {  	s0 =	sadd.s32 @!p0 $0x100000, s0  }
0x164: {  	[sflag:s0] =	ssyncadd.tile.s32 @!p0 $0x1;
	_ =	shalt  }
.Lfunc_end2:
_tile_overlayer_lowered:
.L_overlay_start_2:
0x165: {  	(tag) =	ssettag $0x2  }
0x166: {  	s0 =	rddreg [dreg:$0x0];
	s2 =	stileid.u32  }
0x167: {  	s1 =	rddreg [dreg:$0x1];
	p0 =	sne.s32 s2, $0x0  }
0x168: {  	s3 =	rddreg [dreg:$0x2];
	[bflag:$0x3] =	sbarrier.arrive $0xFFFF;
	s2 =	simm.s32 @!p0 $0x1C02  }
0x169: {  	[timem:s3], [sflag:s2] =	dma.local @!p0 [hbm:s0], s1  }
0x16a: {  	s0 =	simm.s32 @!p0 $0x2  }
0x16b: {  	_ =	swait.ge @!p0 [sflag:s0], s1  }
0x16c: {  	s1 =	ssub.s32 @!p0 $0x0, s1;
	[sflag:s0] =	ssyncset.done @!p0 $0x0  }
0x16d: {  	[sflag:s0] =	ssyncadd.s32 @!p0 s1  }
0x16e: {  	[bflag:$0x3] =	sbarrier.arrive $0xFFFF  }
0x16f: {  	_ =	shalt  }

</sc_bundles>
